<compile_context>
chip_gen: v7x
topology: tpu7x:2x2x1
jax: 0.10.2.dev20260603
libtpu: 0.0.44.dev20260713+nightly
codegen_flags: <defaults>
</compile_context>

<pallas_src>
import jax
import jax.numpy as jnp
from jax import lax
from jax.experimental import pallas as pl
from jax.experimental.pallas import tpu as pltpu
from jax.experimental.pallas import tpu_sc as plsc

N = 10000
E = 320000
D = 128
H = 128

NC = 2
NS = 16
NHALF = N // NC
NPAD = NHALF + 8
CH = 128
CPT = 157
EPT = CPT * CH
EPAD = NS * EPT
RPT = 312
TAIL = NPAD - NS * RPT
ZROWS = 104
CW = 128


def _segsum_body(src_hbm, dstm_hbm, g_hbm, zero_hbm, out_hbm,
                 sidx, didx, rows, sidx2, didx2, rows2, zbuf, acc,
                 sem, sem2):
    c = lax.axis_index("c")
    s = lax.axis_index("s")
    ebase = s * EPT
    r0 = s * RPT

    pltpu.sync_copy(zero_hbm, zbuf)
    for t in range(RPT // ZROWS):
        pltpu.sync_copy(zbuf, acc.at[pl.ds(r0 + t * ZROWS, ZROWS)])

    @pl.when(s == 0)
    def _():
        pltpu.sync_copy(zbuf.at[pl.ds(0, TAIL)], acc.at[pl.ds(NS * RPT, TAIL)])

    plsc.subcore_barrier()

    def load(j, sid, did):
        base = ebase + j * CH
        pltpu.sync_copy(src_hbm.at[pl.ds(base, CH)], sid)
        pltpu.sync_copy(dstm_hbm.at[c, pl.ds(base, CH)], did.at[0])

    load(0, sidx, didx)
    pltpu.async_copy(g_hbm.at[sidx], rows, sem)

    @pl.loop(0, (CPT - 1) // 2)
    def step(p):
        j = 2 * p
        load(j + 1, sidx2, didx2)
        pltpu.async_copy(g_hbm.at[sidx2], rows2, sem2)
        pltpu.make_async_copy(g_hbm.at[sidx], rows, sem).wait()
        pltpu.sync_copy(rows, acc.at[didx.at[0]], add=True)
        load(j + 2, sidx, didx)
        pltpu.async_copy(g_hbm.at[sidx], rows, sem)
        pltpu.make_async_copy(g_hbm.at[sidx2], rows2, sem2).wait()
        pltpu.sync_copy(rows2, acc.at[didx2.at[0]], add=True)

    pltpu.make_async_copy(g_hbm.at[sidx], rows, sem).wait()
    pltpu.sync_copy(rows, acc.at[didx.at[0]], add=True)

    plsc.subcore_barrier()

    pltpu.sync_copy(acc.at[pl.ds(r0, RPT)], out_hbm.at[c, pl.ds(r0, RPT)])

    @pl.when(s == 0)
    def _():
        pltpu.sync_copy(acc.at[pl.ds(NS * RPT, TAIL)],
                        out_hbm.at[c, pl.ds(NS * RPT, TAIL)])


def _make_segsum():
    mesh = plsc.VectorSubcoreMesh(core_axis_name="c", subcore_axis_name="s")
    scratch = [
        pltpu.VMEM((CH,), jnp.int32),
        pltpu.VMEM((1, CH), jnp.int32),
        pltpu.VMEM((CH, H), jnp.float32),
        pltpu.VMEM((CH,), jnp.int32),
        pltpu.VMEM((1, CH), jnp.int32),
        pltpu.VMEM((CH, H), jnp.float32),
        pltpu.VMEM((ZROWS, H), jnp.float32),
        pltpu.VMEM_SHARED((NPAD, H), jnp.float32),
        pltpu.SemaphoreType.DMA,
        pltpu.SemaphoreType.DMA,
    ]
    return pl.kernel(
        _segsum_body,
        out_type=jax.ShapeDtypeStruct((NC, NPAD, H), jnp.float32),
        mesh=mesh,
        scratch_types=scratch,
    )


def _counts_body(dstm_hbm, zcnt_hbm, ones_hbm, cnt_hbm,
                 didx, ones, zcnt, cntacc):
    c = lax.axis_index("c")
    s = lax.axis_index("s")
    ebase = s * EPT
    r0 = s * RPT

    pltpu.sync_copy(zcnt_hbm, zcnt)
    pltpu.sync_copy(ones_hbm, ones)
    pltpu.sync_copy(zcnt, cntacc.at[pl.ds(r0, RPT)])

    @pl.when(s == 0)
    def _():
        pltpu.sync_copy(zcnt.at[pl.ds(0, TAIL)],
                        cntacc.at[pl.ds(NS * RPT, TAIL)])

    plsc.subcore_barrier()

    @pl.loop(0, CPT)
    def step(j):
        base = ebase + j * CH
        pltpu.sync_copy(dstm_hbm.at[c, pl.ds(base, CH)], didx.at[0])
        pltpu.sync_copy(ones, cntacc.at[didx.at[0]], add=True)

    plsc.subcore_barrier()

    pltpu.sync_copy(cntacc.at[pl.ds(r0, RPT)], cnt_hbm.at[c, pl.ds(r0, RPT)])

    @pl.when(s == 0)
    def _():
        pltpu.sync_copy(cntacc.at[pl.ds(NS * RPT, TAIL)],
                        cnt_hbm.at[c, pl.ds(NS * RPT, TAIL)])


def _make_counts():
    mesh = plsc.VectorSubcoreMesh(core_axis_name="c", subcore_axis_name="s")
    scratch = [
        pltpu.VMEM((1, CH), jnp.int32),
        pltpu.VMEM((CH, CW), jnp.float32),
        pltpu.VMEM((RPT, CW), jnp.float32),
        pltpu.VMEM_SHARED((NPAD, CW), jnp.float32),
    ]
    return pl.kernel(
        _counts_body,
        out_type=jax.ShapeDtypeStruct((NC, NPAD, CW), jnp.float32),
        mesh=mesh,
        scratch_types=scratch,
    )


_segsum = _make_segsum()
_counts = _make_counts()



BN = 1000
GRID = N // BN


def _mm_body(h_ref, w_ref, b_ref, g_ref, r_ref):
    res = (
        jnp.dot(h_ref[...], w_ref[...], preferred_element_type=jnp.float32)
        + b_ref[...]
    )
    g_ref[...] = res[:, :H]
    r_ref[...] = res[:, H:]


def _mm(h, w, b):
    return pl.pallas_call(
        _mm_body,
        grid=(GRID,),
        in_specs=[
            pl.BlockSpec((BN, H), lambda i: (i, 0)),
            pl.BlockSpec((H, 2 * H), lambda i: (0, 0)),
            pl.BlockSpec((1, 2 * H), lambda i: (0, 0)),
        ],
        out_specs=[
            pl.BlockSpec((BN, H), lambda i: (i, 0)),
            pl.BlockSpec((BN, H), lambda i: (i, 0)),
        ],
        out_shape=[
            jax.ShapeDtypeStruct((N, H), jnp.float32),
            jax.ShapeDtypeStruct((N, H), jnp.float32),
        ],
    )(h, w, b)


def _layer_body(acc_ref, cnt_ref, r_ref, w_ref, b_ref, g_ref, r2_ref):
    cnt = cnt_ref[:, 0:1]
    mean = acc_ref[...] / jnp.maximum(cnt, 1.0)
    h = jnp.maximum(mean + r_ref[...], 0.0)
    res = (
        jnp.dot(h, w_ref[...], preferred_element_type=jnp.float32) + b_ref[...]
    )
    g_ref[...] = res[:, :H]
    r2_ref[...] = res[:, H:]


def _layer(acc, cnt, r, w, b):
    return pl.pallas_call(
        _layer_body,
        grid=(GRID,),
        in_specs=[
            pl.BlockSpec((BN, H), lambda i: (i, 0)),
            pl.BlockSpec((BN, CW), lambda i: (i, 0)),
            pl.BlockSpec((BN, H), lambda i: (i, 0)),
            pl.BlockSpec((H, 2 * H), lambda i: (0, 0)),
            pl.BlockSpec((1, 2 * H), lambda i: (0, 0)),
        ],
        out_specs=[
            pl.BlockSpec((BN, H), lambda i: (i, 0)),
            pl.BlockSpec((BN, H), lambda i: (i, 0)),
        ],
        out_shape=[
            jax.ShapeDtypeStruct((N, H), jnp.float32),
            jax.ShapeDtypeStruct((N, H), jnp.float32),
        ],
    )(acc, cnt, r, w, b)


def _final_body(acc_ref, cnt_ref, r_ref, out_ref):
    @pl.when(pl.program_id(0) == 0)
    def _():
        out_ref[...] = jnp.zeros_like(out_ref)

    cnt = cnt_ref[:, 0:1]
    val = acc_ref[...] / jnp.maximum(cnt, 1.0) + r_ref[...]
    out_ref[...] += jnp.sum(val, axis=0, keepdims=True) * (1.0 / N)


def _final(acc, cnt, r):
    return pl.pallas_call(
        _final_body,
        grid=(GRID,),
        in_specs=[
            pl.BlockSpec((BN, H), lambda i: (i, 0)),
            pl.BlockSpec((BN, CW), lambda i: (i, 0)),
            pl.BlockSpec((BN, H), lambda i: (i, 0)),
        ],
        out_specs=pl.BlockSpec((1, H), lambda i: (0, 0)),
        out_shape=jax.ShapeDtypeStruct((1, H), jnp.float32),
    )(acc, cnt, r)


def _merge(parts):
    return jnp.concatenate([parts[0, :NHALF], parts[1, :NHALF]], axis=0)


@jax.jit
def kernel(x, edge_index, Wl0, bl0, Wr0, Wl1, bl1, Wr1, Wl2, bl2, Wr2):
    pad = EPAD - E
    src = jnp.concatenate([edge_index[0], jnp.zeros((pad,), jnp.int32)])
    dst = jnp.concatenate([edge_index[1], jnp.full((pad,), N, jnp.int32)])
    halves = []
    for c in range(NC):
        d = dst - c * NHALF
        halves.append(jnp.where((d < 0) | (d >= NHALF), NHALF, d))
    dstm = jnp.stack(halves)

    zero_seg = jnp.zeros((ZROWS, H), jnp.float32)
    zero_cnt = jnp.zeros((RPT, CW), jnp.float32)
    ones_rows = jnp.ones((CH, CW), jnp.float32)

    z = jnp.zeros((H,), jnp.float32)
    w0 = jnp.concatenate([Wl0.T, Wr0.T], axis=1)
    b0 = jnp.concatenate([z, bl0])[None, :]
    w1 = jnp.concatenate([Wl1.T, Wr1.T], axis=1)
    b1 = jnp.concatenate([z, bl1])[None, :]
    w2 = jnp.concatenate([Wl2.T, Wr2.T], axis=1)
    b2 = jnp.concatenate([z, bl2])[None, :]

    cnt = _merge(_counts(dstm, zero_cnt, ones_rows))
    g0, r0 = _mm(x, w0, b0)
    acc0 = _merge(_segsum(src, dstm, g0, zero_seg))
    g1, r1 = _layer(acc0, cnt, r0, w1, b1)
    acc1 = _merge(_segsum(src, dstm, g1, zero_seg))
    g2, r2 = _layer(acc1, cnt, r1, w2, b2)
    acc2 = _merge(_segsum(src, dstm, g2, zero_seg))
    return _final(acc2, cnt, r2)

# --- scband reference (transcript-rebuilt; emitter-appended) ---
"""Pipeline reference for scband-graph-encoder-335007449146 (READ-ONLY COPY).

The authoritative reference and input builder live on the scoring server;
editing this copy changes nothing except your own understanding.
"""

import jax, jax.numpy as jnp
import numpy as np

N = 10000
E = 320000
D = 128
H = 128


def setup_inputs(seed: int = 0) -> dict:
    key = jax.random.key(seed)
    ks = jax.random.split(key, 12)
    x = jax.random.normal(ks[0], (N, D), dtype=jnp.float32)
    edge_index = jax.random.randint(ks[1], (2, E), 0, N, dtype=jnp.int32)
    # SAGEConv params per layer: lin_l (neighbor path, with bias), lin_r (root path, no bias)
    def lin(k, fan_in, fan_out):
        return jax.random.normal(k, (fan_out, fan_in), dtype=jnp.float32) * (1.0 / np.sqrt(fan_in))
    Wl0 = lin(ks[2], D, H); bl0 = jnp.zeros((H,), dtype=jnp.float32); Wr0 = lin(ks[3], D, H)
    Wl1 = lin(ks[4], H, H); bl1 = jnp.zeros((H,), dtype=jnp.float32); Wr1 = lin(ks[5], H, H)
    Wl2 = lin(ks[6], H, H); bl2 = jnp.zeros((H,), dtype=jnp.float32); Wr2 = lin(ks[7], H, H)
    return {"x": x, "edge_index": edge_index,
            "Wl0": Wl0, "bl0": bl0, "Wr0": Wr0,
            "Wl1": Wl1, "bl1": bl1, "Wr1": Wr1,
            "Wl2": Wl2, "bl2": bl2, "Wr2": Wr2}


def _sage_conv(h, edge_index, Wl, bl, Wr):
    # PyG SAGEConv with mean aggregation:
    # out = lin_l(mean_{j in N(i)} x_j) + lin_r(x_i)
    src = edge_index[0]
    dst = edge_index[1]
    msgs = h[src]
    agg = jax.ops.segment_sum(msgs, dst, num_segments=N)
    cnt = jax.ops.segment_sum(jnp.ones((edge_index.shape[1],), dtype=h.dtype), dst, num_segments=N)
    mean = agg / jnp.clip(cnt, 1.0)[:, None]
    return mean @ Wl.T + bl + h @ Wr.T


def reference(x, edge_index, Wl0, bl0, Wr0, Wl1, bl1, Wr1, Wl2, bl2, Wr2):
    h = _sage_conv(x, edge_index, Wl0, bl0, Wr0)
    h = jax.nn.relu(h)  # dropout is identity in eval mode
    h = _sage_conv(h, edge_index, Wl1, bl1, Wr1)
    h = jax.nn.relu(h)
    h = _sage_conv(h, edge_index, Wl2, bl2, Wr2)
    # batch is None -> global mean over nodes
    return jnp.mean(h, axis=0, keepdims=True)

if __name__ == "__main__":
    import jax
    _d = setup_inputs()
    print(jax.jit(kernel)(*tuple(_d.values())))

</pallas_src>

<mosaic_0001>
#map = affine_map<(d0, d1) -> (0)>
#map1 = affine_map<(d0, d1) -> (0, 0)>
#map2 = affine_map<(d0, d1) -> (0, 0, 0)>
module attributes {stable_mosaic.version = 14 : i64} {
  func.func @_segsum_body(%arg0: i32, %arg1: i32, %arg2: memref<321536xi32, #tpu.memory_space<hbm>>, %arg3: memref<2x321536xi32, #tpu.memory_space<hbm>>, %arg4: memref<10000x128xf32, #tpu.memory_space<hbm>>, %arg5: memref<104x128xf32, #tpu.memory_space<hbm>>, %arg6: memref<2x5008x128xf32, #tpu.memory_space<hbm>>, %arg7: memref<128xi32, #tpu.memory_space<vmem>>, %arg8: memref<1x128xi32, #tpu.memory_space<vmem>>, %arg9: memref<128x128xf32, #tpu.memory_space<vmem>>, %arg10: memref<128xi32, #tpu.memory_space<vmem>>, %arg11: memref<1x128xi32, #tpu.memory_space<vmem>>, %arg12: memref<128x128xf32, #tpu.memory_space<vmem>>, %arg13: memref<104x128xf32, #tpu.memory_space<vmem>>, %arg14: memref<5008x128xf32, #tpu.memory_space<vmem_shared>>, %arg15: memref<!tpu.dma_semaphore, #tpu.memory_space<semaphore_mem>>, %arg16: memref<!tpu.dma_semaphore, #tpu.memory_space<semaphore_mem>>) attributes {dimension_semantics = [#tpu.dimension_semantics<core_parallel>, #tpu.dimension_semantics<subcore_parallel>], iteration_bounds = array<i64: 2, 16>, scalar_prefetch = 0 : i64, scratch_operands = 10 : i64, tpu.core_type = #tpu.core_type<sc_vector_subcore>, window_params = [{transform_indices = #map}, {transform_indices = #map1}, {transform_indices = #map1}, {transform_indices = #map1}, {transform_indices = #map2}]} {
    %mul3A = arith.constant 20096 : i32
    %mul3A_0 = arith.muli %arg1, %mul3A : i32
    %mul3A_1 = arith.constant 312 : i32
    %mul3A_2 = arith.muli %arg1, %mul3A_1 : i32
    "tpu.region"() ({
      %run_scoped3A_27 = tpu.sem_alloc : memref<!tpu.dma_semaphore, #tpu.memory_space<semaphore_mem>>
      tpu.enqueue_dma source(%arg5 : memref<104x128xf32, #tpu.memory_space<hbm>>) target(%arg13 : memref<104x128xf32, #tpu.memory_space<vmem>>) target_semaphore(%run_scoped3A_27 : memref<!tpu.dma_semaphore, #tpu.memory_space<semaphore_mem>>)
      tpu.wait_dma2 semaphore(%run_scoped3A_27 : memref<!tpu.dma_semaphore, #tpu.memory_space<semaphore_mem>>) src(%arg5 : memref<104x128xf32, #tpu.memory_space<hbm>>) dst(%arg13 : memref<104x128xf32, #tpu.memory_space<vmem>>)
      tpu.yield
    }) : () -> ()
    %add3A = arith.constant 0 : i32
    %add3A_3 = arith.addi %mul3A_2, %add3A : i32
    "tpu.region"() ({
      %run_scoped3A_27 = tpu.sem_alloc : memref<!tpu.dma_semaphore, #tpu.memory_space<semaphore_mem>>
      %dma_start3A_28 = arith.constant 0 : i32
      %dma_start3A_29 = tpu.memref_slice %arg14[%add3A_3, %dma_start3A_28] : memref<5008x128xf32, #tpu.memory_space<vmem_shared>> -> memref<104x128xf32, #tpu.memory_space<vmem_shared>>
      %dma_start3A_30 = arith.constant 0 : i32
      %dma_start3A_31 = tpu.memref_slice %arg14[%add3A_3, %dma_start3A_30] : memref<5008x128xf32, #tpu.memory_space<vmem_shared>> -> memref<104x128xf32, #tpu.memory_space<vmem_shared>>
      tpu.enqueue_dma source(%arg13 : memref<104x128xf32, #tpu.memory_space<vmem>>) target(%dma_start3A_31 : memref<104x128xf32, #tpu.memory_space<vmem_shared>>) target_semaphore(%run_scoped3A_27 : memref<!tpu.dma_semaphore, #tpu.memory_space<semaphore_mem>>)
      %dma_wait3A_32 = arith.constant 0 : i32
      %dma_wait3A_33 = tpu.memref_slice %arg14[%add3A_3, %dma_wait3A_32] : memref<5008x128xf32, #tpu.memory_space<vmem_shared>> -> memref<104x128xf32, #tpu.memory_space<vmem_shared>>
      %dma_wait3A_34 = arith.constant 0 : i32
      %dma_wait3A_35 = tpu.memref_slice %arg14[%add3A_3, %dma_wait3A_34] : memref<5008x128xf32, #tpu.memory_space<vmem_shared>> -> memref<104x128xf32, #tpu.memory_space<vmem_shared>>
      tpu.wait_dma2 semaphore(%run_scoped3A_27 : memref<!tpu.dma_semaphore, #tpu.memory_space<semaphore_mem>>) src(%arg13 : memref<104x128xf32, #tpu.memory_space<vmem>>) dst(%dma_wait3A_35 : memref<104x128xf32, #tpu.memory_space<vmem_shared>>)
      tpu.yield
    }) : () -> ()
    %add3A_4 = arith.constant 104 : i32
    %add3A_5 = arith.addi %mul3A_2, %add3A_4 : i32
    "tpu.region"() ({
      %run_scoped3A_27 = tpu.sem_alloc : memref<!tpu.dma_semaphore, #tpu.memory_space<semaphore_mem>>
      %dma_start3A_28 = arith.constant 0 : i32
      %dma_start3A_29 = tpu.memref_slice %arg14[%add3A_5, %dma_start3A_28] : memref<5008x128xf32, #tpu.memory_space<vmem_shared>> -> memref<104x128xf32, #tpu.memory_space<vmem_shared>>
      %dma_start3A_30 = arith.constant 0 : i32
      %dma_start3A_31 = tpu.memref_slice %arg14[%add3A_5, %dma_start3A_30] : memref<5008x128xf32, #tpu.memory_space<vmem_shared>> -> memref<104x128xf32, #tpu.memory_space<vmem_shared>>
      tpu.enqueue_dma source(%arg13 : memref<104x128xf32, #tpu.memory_space<vmem>>) target(%dma_start3A_31 : memref<104x128xf32, #tpu.memory_space<vmem_shared>>) target_semaphore(%run_scoped3A_27 : memref<!tpu.dma_semaphore, #tpu.memory_space<semaphore_mem>>)
      %dma_wait3A_32 = arith.constant 0 : i32
      %dma_wait3A_33 = tpu.memref_slice %arg14[%add3A_5, %dma_wait3A_32] : memref<5008x128xf32, #tpu.memory_space<vmem_shared>> -> memref<104x128xf32, #tpu.memory_space<vmem_shared>>
      %dma_wait3A_34 = arith.constant 0 : i32
      %dma_wait3A_35 = tpu.memref_slice %arg14[%add3A_5, %dma_wait3A_34] : memref<5008x128xf32, #tpu.memory_space<vmem_shared>> -> memref<104x128xf32, #tpu.memory_space<vmem_shared>>
      tpu.wait_dma2 semaphore(%run_scoped3A_27 : memref<!tpu.dma_semaphore, #tpu.memory_space<semaphore_mem>>) src(%arg13 : memref<104x128xf32, #tpu.memory_space<vmem>>) dst(%dma_wait3A_35 : memref<104x128xf32, #tpu.memory_space<vmem_shared>>)
      tpu.yield
    }) : () -> ()
    %add3A_6 = arith.constant 208 : i32
    %add3A_7 = arith.addi %mul3A_2, %add3A_6 : i32
    "tpu.region"() ({
      %run_scoped3A_27 = tpu.sem_alloc : memref<!tpu.dma_semaphore, #tpu.memory_space<semaphore_mem>>
      %dma_start3A_28 = arith.constant 0 : i32
      %dma_start3A_29 = tpu.memref_slice %arg14[%add3A_7, %dma_start3A_28] : memref<5008x128xf32, #tpu.memory_space<vmem_shared>> -> memref<104x128xf32, #tpu.memory_space<vmem_shared>>
      %dma_start3A_30 = arith.constant 0 : i32
      %dma_start3A_31 = tpu.memref_slice %arg14[%add3A_7, %dma_start3A_30] : memref<5008x128xf32, #tpu.memory_space<vmem_shared>> -> memref<104x128xf32, #tpu.memory_space<vmem_shared>>
      tpu.enqueue_dma source(%arg13 : memref<104x128xf32, #tpu.memory_space<vmem>>) target(%dma_start3A_31 : memref<104x128xf32, #tpu.memory_space<vmem_shared>>) target_semaphore(%run_scoped3A_27 : memref<!tpu.dma_semaphore, #tpu.memory_space<semaphore_mem>>)
      %dma_wait3A_32 = arith.constant 0 : i32
      %dma_wait3A_33 = tpu.memref_slice %arg14[%add3A_7, %dma_wait3A_32] : memref<5008x128xf32, #tpu.memory_space<vmem_shared>> -> memref<104x128xf32, #tpu.memory_space<vmem_shared>>
      %dma_wait3A_34 = arith.constant 0 : i32
      %dma_wait3A_35 = tpu.memref_slice %arg14[%add3A_7, %dma_wait3A_34] : memref<5008x128xf32, #tpu.memory_space<vmem_shared>> -> memref<104x128xf32, #tpu.memory_space<vmem_shared>>
      tpu.wait_dma2 semaphore(%run_scoped3A_27 : memref<!tpu.dma_semaphore, #tpu.memory_space<semaphore_mem>>) src(%arg13 : memref<104x128xf32, #tpu.memory_space<vmem>>) dst(%dma_wait3A_35 : memref<104x128xf32, #tpu.memory_space<vmem_shared>>)
      tpu.yield
    }) : () -> ()
    %eq3A = arith.constant 0 : i32
    %eq3A_8 = arith.cmpi eq, %arg1, %eq3A : i32
    %convert_element_type3A = arith.extui %eq3A_8 : i1 to i32
    %cond3A = arith.constant 0 : i32
    %cond3A_9 = arith.cmpi ne, %convert_element_type3A, %cond3A : i32
    scf.if %cond3A_9 {
      "tpu.region"() ({
        %run_scoped3A_27 = tpu.sem_alloc : memref<!tpu.dma_semaphore, #tpu.memory_space<semaphore_mem>>
        %dma_start3A_28 = arith.constant 0 : i32
        %dma_start3A_29 = arith.constant 0 : i32
        %dma_start3A_30 = tpu.memref_slice %arg13[%dma_start3A_28, %dma_start3A_29] : memref<104x128xf32, #tpu.memory_space<vmem>> -> memref<16x128xf32, #tpu.memory_space<vmem>>
        %dma_start3A_31 = arith.constant 4992 : i32
        %dma_start3A_32 = arith.constant 0 : i32
        %dma_start3A_33 = tpu.memref_slice %arg14[%dma_start3A_31, %dma_start3A_32] : memref<5008x128xf32, #tpu.memory_space<vmem_shared>> -> memref<16x128xf32, #tpu.memory_space<vmem_shared>>
        %dma_start3A_34 = arith.constant 4992 : i32
        %dma_start3A_35 = arith.constant 0 : i32
        %dma_start3A_36 = tpu.memref_slice %arg14[%dma_start3A_34, %dma_start3A_35] : memref<5008x128xf32, #tpu.memory_space<vmem_shared>> -> memref<16x128xf32, #tpu.memory_space<vmem_shared>>
        %dma_start3A_37 = arith.constant 0 : i32
        %dma_start3A_38 = arith.constant 0 : i32
        %dma_start3A_39 = tpu.memref_slice %arg13[%dma_start3A_37, %dma_start3A_38] : memref<104x128xf32, #tpu.memory_space<vmem>> -> memref<16x128xf32, #tpu.memory_space<vmem>>
        tpu.enqueue_dma source(%dma_start3A_39 : memref<16x128xf32, #tpu.memory_space<vmem>>) target(%dma_start3A_36 : memref<16x128xf32, #tpu.memory_space<vmem_shared>>) target_semaphore(%run_scoped3A_27 : memref<!tpu.dma_semaphore, #tpu.memory_space<semaphore_mem>>)
        %dma_wait3A_40 = arith.constant 0 : i32
        %dma_wait3A_41 = arith.constant 0 : i32
        %dma_wait3A_42 = tpu.memref_slice %arg13[%dma_wait3A_40, %dma_wait3A_41] : memref<104x128xf32, #tpu.memory_space<vmem>> -> memref<16x128xf32, #tpu.memory_space<vmem>>
        %dma_wait3A_43 = arith.constant 4992 : i32
        %dma_wait3A_44 = arith.constant 0 : i32
        %dma_wait3A_45 = tpu.memref_slice %arg14[%dma_wait3A_43, %dma_wait3A_44] : memref<5008x128xf32, #tpu.memory_space<vmem_shared>> -> memref<16x128xf32, #tpu.memory_space<vmem_shared>>
        %dma_wait3A_46 = arith.constant 4992 : i32
        %dma_wait3A_47 = arith.constant 0 : i32
        %dma_wait3A_48 = tpu.memref_slice %arg14[%dma_wait3A_46, %dma_wait3A_47] : memref<5008x128xf32, #tpu.memory_space<vmem_shared>> -> memref<16x128xf32, #tpu.memory_space<vmem_shared>>
        %dma_wait3A_49 = arith.constant 0 : i32
        %dma_wait3A_50 = arith.constant 0 : i32
        %dma_wait3A_51 = tpu.memref_slice %arg13[%dma_wait3A_49, %dma_wait3A_50] : memref<104x128xf32, #tpu.memory_space<vmem>> -> memref<16x128xf32, #tpu.memory_space<vmem>>
        tpu.wait_dma2 semaphore(%run_scoped3A_27 : memref<!tpu.dma_semaphore, #tpu.memory_space<semaphore_mem>>) src(%dma_wait3A_51 : memref<16x128xf32, #tpu.memory_space<vmem>>) dst(%dma_wait3A_48 : memref<16x128xf32, #tpu.memory_space<vmem_shared>>)
        tpu.yield
      }) : () -> ()
    } else {
    }
    %barrier3A = arith.constant 0 : index
    tpu.barrier barrier_id(%barrier3A)
    %add3A_10 = arith.constant 0 : i32
    %add3A_11 = arith.addi %mul3A_0, %add3A_10 : i32
    "tpu.region"() ({
      %run_scoped3A_27 = tpu.sem_alloc : memref<!tpu.dma_semaphore, #tpu.memory_space<semaphore_mem>>
      %dma_start3A_28 = tpu.memref_slice %arg2[%add3A_11] : memref<321536xi32, #tpu.memory_space<hbm>> -> memref<128xi32, #tpu.memory_space<hbm>>
      %dma_start3A_29 = tpu.memref_slice %arg2[%add3A_11] : memref<321536xi32, #tpu.memory_space<hbm>> -> memref<128xi32, #tpu.memory_space<hbm>>
      tpu.enqueue_dma source(%dma_start3A_29 : memref<128xi32, #tpu.memory_space<hbm>>) target(%arg7 : memref<128xi32, #tpu.memory_space<vmem>>) target_semaphore(%run_scoped3A_27 : memref<!tpu.dma_semaphore, #tpu.memory_space<semaphore_mem>>)
      %dma_wait3A_30 = tpu.memref_slice %arg2[%add3A_11] : memref<321536xi32, #tpu.memory_space<hbm>> -> memref<128xi32, #tpu.memory_space<hbm>>
      %dma_wait3A_31 = tpu.memref_slice %arg2[%add3A_11] : memref<321536xi32, #tpu.memory_space<hbm>> -> memref<128xi32, #tpu.memory_space<hbm>>
      tpu.wait_dma2 semaphore(%run_scoped3A_27 : memref<!tpu.dma_semaphore, #tpu.memory_space<semaphore_mem>>) src(%dma_wait3A_31 : memref<128xi32, #tpu.memory_space<hbm>>) dst(%arg7 : memref<128xi32, #tpu.memory_space<vmem>>)
      tpu.yield
    }) : () -> ()
    %run_scoped3A = arith.constant 0 : i32
    "tpu.region"() ({
      %run_scoped3A_27 = tpu.sem_alloc : memref<!tpu.dma_semaphore, #tpu.memory_space<semaphore_mem>>
      %dma_start3A_28 = arith.constant 0 : i32
      %dma_start3A_29 = tpu.memref_slice %arg8[%run_scoped3A, %dma_start3A_28] : memref<1x128xi32, #tpu.memory_space<vmem>> -> memref<1x128xi32, #tpu.memory_space<vmem>>
      %dma_start3A_30 = tpu.memref_squeeze %dma_start3A_29 : memref<1x128xi32, #tpu.memory_space<vmem>> -> memref<128xi32, #tpu.memory_space<vmem>>
      %dma_start3A_31 = tpu.memref_slice %arg3[%arg0, %add3A_11] : memref<2x321536xi32, #tpu.memory_space<hbm>> -> memref<1x128xi32, #tpu.memory_space<hbm>>
      %dma_start3A_32 = tpu.memref_squeeze %dma_start3A_31 : memref<1x128xi32, #tpu.memory_space<hbm>> -> memref<128xi32, #tpu.memory_space<hbm>>
      %dma_start3A_33 = arith.constant 0 : i32
      %dma_start3A_34 = tpu.memref_slice %arg8[%run_scoped3A, %dma_start3A_33] : memref<1x128xi32, #tpu.memory_space<vmem>> -> memref<1x128xi32, #tpu.memory_space<vmem>>
      %dma_start3A_35 = tpu.memref_squeeze %dma_start3A_34 : memref<1x128xi32, #tpu.memory_space<vmem>> -> memref<128xi32, #tpu.memory_space<vmem>>
      %dma_start3A_36 = tpu.memref_slice %arg3[%arg0, %add3A_11] : memref<2x321536xi32, #tpu.memory_space<hbm>> -> memref<1x128xi32, #tpu.memory_space<hbm>>
      %dma_start3A_37 = tpu.memref_squeeze %dma_start3A_36 : memref<1x128xi32, #tpu.memory_space<hbm>> -> memref<128xi32, #tpu.memory_space<hbm>>
      tpu.enqueue_dma source(%dma_start3A_37 : memref<128xi32, #tpu.memory_space<hbm>>) target(%dma_start3A_35 : memref<128xi32, #tpu.memory_space<vmem>>) target_semaphore(%run_scoped3A_27 : memref<!tpu.dma_semaphore, #tpu.memory_space<semaphore_mem>>)
      %dma_wait3A_38 = arith.constant 0 : i32
      %dma_wait3A_39 = tpu.memref_slice %arg8[%run_scoped3A, %dma_wait3A_38] : memref<1x128xi32, #tpu.memory_space<vmem>> -> memref<1x128xi32, #tpu.memory_space<vmem>>
      %dma_wait3A_40 = tpu.memref_squeeze %dma_wait3A_39 : memref<1x128xi32, #tpu.memory_space<vmem>> -> memref<128xi32, #tpu.memory_space<vmem>>
      %dma_wait3A_41 = tpu.memref_slice %arg3[%arg0, %add3A_11] : memref<2x321536xi32, #tpu.memory_space<hbm>> -> memref<1x128xi32, #tpu.memory_space<hbm>>
      %dma_wait3A_42 = tpu.memref_squeeze %dma_wait3A_41 : memref<1x128xi32, #tpu.memory_space<hbm>> -> memref<128xi32, #tpu.memory_space<hbm>>
      %dma_wait3A_43 = arith.constant 0 : i32
      %dma_wait3A_44 = tpu.memref_slice %arg8[%run_scoped3A, %dma_wait3A_43] : memref<1x128xi32, #tpu.memory_space<vmem>> -> memref<1x128xi32, #tpu.memory_space<vmem>>
      %dma_wait3A_45 = tpu.memref_squeeze %dma_wait3A_44 : memref<1x128xi32, #tpu.memory_space<vmem>> -> memref<128xi32, #tpu.memory_space<vmem>>
      %dma_wait3A_46 = tpu.memref_slice %arg3[%arg0, %add3A_11] : memref<2x321536xi32, #tpu.memory_space<hbm>> -> memref<1x128xi32, #tpu.memory_space<hbm>>
      %dma_wait3A_47 = tpu.memref_squeeze %dma_wait3A_46 : memref<1x128xi32, #tpu.memory_space<hbm>> -> memref<128xi32, #tpu.memory_space<hbm>>
      tpu.wait_dma2 semaphore(%run_scoped3A_27 : memref<!tpu.dma_semaphore, #tpu.memory_space<semaphore_mem>>) src(%dma_wait3A_47 : memref<128xi32, #tpu.memory_space<hbm>>) dst(%dma_wait3A_45 : memref<128xi32, #tpu.memory_space<vmem>>)
      tpu.yield
    }) : () -> ()
    %dma_start3A = arith.constant 0 : i32
    %dma_start3A_12 = arith.constant 0 : i32
    %dma_start3A_13 = tpu.memref_slice %arg4[%dma_start3A, %dma_start3A_12] : memref<10000x128xf32, #tpu.memory_space<hbm>> -> memref<10000x128xf32, #tpu.memory_space<hbm>>
    tpu.enqueue_indirect_dma source(%dma_start3A_13 : memref<10000x128xf32, #tpu.memory_space<hbm>>) target(%arg9 : memref<128x128xf32, #tpu.memory_space<vmem>>) offsets(%arg7 : memref<128xi32, #tpu.memory_space<vmem>>) semaphore(%arg15 : memref<!tpu.dma_semaphore, #tpu.memory_space<semaphore_mem>>)
    %scan3A = arith.constant 0 : i32
    %scan3A_14 = arith.constant 78 : i32
    %scan3A_15 = arith.addi %scan3A, %scan3A_14 : i32
    %scan3A_16 = arith.constant 1 : i32
    scf.for %scan3A_27 = %scan3A to %scan3A_15 step %scan3A_16  : i32 {
      %mul3A_28 = arith.constant 1 : i32
      %mul3A_29 = arith.muli %scan3A_27, %mul3A_28 : i32
      %add3A_30 = arith.constant 0 : i32
      %add3A_31 = arith.addi %add3A_30, %mul3A_29 : i32
      %mul3A_32 = arith.constant 2 : i32
      %mul3A_33 = arith.muli %mul3A_32, %add3A_31 : i32
      %add3A_34 = arith.constant 1 : i32
      %add3A_35 = arith.addi %mul3A_33, %add3A_34 : i32
      %mul3A_36 = arith.constant 128 : i32
      %mul3A_37 = arith.muli %add3A_35, %mul3A_36 : i32
      %add3A_38 = arith.addi %mul3A_0, %mul3A_37 : i32
      "tpu.region"() ({
        %run_scoped3A_60 = tpu.sem_alloc : memref<!tpu.dma_semaphore, #tpu.memory_space<semaphore_mem>>
        %dma_start3A_61 = tpu.memref_slice %arg2[%add3A_38] : memref<321536xi32, #tpu.memory_space<hbm>> -> memref<128xi32, #tpu.memory_space<hbm>>
        %dma_start3A_62 = tpu.memref_slice %arg2[%add3A_38] : memref<321536xi32, #tpu.memory_space<hbm>> -> memref<128xi32, #tpu.memory_space<hbm>>
        tpu.enqueue_dma source(%dma_start3A_62 : memref<128xi32, #tpu.memory_space<hbm>>) target(%arg10 : memref<128xi32, #tpu.memory_space<vmem>>) target_semaphore(%run_scoped3A_60 : memref<!tpu.dma_semaphore, #tpu.memory_space<semaphore_mem>>)
        %dma_wait3A_63 = tpu.memref_slice %arg2[%add3A_38] : memref<321536xi32, #tpu.memory_space<hbm>> -> memref<128xi32, #tpu.memory_space<hbm>>
        %dma_wait3A_64 = tpu.memref_slice %arg2[%add3A_38] : memref<321536xi32, #tpu.memory_space<hbm>> -> memref<128xi32, #tpu.memory_space<hbm>>
        tpu.wait_dma2 semaphore(%run_scoped3A_60 : memref<!tpu.dma_semaphore, #tpu.memory_space<semaphore_mem>>) src(%dma_wait3A_64 : memref<128xi32, #tpu.memory_space<hbm>>) dst(%arg10 : memref<128xi32, #tpu.memory_space<vmem>>)
        tpu.yield
      }) : () -> ()
      %run_scoped3A_39 = arith.constant 0 : i32
      "tpu.region"() ({
        %run_scoped3A_60 = tpu.sem_alloc : memref<!tpu.dma_semaphore, #tpu.memory_space<semaphore_mem>>
        %dma_start3A_61 = arith.constant 0 : i32
        %dma_start3A_62 = tpu.memref_slice %arg11[%run_scoped3A_39, %dma_start3A_61] : memref<1x128xi32, #tpu.memory_space<vmem>> -> memref<1x128xi32, #tpu.memory_space<vmem>>
        %dma_start3A_63 = tpu.memref_squeeze %dma_start3A_62 : memref<1x128xi32, #tpu.memory_space<vmem>> -> memref<128xi32, #tpu.memory_space<vmem>>
        %dma_start3A_64 = tpu.memref_slice %arg3[%arg0, %add3A_38] : memref<2x321536xi32, #tpu.memory_space<hbm>> -> memref<1x128xi32, #tpu.memory_space<hbm>>
        %dma_start3A_65 = tpu.memref_squeeze %dma_start3A_64 : memref<1x128xi32, #tpu.memory_space<hbm>> -> memref<128xi32, #tpu.memory_space<hbm>>
        %dma_start3A_66 = arith.constant 0 : i32
        %dma_start3A_67 = tpu.memref_slice %arg11[%run_scoped3A_39, %dma_start3A_66] : memref<1x128xi32, #tpu.memory_space<vmem>> -> memref<1x128xi32, #tpu.memory_space<vmem>>
        %dma_start3A_68 = tpu.memref_squeeze %dma_start3A_67 : memref<1x128xi32, #tpu.memory_space<vmem>> -> memref<128xi32, #tpu.memory_space<vmem>>
        %dma_start3A_69 = tpu.memref_slice %arg3[%arg0, %add3A_38] : memref<2x321536xi32, #tpu.memory_space<hbm>> -> memref<1x128xi32, #tpu.memory_space<hbm>>
        %dma_start3A_70 = tpu.memref_squeeze %dma_start3A_69 : memref<1x128xi32, #tpu.memory_space<hbm>> -> memref<128xi32, #tpu.memory_space<hbm>>
        tpu.enqueue_dma source(%dma_start3A_70 : memref<128xi32, #tpu.memory_space<hbm>>) target(%dma_start3A_68 : memref<128xi32, #tpu.memory_space<vmem>>) target_semaphore(%run_scoped3A_60 : memref<!tpu.dma_semaphore, #tpu.memory_space<semaphore_mem>>)
        %dma_wait3A_71 = arith.constant 0 : i32
        %dma_wait3A_72 = tpu.memref_slice %arg11[%run_scoped3A_39, %dma_wait3A_71] : memref<1x128xi32, #tpu.memory_space<vmem>> -> memref<1x128xi32, #tpu.memory_space<vmem>>
        %dma_wait3A_73 = tpu.memref_squeeze %dma_wait3A_72 : memref<1x128xi32, #tpu.memory_space<vmem>> -> memref<128xi32, #tpu.memory_space<vmem>>
        %dma_wait3A_74 = tpu.memref_slice %arg3[%arg0, %add3A_38] : memref<2x321536xi32, #tpu.memory_space<hbm>> -> memref<1x128xi32, #tpu.memory_space<hbm>>
        %dma_wait3A_75 = tpu.memref_squeeze %dma_wait3A_74 : memref<1x128xi32, #tpu.memory_space<hbm>> -> memref<128xi32, #tpu.memory_space<hbm>>
        %dma_wait3A_76 = arith.constant 0 : i32
        %dma_wait3A_77 = tpu.memref_slice %arg11[%run_scoped3A_39, %dma_wait3A_76] : memref<1x128xi32, #tpu.memory_space<vmem>> -> memref<1x128xi32, #tpu.memory_space<vmem>>
        %dma_wait3A_78 = tpu.memref_squeeze %dma_wait3A_77 : memref<1x128xi32, #tpu.memory_space<vmem>> -> memref<128xi32, #tpu.memory_space<vmem>>
        %dma_wait3A_79 = tpu.memref_slice %arg3[%arg0, %add3A_38] : memref<2x321536xi32, #tpu.memory_space<hbm>> -> memref<1x128xi32, #tpu.memory_space<hbm>>
        %dma_wait3A_80 = tpu.memref_squeeze %dma_wait3A_79 : memref<1x128xi32, #tpu.memory_space<hbm>> -> memref<128xi32, #tpu.memory_space<hbm>>
        tpu.wait_dma2 semaphore(%run_scoped3A_60 : memref<!tpu.dma_semaphore, #tpu.memory_space<semaphore_mem>>) src(%dma_wait3A_80 : memref<128xi32, #tpu.memory_space<hbm>>) dst(%dma_wait3A_78 : memref<128xi32, #tpu.memory_space<vmem>>)
        tpu.yield
      }) : () -> ()
      %dma_start3A_40 = arith.constant 0 : i32
      %dma_start3A_41 = arith.constant 0 : i32
      %dma_start3A_42 = tpu.memref_slice %arg4[%dma_start3A_40, %dma_start3A_41] : memref<10000x128xf32, #tpu.memory_space<hbm>> -> memref<10000x128xf32, #tpu.memory_space<hbm>>
      tpu.enqueue_indirect_dma source(%dma_start3A_42 : memref<10000x128xf32, #tpu.memory_space<hbm>>) target(%arg12 : memref<128x128xf32, #tpu.memory_space<vmem>>) offsets(%arg10 : memref<128xi32, #tpu.memory_space<vmem>>) semaphore(%arg16 : memref<!tpu.dma_semaphore, #tpu.memory_space<semaphore_mem>>)
      %dma_wait3A_43 = arith.constant 0 : i32
      %dma_wait3A_44 = arith.constant 0 : i32
      %dma_wait3A_45 = tpu.memref_slice %arg4[%dma_wait3A_43, %dma_wait3A_44] : memref<10000x128xf32, #tpu.memory_space<hbm>> -> memref<10000x128xf32, #tpu.memory_space<hbm>>
      tpu.wait_indirect_dma semaphore(%arg15 : memref<!tpu.dma_semaphore, #tpu.memory_space<semaphore_mem>>) src(%dma_wait3A_45 : memref<10000x128xf32, #tpu.memory_space<hbm>>) dst(%arg9 : memref<128x128xf32, #tpu.memory_space<vmem>>)
      %run_scoped3A_46 = arith.constant 0 : i32
      "tpu.region"() ({
        %run_scoped3A_60 = tpu.sem_alloc : memref<!tpu.dma_semaphore, #tpu.memory_space<semaphore_mem>>
        %dma_start3A_61 = arith.constant 0 : i32
        %dma_start3A_62 = tpu.memref_slice %arg8[%run_scoped3A_46, %dma_start3A_61] : memref<1x128xi32, #tpu.memory_space<vmem>> -> memref<1x128xi32, #tpu.memory_space<vmem>>
        %dma_start3A_63 = tpu.memref_squeeze %dma_start3A_62 : memref<1x128xi32, #tpu.memory_space<vmem>> -> memref<128xi32, #tpu.memory_space<vmem>>
        %dma_start3A_64 = arith.constant 0 : i32
        %dma_start3A_65 = arith.constant 0 : i32
        %dma_start3A_66 = tpu.memref_slice %arg14[%dma_start3A_64, %dma_start3A_65] : memref<5008x128xf32, #tpu.memory_space<vmem_shared>> -> memref<5008x128xf32, #tpu.memory_space<vmem_shared>>
        tpu.enqueue_indirect_dma source(%arg9 : memref<128x128xf32, #tpu.memory_space<vmem>>) target(%dma_start3A_66 : memref<5008x128xf32, #tpu.memory_space<vmem_shared>>) offsets(%dma_start3A_63 : memref<128xi32, #tpu.memory_space<vmem>>) semaphore(%run_scoped3A_60 : memref<!tpu.dma_semaphore, #tpu.memory_space<semaphore_mem>>) {add = true}
        %dma_wait3A_67 = arith.constant 0 : i32
        %dma_wait3A_68 = tpu.memref_slice %arg8[%run_scoped3A_46, %dma_wait3A_67] : memref<1x128xi32, #tpu.memory_space<vmem>> -> memref<1x128xi32, #tpu.memory_space<vmem>>
        %dma_wait3A_69 = tpu.memref_squeeze %dma_wait3A_68 : memref<1x128xi32, #tpu.memory_space<vmem>> -> memref<128xi32, #tpu.memory_space<vmem>>
        %dma_wait3A_70 = arith.constant 0 : i32
        %dma_wait3A_71 = arith.constant 0 : i32
        %dma_wait3A_72 = tpu.memref_slice %arg14[%dma_wait3A_70, %dma_wait3A_71] : memref<5008x128xf32, #tpu.memory_space<vmem_shared>> -> memref<5008x128xf32, #tpu.memory_space<vmem_shared>>
        tpu.wait_indirect_dma semaphore(%run_scoped3A_60 : memref<!tpu.dma_semaphore, #tpu.memory_space<semaphore_mem>>) src(%arg9 : memref<128x128xf32, #tpu.memory_space<vmem>>) dst(%dma_wait3A_72 : memref<5008x128xf32, #tpu.memory_space<vmem_shared>>)
        tpu.yield
      }) : () -> ()
      %add3A_47 = arith.constant 2 : i32
      %add3A_48 = arith.addi %mul3A_33, %add3A_47 : i32
      %mul3A_49 = arith.constant 128 : i32
      %mul3A_50 = arith.muli %add3A_48, %mul3A_49 : i32
      %add3A_51 = arith.addi %mul3A_0, %mul3A_50 : i32
      "tpu.region"() ({
        %run_scoped3A_60 = tpu.sem_alloc : memref<!tpu.dma_semaphore, #tpu.memory_space<semaphore_mem>>
        %dma_start3A_61 = tpu.memref_slice %arg2[%add3A_51] : memref<321536xi32, #tpu.memory_space<hbm>> -> memref<128xi32, #tpu.memory_space<hbm>>
        %dma_start3A_62 = tpu.memref_slice %arg2[%add3A_51] : memref<321536xi32, #tpu.memory_space<hbm>> -> memref<128xi32, #tpu.memory_space<hbm>>
        tpu.enqueue_dma source(%dma_start3A_62 : memref<128xi32, #tpu.memory_space<hbm>>) target(%arg7 : memref<128xi32, #tpu.memory_space<vmem>>) target_semaphore(%run_scoped3A_60 : memref<!tpu.dma_semaphore, #tpu.memory_space<semaphore_mem>>)
        %dma_wait3A_63 = tpu.memref_slice %arg2[%add3A_51] : memref<321536xi32, #tpu.memory_space<hbm>> -> memref<128xi32, #tpu.memory_space<hbm>>
        %dma_wait3A_64 = tpu.memref_slice %arg2[%add3A_51] : memref<321536xi32, #tpu.memory_space<hbm>> -> memref<128xi32, #tpu.memory_space<hbm>>
        tpu.wait_dma2 semaphore(%run_scoped3A_60 : memref<!tpu.dma_semaphore, #tpu.memory_space<semaphore_mem>>) src(%dma_wait3A_64 : memref<128xi32, #tpu.memory_space<hbm>>) dst(%arg7 : memref<128xi32, #tpu.memory_space<vmem>>)
        tpu.yield
      }) : () -> ()
      %run_scoped3A_52 = arith.constant 0 : i32
      "tpu.region"() ({
        %run_scoped3A_60 = tpu.sem_alloc : memref<!tpu.dma_semaphore, #tpu.memory_space<semaphore_mem>>
        %dma_start3A_61 = arith.constant 0 : i32
        %dma_start3A_62 = tpu.memref_slice %arg8[%run_scoped3A_52, %dma_start3A_61] : memref<1x128xi32, #tpu.memory_space<vmem>> -> memref<1x128xi32, #tpu.memory_space<vmem>>
        %dma_start3A_63 = tpu.memref_squeeze %dma_start3A_62 : memref<1x128xi32, #tpu.memory_space<vmem>> -> memref<128xi32, #tpu.memory_space<vmem>>
        %dma_start3A_64 = tpu.memref_slice %arg3[%arg0, %add3A_51] : memref<2x321536xi32, #tpu.memory_space<hbm>> -> memref<1x128xi32, #tpu.memory_space<hbm>>
        %dma_start3A_65 = tpu.memref_squeeze %dma_start3A_64 : memref<1x128xi32, #tpu.memory_space<hbm>> -> memref<128xi32, #tpu.memory_space<hbm>>
        %dma_start3A_66 = arith.constant 0 : i32
        %dma_start3A_67 = tpu.memref_slice %arg8[%run_scoped3A_52, %dma_start3A_66] : memref<1x128xi32, #tpu.memory_space<vmem>> -> memref<1x128xi32, #tpu.memory_space<vmem>>
        %dma_start3A_68 = tpu.memref_squeeze %dma_start3A_67 : memref<1x128xi32, #tpu.memory_space<vmem>> -> memref<128xi32, #tpu.memory_space<vmem>>
        %dma_start3A_69 = tpu.memref_slice %arg3[%arg0, %add3A_51] : memref<2x321536xi32, #tpu.memory_space<hbm>> -> memref<1x128xi32, #tpu.memory_space<hbm>>
        %dma_start3A_70 = tpu.memref_squeeze %dma_start3A_69 : memref<1x128xi32, #tpu.memory_space<hbm>> -> memref<128xi32, #tpu.memory_space<hbm>>
        tpu.enqueue_dma source(%dma_start3A_70 : memref<128xi32, #tpu.memory_space<hbm>>) target(%dma_start3A_68 : memref<128xi32, #tpu.memory_space<vmem>>) target_semaphore(%run_scoped3A_60 : memref<!tpu.dma_semaphore, #tpu.memory_space<semaphore_mem>>)
        %dma_wait3A_71 = arith.constant 0 : i32
        %dma_wait3A_72 = tpu.memref_slice %arg8[%run_scoped3A_52, %dma_wait3A_71] : memref<1x128xi32, #tpu.memory_space<vmem>> -> memref<1x128xi32, #tpu.memory_space<vmem>>
        %dma_wait3A_73 = tpu.memref_squeeze %dma_wait3A_72 : memref<1x128xi32, #tpu.memory_space<vmem>> -> memref<128xi32, #tpu.memory_space<vmem>>
        %dma_wait3A_74 = tpu.memref_slice %arg3[%arg0, %add3A_51] : memref<2x321536xi32, #tpu.memory_space<hbm>> -> memref<1x128xi32, #tpu.memory_space<hbm>>
        %dma_wait3A_75 = tpu.memref_squeeze %dma_wait3A_74 : memref<1x128xi32, #tpu.memory_space<hbm>> -> memref<128xi32, #tpu.memory_space<hbm>>
        %dma_wait3A_76 = arith.constant 0 : i32
        %dma_wait3A_77 = tpu.memref_slice %arg8[%run_scoped3A_52, %dma_wait3A_76] : memref<1x128xi32, #tpu.memory_space<vmem>> -> memref<1x128xi32, #tpu.memory_space<vmem>>
        %dma_wait3A_78 = tpu.memref_squeeze %dma_wait3A_77 : memref<1x128xi32, #tpu.memory_space<vmem>> -> memref<128xi32, #tpu.memory_space<vmem>>
        %dma_wait3A_79 = tpu.memref_slice %arg3[%arg0, %add3A_51] : memref<2x321536xi32, #tpu.memory_space<hbm>> -> memref<1x128xi32, #tpu.memory_space<hbm>>
        %dma_wait3A_80 = tpu.memref_squeeze %dma_wait3A_79 : memref<1x128xi32, #tpu.memory_space<hbm>> -> memref<128xi32, #tpu.memory_space<hbm>>
        tpu.wait_dma2 semaphore(%run_scoped3A_60 : memref<!tpu.dma_semaphore, #tpu.memory_space<semaphore_mem>>) src(%dma_wait3A_80 : memref<128xi32, #tpu.memory_space<hbm>>) dst(%dma_wait3A_78 : memref<128xi32, #tpu.memory_space<vmem>>)
        tpu.yield
      }) : () -> ()
      %dma_start3A_53 = arith.constant 0 : i32
      %dma_start3A_54 = arith.constant 0 : i32
      %dma_start3A_55 = tpu.memref_slice %arg4[%dma_start3A_53, %dma_start3A_54] : memref<10000x128xf32, #tpu.memory_space<hbm>> -> memref<10000x128xf32, #tpu.memory_space<hbm>>
      tpu.enqueue_indirect_dma source(%dma_start3A_55 : memref<10000x128xf32, #tpu.memory_space<hbm>>) target(%arg9 : memref<128x128xf32, #tpu.memory_space<vmem>>) offsets(%arg7 : memref<128xi32, #tpu.memory_space<vmem>>) semaphore(%arg15 : memref<!tpu.dma_semaphore, #tpu.memory_space<semaphore_mem>>)
      %dma_wait3A_56 = arith.constant 0 : i32
      %dma_wait3A_57 = arith.constant 0 : i32
      %dma_wait3A_58 = tpu.memref_slice %arg4[%dma_wait3A_56, %dma_wait3A_57] : memref<10000x128xf32, #tpu.memory_space<hbm>> -> memref<10000x128xf32, #tpu.memory_space<hbm>>
      tpu.wait_indirect_dma semaphore(%arg16 : memref<!tpu.dma_semaphore, #tpu.memory_space<semaphore_mem>>) src(%dma_wait3A_58 : memref<10000x128xf32, #tpu.memory_space<hbm>>) dst(%arg12 : memref<128x128xf32, #tpu.memory_space<vmem>>)
      %run_scoped3A_59 = arith.constant 0 : i32
      "tpu.region"() ({
        %run_scoped3A_60 = tpu.sem_alloc : memref<!tpu.dma_semaphore, #tpu.memory_space<semaphore_mem>>
        %dma_start3A_61 = arith.constant 0 : i32
        %dma_start3A_62 = tpu.memref_slice %arg11[%run_scoped3A_59, %dma_start3A_61] : memref<1x128xi32, #tpu.memory_space<vmem>> -> memref<1x128xi32, #tpu.memory_space<vmem>>
        %dma_start3A_63 = tpu.memref_squeeze %dma_start3A_62 : memref<1x128xi32, #tpu.memory_space<vmem>> -> memref<128xi32, #tpu.memory_space<vmem>>
        %dma_start3A_64 = arith.constant 0 : i32
        %dma_start3A_65 = arith.constant 0 : i32
        %dma_start3A_66 = tpu.memref_slice %arg14[%dma_start3A_64, %dma_start3A_65] : memref<5008x128xf32, #tpu.memory_space<vmem_shared>> -> memref<5008x128xf32, #tpu.memory_space<vmem_shared>>
        tpu.enqueue_indirect_dma source(%arg12 : memref<128x128xf32, #tpu.memory_space<vmem>>) target(%dma_start3A_66 : memref<5008x128xf32, #tpu.memory_space<vmem_shared>>) offsets(%dma_start3A_63 : memref<128xi32, #tpu.memory_space<vmem>>) semaphore(%run_scoped3A_60 : memref<!tpu.dma_semaphore, #tpu.memory_space<semaphore_mem>>) {add = true}
        %dma_wait3A_67 = arith.constant 0 : i32
        %dma_wait3A_68 = tpu.memref_slice %arg11[%run_scoped3A_59, %dma_wait3A_67] : memref<1x128xi32, #tpu.memory_space<vmem>> -> memref<1x128xi32, #tpu.memory_space<vmem>>
        %dma_wait3A_69 = tpu.memref_squeeze %dma_wait3A_68 : memref<1x128xi32, #tpu.memory_space<vmem>> -> memref<128xi32, #tpu.memory_space<vmem>>
        %dma_wait3A_70 = arith.constant 0 : i32
        %dma_wait3A_71 = arith.constant 0 : i32
        %dma_wait3A_72 = tpu.memref_slice %arg14[%dma_wait3A_70, %dma_wait3A_71] : memref<5008x128xf32, #tpu.memory_space<vmem_shared>> -> memref<5008x128xf32, #tpu.memory_space<vmem_shared>>
        tpu.wait_indirect_dma semaphore(%run_scoped3A_60 : memref<!tpu.dma_semaphore, #tpu.memory_space<semaphore_mem>>) src(%arg12 : memref<128x128xf32, #tpu.memory_space<vmem>>) dst(%dma_wait3A_72 : memref<5008x128xf32, #tpu.memory_space<vmem_shared>>)
        tpu.yield
      }) : () -> ()
    }
    %scan3A_17 = arith.constant 78 : i32
    %dma_wait3A = arith.constant 0 : i32
    %dma_wait3A_18 = arith.constant 0 : i32
    %dma_wait3A_19 = tpu.memref_slice %arg4[%dma_wait3A, %dma_wait3A_18] : memref<10000x128xf32, #tpu.memory_space<hbm>> -> memref<10000x128xf32, #tpu.memory_space<hbm>>
    tpu.wait_indirect_dma semaphore(%arg15 : memref<!tpu.dma_semaphore, #tpu.memory_space<semaphore_mem>>) src(%dma_wait3A_19 : memref<10000x128xf32, #tpu.memory_space<hbm>>) dst(%arg9 : memref<128x128xf32, #tpu.memory_space<vmem>>)
    %run_scoped3A_20 = arith.constant 0 : i32
    "tpu.region"() ({
      %run_scoped3A_27 = tpu.sem_alloc : memref<!tpu.dma_semaphore, #tpu.memory_space<semaphore_mem>>
      %dma_start3A_28 = arith.constant 0 : i32
      %dma_start3A_29 = tpu.memref_slice %arg8[%run_scoped3A_20, %dma_start3A_28] : memref<1x128xi32, #tpu.memory_space<vmem>> -> memref<1x128xi32, #tpu.memory_space<vmem>>
      %dma_start3A_30 = tpu.memref_squeeze %dma_start3A_29 : memref<1x128xi32, #tpu.memory_space<vmem>> -> memref<128xi32, #tpu.memory_space<vmem>>
      %dma_start3A_31 = arith.constant 0 : i32
      %dma_start3A_32 = arith.constant 0 : i32
      %dma_start3A_33 = tpu.memref_slice %arg14[%dma_start3A_31, %dma_start3A_32] : memref<5008x128xf32, #tpu.memory_space<vmem_shared>> -> memref<5008x128xf32, #tpu.memory_space<vmem_shared>>
      tpu.enqueue_indirect_dma source(%arg9 : memref<128x128xf32, #tpu.memory_space<vmem>>) target(%dma_start3A_33 : memref<5008x128xf32, #tpu.memory_space<vmem_shared>>) offsets(%dma_start3A_30 : memref<128xi32, #tpu.memory_space<vmem>>) semaphore(%run_scoped3A_27 : memref<!tpu.dma_semaphore, #tpu.memory_space<semaphore_mem>>) {add = true}
      %dma_wait3A_34 = arith.constant 0 : i32
      %dma_wait3A_35 = tpu.memref_slice %arg8[%run_scoped3A_20, %dma_wait3A_34] : memref<1x128xi32, #tpu.memory_space<vmem>> -> memref<1x128xi32, #tpu.memory_space<vmem>>
      %dma_wait3A_36 = tpu.memref_squeeze %dma_wait3A_35 : memref<1x128xi32, #tpu.memory_space<vmem>> -> memref<128xi32, #tpu.memory_space<vmem>>
      %dma_wait3A_37 = arith.constant 0 : i32
      %dma_wait3A_38 = arith.constant 0 : i32
      %dma_wait3A_39 = tpu.memref_slice %arg14[%dma_wait3A_37, %dma_wait3A_38] : memref<5008x128xf32, #tpu.memory_space<vmem_shared>> -> memref<5008x128xf32, #tpu.memory_space<vmem_shared>>
      tpu.wait_indirect_dma semaphore(%run_scoped3A_27 : memref<!tpu.dma_semaphore, #tpu.memory_space<semaphore_mem>>) src(%arg9 : memref<128x128xf32, #tpu.memory_space<vmem>>) dst(%dma_wait3A_39 : memref<5008x128xf32, #tpu.memory_space<vmem_shared>>)
      tpu.yield
    }) : () -> ()
    %barrier3A_21 = arith.constant 0 : index
    tpu.barrier barrier_id(%barrier3A_21)
    "tpu.region"() ({
      %run_scoped3A_27 = tpu.sem_alloc : memref<!tpu.dma_semaphore, #tpu.memory_space<semaphore_mem>>
      %dma_start3A_28 = arith.constant 0 : i32
      %dma_start3A_29 = tpu.memref_slice %arg6[%arg0, %mul3A_2, %dma_start3A_28] : memref<2x5008x128xf32, #tpu.memory_space<hbm>> -> memref<1x312x128xf32, #tpu.memory_space<hbm>>
      %dma_start3A_30 = tpu.memref_squeeze %dma_start3A_29 : memref<1x312x128xf32, #tpu.memory_space<hbm>> -> memref<312x128xf32, #tpu.memory_space<hbm>>
      %dma_start3A_31 = arith.constant 0 : i32
      %dma_start3A_32 = tpu.memref_slice %arg14[%mul3A_2, %dma_start3A_31] : memref<5008x128xf32, #tpu.memory_space<vmem_shared>> -> memref<312x128xf32, #tpu.memory_space<vmem_shared>>
      tpu.enqueue_dma source(%dma_start3A_32 : memref<312x128xf32, #tpu.memory_space<vmem_shared>>) target(%dma_start3A_30 : memref<312x128xf32, #tpu.memory_space<hbm>>) target_semaphore(%run_scoped3A_27 : memref<!tpu.dma_semaphore, #tpu.memory_space<semaphore_mem>>)
      %dma_wait3A_33 = arith.constant 0 : i32
      %dma_wait3A_34 = tpu.memref_slice %arg6[%arg0, %mul3A_2, %dma_wait3A_33] : memref<2x5008x128xf32, #tpu.memory_space<hbm>> -> memref<1x312x128xf32, #tpu.memory_space<hbm>>
      %dma_wait3A_35 = tpu.memref_squeeze %dma_wait3A_34 : memref<1x312x128xf32, #tpu.memory_space<hbm>> -> memref<312x128xf32, #tpu.memory_space<hbm>>
      %dma_wait3A_36 = arith.constant 0 : i32
      %dma_wait3A_37 = tpu.memref_slice %arg14[%mul3A_2, %dma_wait3A_36] : memref<5008x128xf32, #tpu.memory_space<vmem_shared>> -> memref<312x128xf32, #tpu.memory_space<vmem_shared>>
      tpu.wait_dma2 semaphore(%run_scoped3A_27 : memref<!tpu.dma_semaphore, #tpu.memory_space<semaphore_mem>>) src(%dma_wait3A_37 : memref<312x128xf32, #tpu.memory_space<vmem_shared>>) dst(%dma_wait3A_35 : memref<312x128xf32, #tpu.memory_space<hbm>>)
      tpu.yield
    }) : () -> ()
    %eq3A_22 = arith.constant 0 : i32
    %eq3A_23 = arith.cmpi eq, %arg1, %eq3A_22 : i32
    %convert_element_type3A_24 = arith.extui %eq3A_23 : i1 to i32
    %cond3A_25 = arith.constant 0 : i32
    %cond3A_26 = arith.cmpi ne, %convert_element_type3A_24, %cond3A_25 : i32
    scf.if %cond3A_26 {
      "tpu.region"() ({
        %run_scoped3A_27 = tpu.sem_alloc : memref<!tpu.dma_semaphore, #tpu.memory_space<semaphore_mem>>
        %dma_start3A_28 = arith.constant 4992 : i32
        %dma_start3A_29 = arith.constant 0 : i32
        %dma_start3A_30 = tpu.memref_slice %arg6[%arg0, %dma_start3A_28, %dma_start3A_29] : memref<2x5008x128xf32, #tpu.memory_space<hbm>> -> memref<1x16x128xf32, #tpu.memory_space<hbm>>
        %dma_start3A_31 = tpu.memref_squeeze %dma_start3A_30 : memref<1x16x128xf32, #tpu.memory_space<hbm>> -> memref<16x128xf32, #tpu.memory_space<hbm>>
        %dma_start3A_32 = arith.constant 4992 : i32
        %dma_start3A_33 = arith.constant 0 : i32
        %dma_start3A_34 = tpu.memref_slice %arg14[%dma_start3A_32, %dma_start3A_33] : memref<5008x128xf32, #tpu.memory_space<vmem_shared>> -> memref<16x128xf32, #tpu.memory_space<vmem_shared>>
        tpu.enqueue_dma source(%dma_start3A_34 : memref<16x128xf32, #tpu.memory_space<vmem_shared>>) target(%dma_start3A_31 : memref<16x128xf32, #tpu.memory_space<hbm>>) target_semaphore(%run_scoped3A_27 : memref<!tpu.dma_semaphore, #tpu.memory_space<semaphore_mem>>)
        %dma_wait3A_35 = arith.constant 4992 : i32
        %dma_wait3A_36 = arith.constant 0 : i32
        %dma_wait3A_37 = tpu.memref_slice %arg6[%arg0, %dma_wait3A_35, %dma_wait3A_36] : memref<2x5008x128xf32, #tpu.memory_space<hbm>> -> memref<1x16x128xf32, #tpu.memory_space<hbm>>
        %dma_wait3A_38 = tpu.memref_squeeze %dma_wait3A_37 : memref<1x16x128xf32, #tpu.memory_space<hbm>> -> memref<16x128xf32, #tpu.memory_space<hbm>>
        %dma_wait3A_39 = arith.constant 4992 : i32
        %dma_wait3A_40 = arith.constant 0 : i32
        %dma_wait3A_41 = tpu.memref_slice %arg14[%dma_wait3A_39, %dma_wait3A_40] : memref<5008x128xf32, #tpu.memory_space<vmem_shared>> -> memref<16x128xf32, #tpu.memory_space<vmem_shared>>
        tpu.wait_dma2 semaphore(%run_scoped3A_27 : memref<!tpu.dma_semaphore, #tpu.memory_space<semaphore_mem>>) src(%dma_wait3A_41 : memref<16x128xf32, #tpu.memory_space<vmem_shared>>) dst(%dma_wait3A_38 : memref<16x128xf32, #tpu.memory_space<hbm>>)
        tpu.yield
      }) : () -> ()
    } else {
    }
    return
  }
}

#map = affine_map<(d0, d1) -> (0)>
#map1 = affine_map<(d0, d1) -> (0, 0)>
#map2 = affine_map<(d0, d1) -> (0, 0, 0)>
module attributes {stable_mosaic.version = 14 : i64} {
  func.func @_segsum_body(%arg0: i32, %arg1: i32, %arg2: memref<321536xi32, #tpu.memory_space<hbm>>, %arg3: memref<2x321536xi32, #tpu.memory_space<hbm>>, %arg4: memref<10000x128xf32, #tpu.memory_space<hbm>>, %arg5: memref<104x128xf32, #tpu.memory_space<hbm>>, %arg6: memref<2x5008x128xf32, #tpu.memory_space<hbm>>, %arg7: memref<128xi32, #tpu.memory_space<vmem>>, %arg8: memref<1x128xi32, #tpu.memory_space<vmem>>, %arg9: memref<128x128xf32, #tpu.memory_space<vmem>>, %arg10: memref<128xi32, #tpu.memory_space<vmem>>, %arg11: memref<1x128xi32, #tpu.memory_space<vmem>>, %arg12: memref<128x128xf32, #tpu.memory_space<vmem>>, %arg13: memref<104x128xf32, #tpu.memory_space<vmem>>, %arg14: memref<5008x128xf32, #tpu.memory_space<vmem_shared>>, %arg15: memref<!tpu.dma_semaphore, #tpu.memory_space<semaphore_mem>>, %arg16: memref<!tpu.dma_semaphore, #tpu.memory_space<semaphore_mem>>) attributes {dimension_semantics = [#tpu.dimension_semantics<core_parallel>, #tpu.dimension_semantics<subcore_parallel>], iteration_bounds = array<i64: 2, 16>, scalar_prefetch = 0 : i64, scratch_operands = 10 : i64, tpu.core_type = #tpu.core_type<sc_vector_subcore>, window_params = [{transform_indices = #map}, {transform_indices = #map1}, {transform_indices = #map1}, {transform_indices = #map1}, {transform_indices = #map2}]} {
    %mul3A = arith.constant 20096 : i32
    %mul3A_0 = arith.muli %arg1, %mul3A : i32
    %mul3A_1 = arith.constant 312 : i32
    %mul3A_2 = arith.muli %arg1, %mul3A_1 : i32
    "tpu.region"() ({
      %run_scoped3A_27 = tpu.sem_alloc : memref<!tpu.dma_semaphore, #tpu.memory_space<semaphore_mem>>
      tpu.enqueue_dma source(%arg5 : memref<104x128xf32, #tpu.memory_space<hbm>>) target(%arg13 : memref<104x128xf32, #tpu.memory_space<vmem>>) target_semaphore(%run_scoped3A_27 : memref<!tpu.dma_semaphore, #tpu.memory_space<semaphore_mem>>)
      tpu.wait_dma2 semaphore(%run_scoped3A_27 : memref<!tpu.dma_semaphore, #tpu.memory_space<semaphore_mem>>) src(%arg5 : memref<104x128xf32, #tpu.memory_space<hbm>>) dst(%arg13 : memref<104x128xf32, #tpu.memory_space<vmem>>)
      tpu.yield
    }) : () -> ()
    %add3A = arith.constant 0 : i32
    %add3A_3 = arith.addi %mul3A_2, %add3A : i32
    "tpu.region"() ({
      %run_scoped3A_27 = tpu.sem_alloc : memref<!tpu.dma_semaphore, #tpu.memory_space<semaphore_mem>>
      %dma_start3A_28 = arith.constant 0 : i32
      %dma_start3A_29 = tpu.memref_slice %arg14[%add3A_3, %dma_start3A_28] : memref<5008x128xf32, #tpu.memory_space<vmem_shared>> -> memref<104x128xf32, #tpu.memory_space<vmem_shared>>
      %dma_start3A_30 = arith.constant 0 : i32
      %dma_start3A_31 = tpu.memref_slice %arg14[%add3A_3, %dma_start3A_30] : memref<5008x128xf32, #tpu.memory_space<vmem_shared>> -> memref<104x128xf32, #tpu.memory_space<vmem_shared>>
      tpu.enqueue_dma source(%arg13 : memref<104x128xf32, #tpu.memory_space<vmem>>) target(%dma_start3A_31 : memref<104x128xf32, #tpu.memory_space<vmem_shared>>) target_semaphore(%run_scoped3A_27 : memref<!tpu.dma_semaphore, #tpu.memory_space<semaphore_mem>>)
      %dma_wait3A_32 = arith.constant 0 : i32
      %dma_wait3A_33 = tpu.memref_slice %arg14[%add3A_3, %dma_wait3A_32] : memref<5008x128xf32, #tpu.memory_space<vmem_shared>> -> memref<104x128xf32, #tpu.memory_space<vmem_shared>>
      %dma_wait3A_34 = arith.constant 0 : i32
      %dma_wait3A_35 = tpu.memref_slice %arg14[%add3A_3, %dma_wait3A_34] : memref<5008x128xf32, #tpu.memory_space<vmem_shared>> -> memref<104x128xf32, #tpu.memory_space<vmem_shared>>
      tpu.wait_dma2 semaphore(%run_scoped3A_27 : memref<!tpu.dma_semaphore, #tpu.memory_space<semaphore_mem>>) src(%arg13 : memref<104x128xf32, #tpu.memory_space<vmem>>) dst(%dma_wait3A_35 : memref<104x128xf32, #tpu.memory_space<vmem_shared>>)
      tpu.yield
    }) : () -> ()
    %add3A_4 = arith.constant 104 : i32
    %add3A_5 = arith.addi %mul3A_2, %add3A_4 : i32
    "tpu.region"() ({
      %run_scoped3A_27 = tpu.sem_alloc : memref<!tpu.dma_semaphore, #tpu.memory_space<semaphore_mem>>
      %dma_start3A_28 = arith.constant 0 : i32
      %dma_start3A_29 = tpu.memref_slice %arg14[%add3A_5, %dma_start3A_28] : memref<5008x128xf32, #tpu.memory_space<vmem_shared>> -> memref<104x128xf32, #tpu.memory_space<vmem_shared>>
      %dma_start3A_30 = arith.constant 0 : i32
      %dma_start3A_31 = tpu.memref_slice %arg14[%add3A_5, %dma_start3A_30] : memref<5008x128xf32, #tpu.memory_space<vmem_shared>> -> memref<104x128xf32, #tpu.memory_space<vmem_shared>>
      tpu.enqueue_dma source(%arg13 : memref<104x128xf32, #tpu.memory_space<vmem>>) target(%dma_start3A_31 : memref<104x128xf32, #tpu.memory_space<vmem_shared>>) target_semaphore(%run_scoped3A_27 : memref<!tpu.dma_semaphore, #tpu.memory_space<semaphore_mem>>)
      %dma_wait3A_32 = arith.constant 0 : i32
      %dma_wait3A_33 = tpu.memref_slice %arg14[%add3A_5, %dma_wait3A_32] : memref<5008x128xf32, #tpu.memory_space<vmem_shared>> -> memref<104x128xf32, #tpu.memory_space<vmem_shared>>
      %dma_wait3A_34 = arith.constant 0 : i32
      %dma_wait3A_35 = tpu.memref_slice %arg14[%add3A_5, %dma_wait3A_34] : memref<5008x128xf32, #tpu.memory_space<vmem_shared>> -> memref<104x128xf32, #tpu.memory_space<vmem_shared>>
      tpu.wait_dma2 semaphore(%run_scoped3A_27 : memref<!tpu.dma_semaphore, #tpu.memory_space<semaphore_mem>>) src(%arg13 : memref<104x128xf32, #tpu.memory_space<vmem>>) dst(%dma_wait3A_35 : memref<104x128xf32, #tpu.memory_space<vmem_shared>>)
      tpu.yield
    }) : () -> ()
    %add3A_6 = arith.constant 208 : i32
    %add3A_7 = arith.addi %mul3A_2, %add3A_6 : i32
    "tpu.region"() ({
      %run_scoped3A_27 = tpu.sem_alloc : memref<!tpu.dma_semaphore, #tpu.memory_space<semaphore_mem>>
      %dma_start3A_28 = arith.constant 0 : i32
      %dma_start3A_29 = tpu.memref_slice %arg14[%add3A_7, %dma_start3A_28] : memref<5008x128xf32, #tpu.memory_space<vmem_shared>> -> memref<104x128xf32, #tpu.memory_space<vmem_shared>>
      %dma_start3A_30 = arith.constant 0 : i32
      %dma_start3A_31 = tpu.memref_slice %arg14[%add3A_7, %dma_start3A_30] : memref<5008x128xf32, #tpu.memory_space<vmem_shared>> -> memref<104x128xf32, #tpu.memory_space<vmem_shared>>
      tpu.enqueue_dma source(%arg13 : memref<104x128xf32, #tpu.memory_space<vmem>>) target(%dma_start3A_31 : memref<104x128xf32, #tpu.memory_space<vmem_shared>>) target_semaphore(%run_scoped3A_27 : memref<!tpu.dma_semaphore, #tpu.memory_space<semaphore_mem>>)
      %dma_wait3A_32 = arith.constant 0 : i32
      %dma_wait3A_33 = tpu.memref_slice %arg14[%add3A_7, %dma_wait3A_32] : memref<5008x128xf32, #tpu.memory_space<vmem_shared>> -> memref<104x128xf32, #tpu.memory_space<vmem_shared>>
      %dma_wait3A_34 = arith.constant 0 : i32
      %dma_wait3A_35 = tpu.memref_slice %arg14[%add3A_7, %dma_wait3A_34] : memref<5008x128xf32, #tpu.memory_space<vmem_shared>> -> memref<104x128xf32, #tpu.memory_space<vmem_shared>>
      tpu.wait_dma2 semaphore(%run_scoped3A_27 : memref<!tpu.dma_semaphore, #tpu.memory_space<semaphore_mem>>) src(%arg13 : memref<104x128xf32, #tpu.memory_space<vmem>>) dst(%dma_wait3A_35 : memref<104x128xf32, #tpu.memory_space<vmem_shared>>)
      tpu.yield
    }) : () -> ()
    %eq3A = arith.constant 0 : i32
    %eq3A_8 = arith.cmpi eq, %arg1, %eq3A : i32
    %convert_element_type3A = arith.extui %eq3A_8 : i1 to i32
    %cond3A = arith.constant 0 : i32
    %cond3A_9 = arith.cmpi ne, %convert_element_type3A, %cond3A : i32
    scf.if %cond3A_9 {
      "tpu.region"() ({
        %run_scoped3A_27 = tpu.sem_alloc : memref<!tpu.dma_semaphore, #tpu.memory_space<semaphore_mem>>
        %dma_start3A_28 = arith.constant 0 : i32
        %dma_start3A_29 = arith.constant 0 : i32
        %dma_start3A_30 = tpu.memref_slice %arg13[%dma_start3A_28, %dma_start3A_29] : memref<104x128xf32, #tpu.memory_space<vmem>> -> memref<16x128xf32, #tpu.memory_space<vmem>>
        %dma_start3A_31 = arith.constant 4992 : i32
        %dma_start3A_32 = arith.constant 0 : i32
        %dma_start3A_33 = tpu.memref_slice %arg14[%dma_start3A_31, %dma_start3A_32] : memref<5008x128xf32, #tpu.memory_space<vmem_shared>> -> memref<16x128xf32, #tpu.memory_space<vmem_shared>>
        %dma_start3A_34 = arith.constant 4992 : i32
        %dma_start3A_35 = arith.constant 0 : i32
        %dma_start3A_36 = tpu.memref_slice %arg14[%dma_start3A_34, %dma_start3A_35] : memref<5008x128xf32, #tpu.memory_space<vmem_shared>> -> memref<16x128xf32, #tpu.memory_space<vmem_shared>>
        %dma_start3A_37 = arith.constant 0 : i32
        %dma_start3A_38 = arith.constant 0 : i32
        %dma_start3A_39 = tpu.memref_slice %arg13[%dma_start3A_37, %dma_start3A_38] : memref<104x128xf32, #tpu.memory_space<vmem>> -> memref<16x128xf32, #tpu.memory_space<vmem>>
        tpu.enqueue_dma source(%dma_start3A_39 : memref<16x128xf32, #tpu.memory_space<vmem>>) target(%dma_start3A_36 : memref<16x128xf32, #tpu.memory_space<vmem_shared>>) target_semaphore(%run_scoped3A_27 : memref<!tpu.dma_semaphore, #tpu.memory_space<semaphore_mem>>)
        %dma_wait3A_40 = arith.constant 0 : i32
        %dma_wait3A_41 = arith.constant 0 : i32
        %dma_wait3A_42 = tpu.memref_slice %arg13[%dma_wait3A_40, %dma_wait3A_41] : memref<104x128xf32, #tpu.memory_space<vmem>> -> memref<16x128xf32, #tpu.memory_space<vmem>>
        %dma_wait3A_43 = arith.constant 4992 : i32
        %dma_wait3A_44 = arith.constant 0 : i32
        %dma_wait3A_45 = tpu.memref_slice %arg14[%dma_wait3A_43, %dma_wait3A_44] : memref<5008x128xf32, #tpu.memory_space<vmem_shared>> -> memref<16x128xf32, #tpu.memory_space<vmem_shared>>
        %dma_wait3A_46 = arith.constant 4992 : i32
        %dma_wait3A_47 = arith.constant 0 : i32
        %dma_wait3A_48 = tpu.memref_slice %arg14[%dma_wait3A_46, %dma_wait3A_47] : memref<5008x128xf32, #tpu.memory_space<vmem_shared>> -> memref<16x128xf32, #tpu.memory_space<vmem_shared>>
        %dma_wait3A_49 = arith.constant 0 : i32
        %dma_wait3A_50 = arith.constant 0 : i32
        %dma_wait3A_51 = tpu.memref_slice %arg13[%dma_wait3A_49, %dma_wait3A_50] : memref<104x128xf32, #tpu.memory_space<vmem>> -> memref<16x128xf32, #tpu.memory_space<vmem>>
        tpu.wait_dma2 semaphore(%run_scoped3A_27 : memref<!tpu.dma_semaphore, #tpu.memory_space<semaphore_mem>>) src(%dma_wait3A_51 : memref<16x128xf32, #tpu.memory_space<vmem>>) dst(%dma_wait3A_48 : memref<16x128xf32, #tpu.memory_space<vmem_shared>>)
        tpu.yield
      }) : () -> ()
    } else {
    }
    %barrier3A = arith.constant 0 : index
    tpu.barrier barrier_id(%barrier3A)
    %add3A_10 = arith.constant 0 : i32
    %add3A_11 = arith.addi %mul3A_0, %add3A_10 : i32
    "tpu.region"() ({
      %run_scoped3A_27 = tpu.sem_alloc : memref<!tpu.dma_semaphore, #tpu.memory_space<semaphore_mem>>
      %dma_start3A_28 = tpu.memref_slice %arg2[%add3A_11] : memref<321536xi32, #tpu.memory_space<hbm>> -> memref<128xi32, #tpu.memory_space<hbm>>
      %dma_start3A_29 = tpu.memref_slice %arg2[%add3A_11] : memref<321536xi32, #tpu.memory_space<hbm>> -> memref<128xi32, #tpu.memory_space<hbm>>
      tpu.enqueue_dma source(%dma_start3A_29 : memref<128xi32, #tpu.memory_space<hbm>>) target(%arg7 : memref<128xi32, #tpu.memory_space<vmem>>) target_semaphore(%run_scoped3A_27 : memref<!tpu.dma_semaphore, #tpu.memory_space<semaphore_mem>>)
      %dma_wait3A_30 = tpu.memref_slice %arg2[%add3A_11] : memref<321536xi32, #tpu.memory_space<hbm>> -> memref<128xi32, #tpu.memory_space<hbm>>
      %dma_wait3A_31 = tpu.memref_slice %arg2[%add3A_11] : memref<321536xi32, #tpu.memory_space<hbm>> -> memref<128xi32, #tpu.memory_space<hbm>>
      tpu.wait_dma2 semaphore(%run_scoped3A_27 : memref<!tpu.dma_semaphore, #tpu.memory_space<semaphore_mem>>) src(%dma_wait3A_31 : memref<128xi32, #tpu.memory_space<hbm>>) dst(%arg7 : memref<128xi32, #tpu.memory_space<vmem>>)
      tpu.yield
    }) : () -> ()
    %run_scoped3A = arith.constant 0 : i32
    "tpu.region"() ({
      %run_scoped3A_27 = tpu.sem_alloc : memref<!tpu.dma_semaphore, #tpu.memory_space<semaphore_mem>>
      %dma_start3A_28 = arith.constant 0 : i32
      %dma_start3A_29 = tpu.memref_slice %arg8[%run_scoped3A, %dma_start3A_28] : memref<1x128xi32, #tpu.memory_space<vmem>> -> memref<1x128xi32, #tpu.memory_space<vmem>>
      %dma_start3A_30 = tpu.memref_squeeze %dma_start3A_29 : memref<1x128xi32, #tpu.memory_space<vmem>> -> memref<128xi32, #tpu.memory_space<vmem>>
      %dma_start3A_31 = tpu.memref_slice %arg3[%arg0, %add3A_11] : memref<2x321536xi32, #tpu.memory_space<hbm>> -> memref<1x128xi32, #tpu.memory_space<hbm>>
      %dma_start3A_32 = tpu.memref_squeeze %dma_start3A_31 : memref<1x128xi32, #tpu.memory_space<hbm>> -> memref<128xi32, #tpu.memory_space<hbm>>
      %dma_start3A_33 = arith.constant 0 : i32
      %dma_start3A_34 = tpu.memref_slice %arg8[%run_scoped3A, %dma_start3A_33] : memref<1x128xi32, #tpu.memory_space<vmem>> -> memref<1x128xi32, #tpu.memory_space<vmem>>
      %dma_start3A_35 = tpu.memref_squeeze %dma_start3A_34 : memref<1x128xi32, #tpu.memory_space<vmem>> -> memref<128xi32, #tpu.memory_space<vmem>>
      %dma_start3A_36 = tpu.memref_slice %arg3[%arg0, %add3A_11] : memref<2x321536xi32, #tpu.memory_space<hbm>> -> memref<1x128xi32, #tpu.memory_space<hbm>>
      %dma_start3A_37 = tpu.memref_squeeze %dma_start3A_36 : memref<1x128xi32, #tpu.memory_space<hbm>> -> memref<128xi32, #tpu.memory_space<hbm>>
      tpu.enqueue_dma source(%dma_start3A_37 : memref<128xi32, #tpu.memory_space<hbm>>) target(%dma_start3A_35 : memref<128xi32, #tpu.memory_space<vmem>>) target_semaphore(%run_scoped3A_27 : memref<!tpu.dma_semaphore, #tpu.memory_space<semaphore_mem>>)
      %dma_wait3A_38 = arith.constant 0 : i32
      %dma_wait3A_39 = tpu.memref_slice %arg8[%run_scoped3A, %dma_wait3A_38] : memref<1x128xi32, #tpu.memory_space<vmem>> -> memref<1x128xi32, #tpu.memory_space<vmem>>
      %dma_wait3A_40 = tpu.memref_squeeze %dma_wait3A_39 : memref<1x128xi32, #tpu.memory_space<vmem>> -> memref<128xi32, #tpu.memory_space<vmem>>
      %dma_wait3A_41 = tpu.memref_slice %arg3[%arg0, %add3A_11] : memref<2x321536xi32, #tpu.memory_space<hbm>> -> memref<1x128xi32, #tpu.memory_space<hbm>>
      %dma_wait3A_42 = tpu.memref_squeeze %dma_wait3A_41 : memref<1x128xi32, #tpu.memory_space<hbm>> -> memref<128xi32, #tpu.memory_space<hbm>>
      %dma_wait3A_43 = arith.constant 0 : i32
      %dma_wait3A_44 = tpu.memref_slice %arg8[%run_scoped3A, %dma_wait3A_43] : memref<1x128xi32, #tpu.memory_space<vmem>> -> memref<1x128xi32, #tpu.memory_space<vmem>>
      %dma_wait3A_45 = tpu.memref_squeeze %dma_wait3A_44 : memref<1x128xi32, #tpu.memory_space<vmem>> -> memref<128xi32, #tpu.memory_space<vmem>>
      %dma_wait3A_46 = tpu.memref_slice %arg3[%arg0, %add3A_11] : memref<2x321536xi32, #tpu.memory_space<hbm>> -> memref<1x128xi32, #tpu.memory_space<hbm>>
      %dma_wait3A_47 = tpu.memref_squeeze %dma_wait3A_46 : memref<1x128xi32, #tpu.memory_space<hbm>> -> memref<128xi32, #tpu.memory_space<hbm>>
      tpu.wait_dma2 semaphore(%run_scoped3A_27 : memref<!tpu.dma_semaphore, #tpu.memory_space<semaphore_mem>>) src(%dma_wait3A_47 : memref<128xi32, #tpu.memory_space<hbm>>) dst(%dma_wait3A_45 : memref<128xi32, #tpu.memory_space<vmem>>)
      tpu.yield
    }) : () -> ()
    %dma_start3A = arith.constant 0 : i32
    %dma_start3A_12 = arith.constant 0 : i32
    %dma_start3A_13 = tpu.memref_slice %arg4[%dma_start3A, %dma_start3A_12] : memref<10000x128xf32, #tpu.memory_space<hbm>> -> memref<10000x128xf32, #tpu.memory_space<hbm>>
    tpu.enqueue_indirect_dma source(%dma_start3A_13 : memref<10000x128xf32, #tpu.memory_space<hbm>>) target(%arg9 : memref<128x128xf32, #tpu.memory_space<vmem>>) offsets(%arg7 : memref<128xi32, #tpu.memory_space<vmem>>) semaphore(%arg15 : memref<!tpu.dma_semaphore, #tpu.memory_space<semaphore_mem>>)
    %scan3A = arith.constant 0 : i32
    %scan3A_14 = arith.constant 78 : i32
    %scan3A_15 = arith.addi %scan3A, %scan3A_14 : i32
    %scan3A_16 = arith.constant 1 : i32
    scf.for %scan3A_27 = %scan3A to %scan3A_15 step %scan3A_16  : i32 {
      %mul3A_28 = arith.constant 1 : i32
      %mul3A_29 = arith.muli %scan3A_27, %mul3A_28 : i32
      %add3A_30 = arith.constant 0 : i32
      %add3A_31 = arith.addi %add3A_30, %mul3A_29 : i32
      %mul3A_32 = arith.constant 2 : i32
      %mul3A_33 = arith.muli %mul3A_32, %add3A_31 : i32
      %add3A_34 = arith.constant 1 : i32
      %add3A_35 = arith.addi %mul3A_33, %add3A_34 : i32
      %mul3A_36 = arith.constant 128 : i32
      %mul3A_37 = arith.muli %add3A_35, %mul3A_36 : i32
      %add3A_38 = arith.addi %mul3A_0, %mul3A_37 : i32
      "tpu.region"() ({
        %run_scoped3A_60 = tpu.sem_alloc : memref<!tpu.dma_semaphore, #tpu.memory_space<semaphore_mem>>
        %dma_start3A_61 = tpu.memref_slice %arg2[%add3A_38] : memref<321536xi32, #tpu.memory_space<hbm>> -> memref<128xi32, #tpu.memory_space<hbm>>
        %dma_start3A_62 = tpu.memref_slice %arg2[%add3A_38] : memref<321536xi32, #tpu.memory_space<hbm>> -> memref<128xi32, #tpu.memory_space<hbm>>
        tpu.enqueue_dma source(%dma_start3A_62 : memref<128xi32, #tpu.memory_space<hbm>>) target(%arg10 : memref<128xi32, #tpu.memory_space<vmem>>) target_semaphore(%run_scoped3A_60 : memref<!tpu.dma_semaphore, #tpu.memory_space<semaphore_mem>>)
        %dma_wait3A_63 = tpu.memref_slice %arg2[%add3A_38] : memref<321536xi32, #tpu.memory_space<hbm>> -> memref<128xi32, #tpu.memory_space<hbm>>
        %dma_wait3A_64 = tpu.memref_slice %arg2[%add3A_38] : memref<321536xi32, #tpu.memory_space<hbm>> -> memref<128xi32, #tpu.memory_space<hbm>>
        tpu.wait_dma2 semaphore(%run_scoped3A_60 : memref<!tpu.dma_semaphore, #tpu.memory_space<semaphore_mem>>) src(%dma_wait3A_64 : memref<128xi32, #tpu.memory_space<hbm>>) dst(%arg10 : memref<128xi32, #tpu.memory_space<vmem>>)
        tpu.yield
      }) : () -> ()
      %run_scoped3A_39 = arith.constant 0 : i32
      "tpu.region"() ({
        %run_scoped3A_60 = tpu.sem_alloc : memref<!tpu.dma_semaphore, #tpu.memory_space<semaphore_mem>>
        %dma_start3A_61 = arith.constant 0 : i32
        %dma_start3A_62 = tpu.memref_slice %arg11[%run_scoped3A_39, %dma_start3A_61] : memref<1x128xi32, #tpu.memory_space<vmem>> -> memref<1x128xi32, #tpu.memory_space<vmem>>
        %dma_start3A_63 = tpu.memref_squeeze %dma_start3A_62 : memref<1x128xi32, #tpu.memory_space<vmem>> -> memref<128xi32, #tpu.memory_space<vmem>>
        %dma_start3A_64 = tpu.memref_slice %arg3[%arg0, %add3A_38] : memref<2x321536xi32, #tpu.memory_space<hbm>> -> memref<1x128xi32, #tpu.memory_space<hbm>>
        %dma_start3A_65 = tpu.memref_squeeze %dma_start3A_64 : memref<1x128xi32, #tpu.memory_space<hbm>> -> memref<128xi32, #tpu.memory_space<hbm>>
        %dma_start3A_66 = arith.constant 0 : i32
        %dma_start3A_67 = tpu.memref_slice %arg11[%run_scoped3A_39, %dma_start3A_66] : memref<1x128xi32, #tpu.memory_space<vmem>> -> memref<1x128xi32, #tpu.memory_space<vmem>>
        %dma_start3A_68 = tpu.memref_squeeze %dma_start3A_67 : memref<1x128xi32, #tpu.memory_space<vmem>> -> memref<128xi32, #tpu.memory_space<vmem>>
        %dma_start3A_69 = tpu.memref_slice %arg3[%arg0, %add3A_38] : memref<2x321536xi32, #tpu.memory_space<hbm>> -> memref<1x128xi32, #tpu.memory_space<hbm>>
        %dma_start3A_70 = tpu.memref_squeeze %dma_start3A_69 : memref<1x128xi32, #tpu.memory_space<hbm>> -> memref<128xi32, #tpu.memory_space<hbm>>
        tpu.enqueue_dma source(%dma_start3A_70 : memref<128xi32, #tpu.memory_space<hbm>>) target(%dma_start3A_68 : memref<128xi32, #tpu.memory_space<vmem>>) target_semaphore(%run_scoped3A_60 : memref<!tpu.dma_semaphore, #tpu.memory_space<semaphore_mem>>)
        %dma_wait3A_71 = arith.constant 0 : i32
        %dma_wait3A_72 = tpu.memref_slice %arg11[%run_scoped3A_39, %dma_wait3A_71] : memref<1x128xi32, #tpu.memory_space<vmem>> -> memref<1x128xi32, #tpu.memory_space<vmem>>
        %dma_wait3A_73 = tpu.memref_squeeze %dma_wait3A_72 : memref<1x128xi32, #tpu.memory_space<vmem>> -> memref<128xi32, #tpu.memory_space<vmem>>
        %dma_wait3A_74 = tpu.memref_slice %arg3[%arg0, %add3A_38] : memref<2x321536xi32, #tpu.memory_space<hbm>> -> memref<1x128xi32, #tpu.memory_space<hbm>>
        %dma_wait3A_75 = tpu.memref_squeeze %dma_wait3A_74 : memref<1x128xi32, #tpu.memory_space<hbm>> -> memref<128xi32, #tpu.memory_space<hbm>>
        %dma_wait3A_76 = arith.constant 0 : i32
        %dma_wait3A_77 = tpu.memref_slice %arg11[%run_scoped3A_39, %dma_wait3A_76] : memref<1x128xi32, #tpu.memory_space<vmem>> -> memref<1x128xi32, #tpu.memory_space<vmem>>
        %dma_wait3A_78 = tpu.memref_squeeze %dma_wait3A_77 : memref<1x128xi32, #tpu.memory_space<vmem>> -> memref<128xi32, #tpu.memory_space<vmem>>
        %dma_wait3A_79 = tpu.memref_slice %arg3[%arg0, %add3A_38] : memref<2x321536xi32, #tpu.memory_space<hbm>> -> memref<1x128xi32, #tpu.memory_space<hbm>>
        %dma_wait3A_80 = tpu.memref_squeeze %dma_wait3A_79 : memref<1x128xi32, #tpu.memory_space<hbm>> -> memref<128xi32, #tpu.memory_space<hbm>>
        tpu.wait_dma2 semaphore(%run_scoped3A_60 : memref<!tpu.dma_semaphore, #tpu.memory_space<semaphore_mem>>) src(%dma_wait3A_80 : memref<128xi32, #tpu.memory_space<hbm>>) dst(%dma_wait3A_78 : memref<128xi32, #tpu.memory_space<vmem>>)
        tpu.yield
      }) : () -> ()
      %dma_start3A_40 = arith.constant 0 : i32
      %dma_start3A_41 = arith.constant 0 : i32
      %dma_start3A_42 = tpu.memref_slice %arg4[%dma_start3A_40, %dma_start3A_41] : memref<10000x128xf32, #tpu.memory_space<hbm>> -> memref<10000x128xf32, #tpu.memory_space<hbm>>
      tpu.enqueue_indirect_dma source(%dma_start3A_42 : memref<10000x128xf32, #tpu.memory_space<hbm>>) target(%arg12 : memref<128x128xf32, #tpu.memory_space<vmem>>) offsets(%arg10 : memref<128xi32, #tpu.memory_space<vmem>>) semaphore(%arg16 : memref<!tpu.dma_semaphore, #tpu.memory_space<semaphore_mem>>)
      %dma_wait3A_43 = arith.constant 0 : i32
      %dma_wait3A_44 = arith.constant 0 : i32
      %dma_wait3A_45 = tpu.memref_slice %arg4[%dma_wait3A_43, %dma_wait3A_44] : memref<10000x128xf32, #tpu.memory_space<hbm>> -> memref<10000x128xf32, #tpu.memory_space<hbm>>
      tpu.wait_indirect_dma semaphore(%arg15 : memref<!tpu.dma_semaphore, #tpu.memory_space<semaphore_mem>>) src(%dma_wait3A_45 : memref<10000x128xf32, #tpu.memory_space<hbm>>) dst(%arg9 : memref<128x128xf32, #tpu.memory_space<vmem>>)
      %run_scoped3A_46 = arith.constant 0 : i32
      "tpu.region"() ({
        %run_scoped3A_60 = tpu.sem_alloc : memref<!tpu.dma_semaphore, #tpu.memory_space<semaphore_mem>>
        %dma_start3A_61 = arith.constant 0 : i32
        %dma_start3A_62 = tpu.memref_slice %arg8[%run_scoped3A_46, %dma_start3A_61] : memref<1x128xi32, #tpu.memory_space<vmem>> -> memref<1x128xi32, #tpu.memory_space<vmem>>
        %dma_start3A_63 = tpu.memref_squeeze %dma_start3A_62 : memref<1x128xi32, #tpu.memory_space<vmem>> -> memref<128xi32, #tpu.memory_space<vmem>>
        %dma_start3A_64 = arith.constant 0 : i32
        %dma_start3A_65 = arith.constant 0 : i32
        %dma_start3A_66 = tpu.memref_slice %arg14[%dma_start3A_64, %dma_start3A_65] : memref<5008x128xf32, #tpu.memory_space<vmem_shared>> -> memref<5008x128xf32, #tpu.memory_space<vmem_shared>>
        tpu.enqueue_indirect_dma source(%arg9 : memref<128x128xf32, #tpu.memory_space<vmem>>) target(%dma_start3A_66 : memref<5008x128xf32, #tpu.memory_space<vmem_shared>>) offsets(%dma_start3A_63 : memref<128xi32, #tpu.memory_space<vmem>>) semaphore(%run_scoped3A_60 : memref<!tpu.dma_semaphore, #tpu.memory_space<semaphore_mem>>) {add = true}
        %dma_wait3A_67 = arith.constant 0 : i32
        %dma_wait3A_68 = tpu.memref_slice %arg8[%run_scoped3A_46, %dma_wait3A_67] : memref<1x128xi32, #tpu.memory_space<vmem>> -> memref<1x128xi32, #tpu.memory_space<vmem>>
        %dma_wait3A_69 = tpu.memref_squeeze %dma_wait3A_68 : memref<1x128xi32, #tpu.memory_space<vmem>> -> memref<128xi32, #tpu.memory_space<vmem>>
        %dma_wait3A_70 = arith.constant 0 : i32
        %dma_wait3A_71 = arith.constant 0 : i32
        %dma_wait3A_72 = tpu.memref_slice %arg14[%dma_wait3A_70, %dma_wait3A_71] : memref<5008x128xf32, #tpu.memory_space<vmem_shared>> -> memref<5008x128xf32, #tpu.memory_space<vmem_shared>>
        tpu.wait_indirect_dma semaphore(%run_scoped3A_60 : memref<!tpu.dma_semaphore, #tpu.memory_space<semaphore_mem>>) src(%arg9 : memref<128x128xf32, #tpu.memory_space<vmem>>) dst(%dma_wait3A_72 : memref<5008x128xf32, #tpu.memory_space<vmem_shared>>)
        tpu.yield
      }) : () -> ()
      %add3A_47 = arith.constant 2 : i32
      %add3A_48 = arith.addi %mul3A_33, %add3A_47 : i32
      %mul3A_49 = arith.constant 128 : i32
      %mul3A_50 = arith.muli %add3A_48, %mul3A_49 : i32
      %add3A_51 = arith.addi %mul3A_0, %mul3A_50 : i32
      "tpu.region"() ({
        %run_scoped3A_60 = tpu.sem_alloc : memref<!tpu.dma_semaphore, #tpu.memory_space<semaphore_mem>>
        %dma_start3A_61 = tpu.memref_slice %arg2[%add3A_51] : memref<321536xi32, #tpu.memory_space<hbm>> -> memref<128xi32, #tpu.memory_space<hbm>>
        %dma_start3A_62 = tpu.memref_slice %arg2[%add3A_51] : memref<321536xi32, #tpu.memory_space<hbm>> -> memref<128xi32, #tpu.memory_space<hbm>>
        tpu.enqueue_dma source(%dma_start3A_62 : memref<128xi32, #tpu.memory_space<hbm>>) target(%arg7 : memref<128xi32, #tpu.memory_space<vmem>>) target_semaphore(%run_scoped3A_60 : memref<!tpu.dma_semaphore, #tpu.memory_space<semaphore_mem>>)
        %dma_wait3A_63 = tpu.memref_slice %arg2[%add3A_51] : memref<321536xi32, #tpu.memory_space<hbm>> -> memref<128xi32, #tpu.memory_space<hbm>>
        %dma_wait3A_64 = tpu.memref_slice %arg2[%add3A_51] : memref<321536xi32, #tpu.memory_space<hbm>> -> memref<128xi32, #tpu.memory_space<hbm>>
        tpu.wait_dma2 semaphore(%run_scoped3A_60 : memref<!tpu.dma_semaphore, #tpu.memory_space<semaphore_mem>>) src(%dma_wait3A_64 : memref<128xi32, #tpu.memory_space<hbm>>) dst(%arg7 : memref<128xi32, #tpu.memory_space<vmem>>)
        tpu.yield
      }) : () -> ()
      %run_scoped3A_52 = arith.constant 0 : i32
      "tpu.region"() ({
        %run_scoped3A_60 = tpu.sem_alloc : memref<!tpu.dma_semaphore, #tpu.memory_space<semaphore_mem>>
        %dma_start3A_61 = arith.constant 0 : i32
        %dma_start3A_62 = tpu.memref_slice %arg8[%run_scoped3A_52, %dma_start3A_61] : memref<1x128xi32, #tpu.memory_space<vmem>> -> memref<1x128xi32, #tpu.memory_space<vmem>>
        %dma_start3A_63 = tpu.memref_squeeze %dma_start3A_62 : memref<1x128xi32, #tpu.memory_space<vmem>> -> memref<128xi32, #tpu.memory_space<vmem>>
        %dma_start3A_64 = tpu.memref_slice %arg3[%arg0, %add3A_51] : memref<2x321536xi32, #tpu.memory_space<hbm>> -> memref<1x128xi32, #tpu.memory_space<hbm>>
        %dma_start3A_65 = tpu.memref_squeeze %dma_start3A_64 : memref<1x128xi32, #tpu.memory_space<hbm>> -> memref<128xi32, #tpu.memory_space<hbm>>
        %dma_start3A_66 = arith.constant 0 : i32
        %dma_start3A_67 = tpu.memref_slice %arg8[%run_scoped3A_52, %dma_start3A_66] : memref<1x128xi32, #tpu.memory_space<vmem>> -> memref<1x128xi32, #tpu.memory_space<vmem>>
        %dma_start3A_68 = tpu.memref_squeeze %dma_start3A_67 : memref<1x128xi32, #tpu.memory_space<vmem>> -> memref<128xi32, #tpu.memory_space<vmem>>
        %dma_start3A_69 = tpu.memref_slice %arg3[%arg0, %add3A_51] : memref<2x321536xi32, #tpu.memory_space<hbm>> -> memref<1x128xi32, #tpu.memory_space<hbm>>
        %dma_start3A_70 = tpu.memref_squeeze %dma_start3A_69 : memref<1x128xi32, #tpu.memory_space<hbm>> -> memref<128xi32, #tpu.memory_space<hbm>>
        tpu.enqueue_dma source(%dma_start3A_70 : memref<128xi32, #tpu.memory_space<hbm>>) target(%dma_start3A_68 : memref<128xi32, #tpu.memory_space<vmem>>) target_semaphore(%run_scoped3A_60 : memref<!tpu.dma_semaphore, #tpu.memory_space<semaphore_mem>>)
        %dma_wait3A_71 = arith.constant 0 : i32
        %dma_wait3A_72 = tpu.memref_slice %arg8[%run_scoped3A_52, %dma_wait3A_71] : memref<1x128xi32, #tpu.memory_space<vmem>> -> memref<1x128xi32, #tpu.memory_space<vmem>>
        %dma_wait3A_73 = tpu.memref_squeeze %dma_wait3A_72 : memref<1x128xi32, #tpu.memory_space<vmem>> -> memref<128xi32, #tpu.memory_space<vmem>>
        %dma_wait3A_74 = tpu.memref_slice %arg3[%arg0, %add3A_51] : memref<2x321536xi32, #tpu.memory_space<hbm>> -> memref<1x128xi32, #tpu.memory_space<hbm>>
        %dma_wait3A_75 = tpu.memref_squeeze %dma_wait3A_74 : memref<1x128xi32, #tpu.memory_space<hbm>> -> memref<128xi32, #tpu.memory_space<hbm>>
        %dma_wait3A_76 = arith.constant 0 : i32
        %dma_wait3A_77 = tpu.memref_slice %arg8[%run_scoped3A_52, %dma_wait3A_76] : memref<1x128xi32, #tpu.memory_space<vmem>> -> memref<1x128xi32, #tpu.memory_space<vmem>>
        %dma_wait3A_78 = tpu.memref_squeeze %dma_wait3A_77 : memref<1x128xi32, #tpu.memory_space<vmem>> -> memref<128xi32, #tpu.memory_space<vmem>>
        %dma_wait3A_79 = tpu.memref_slice %arg3[%arg0, %add3A_51] : memref<2x321536xi32, #tpu.memory_space<hbm>> -> memref<1x128xi32, #tpu.memory_space<hbm>>
        %dma_wait3A_80 = tpu.memref_squeeze %dma_wait3A_79 : memref<1x128xi32, #tpu.memory_space<hbm>> -> memref<128xi32, #tpu.memory_space<hbm>>
        tpu.wait_dma2 semaphore(%run_scoped3A_60 : memref<!tpu.dma_semaphore, #tpu.memory_space<semaphore_mem>>) src(%dma_wait3A_80 : memref<128xi32, #tpu.memory_space<hbm>>) dst(%dma_wait3A_78 : memref<128xi32, #tpu.memory_space<vmem>>)
        tpu.yield
      }) : () -> ()
      %dma_start3A_53 = arith.constant 0 : i32
      %dma_start3A_54 = arith.constant 0 : i32
      %dma_start3A_55 = tpu.memref_slice %arg4[%dma_start3A_53, %dma_start3A_54] : memref<10000x128xf32, #tpu.memory_space<hbm>> -> memref<10000x128xf32, #tpu.memory_space<hbm>>
      tpu.enqueue_indirect_dma source(%dma_start3A_55 : memref<10000x128xf32, #tpu.memory_space<hbm>>) target(%arg9 : memref<128x128xf32, #tpu.memory_space<vmem>>) offsets(%arg7 : memref<128xi32, #tpu.memory_space<vmem>>) semaphore(%arg15 : memref<!tpu.dma_semaphore, #tpu.memory_space<semaphore_mem>>)
      %dma_wait3A_56 = arith.constant 0 : i32
      %dma_wait3A_57 = arith.constant 0 : i32
      %dma_wait3A_58 = tpu.memref_slice %arg4[%dma_wait3A_56, %dma_wait3A_57] : memref<10000x128xf32, #tpu.memory_space<hbm>> -> memref<10000x128xf32, #tpu.memory_space<hbm>>
      tpu.wait_indirect_dma semaphore(%arg16 : memref<!tpu.dma_semaphore, #tpu.memory_space<semaphore_mem>>) src(%dma_wait3A_58 : memref<10000x128xf32, #tpu.memory_space<hbm>>) dst(%arg12 : memref<128x128xf32, #tpu.memory_space<vmem>>)
      %run_scoped3A_59 = arith.constant 0 : i32
      "tpu.region"() ({
        %run_scoped3A_60 = tpu.sem_alloc : memref<!tpu.dma_semaphore, #tpu.memory_space<semaphore_mem>>
        %dma_start3A_61 = arith.constant 0 : i32
        %dma_start3A_62 = tpu.memref_slice %arg11[%run_scoped3A_59, %dma_start3A_61] : memref<1x128xi32, #tpu.memory_space<vmem>> -> memref<1x128xi32, #tpu.memory_space<vmem>>
        %dma_start3A_63 = tpu.memref_squeeze %dma_start3A_62 : memref<1x128xi32, #tpu.memory_space<vmem>> -> memref<128xi32, #tpu.memory_space<vmem>>
        %dma_start3A_64 = arith.constant 0 : i32
        %dma_start3A_65 = arith.constant 0 : i32
        %dma_start3A_66 = tpu.memref_slice %arg14[%dma_start3A_64, %dma_start3A_65] : memref<5008x128xf32, #tpu.memory_space<vmem_shared>> -> memref<5008x128xf32, #tpu.memory_space<vmem_shared>>
        tpu.enqueue_indirect_dma source(%arg12 : memref<128x128xf32, #tpu.memory_space<vmem>>) target(%dma_start3A_66 : memref<5008x128xf32, #tpu.memory_space<vmem_shared>>) offsets(%dma_start3A_63 : memref<128xi32, #tpu.memory_space<vmem>>) semaphore(%run_scoped3A_60 : memref<!tpu.dma_semaphore, #tpu.memory_space<semaphore_mem>>) {add = true}
        %dma_wait3A_67 = arith.constant 0 : i32
        %dma_wait3A_68 = tpu.memref_slice %arg11[%run_scoped3A_59, %dma_wait3A_67] : memref<1x128xi32, #tpu.memory_space<vmem>> -> memref<1x128xi32, #tpu.memory_space<vmem>>
        %dma_wait3A_69 = tpu.memref_squeeze %dma_wait3A_68 : memref<1x128xi32, #tpu.memory_space<vmem>> -> memref<128xi32, #tpu.memory_space<vmem>>
        %dma_wait3A_70 = arith.constant 0 : i32
        %dma_wait3A_71 = arith.constant 0 : i32
        %dma_wait3A_72 = tpu.memref_slice %arg14[%dma_wait3A_70, %dma_wait3A_71] : memref<5008x128xf32, #tpu.memory_space<vmem_shared>> -> memref<5008x128xf32, #tpu.memory_space<vmem_shared>>
        tpu.wait_indirect_dma semaphore(%run_scoped3A_60 : memref<!tpu.dma_semaphore, #tpu.memory_space<semaphore_mem>>) src(%arg12 : memref<128x128xf32, #tpu.memory_space<vmem>>) dst(%dma_wait3A_72 : memref<5008x128xf32, #tpu.memory_space<vmem_shared>>)
        tpu.yield
      }) : () -> ()
    }
    %scan3A_17 = arith.constant 78 : i32
    %dma_wait3A = arith.constant 0 : i32
    %dma_wait3A_18 = arith.constant 0 : i32
    %dma_wait3A_19 = tpu.memref_slice %arg4[%dma_wait3A, %dma_wait3A_18] : memref<10000x128xf32, #tpu.memory_space<hbm>> -> memref<10000x128xf32, #tpu.memory_space<hbm>>
    tpu.wait_indirect_dma semaphore(%arg15 : memref<!tpu.dma_semaphore, #tpu.memory_space<semaphore_mem>>) src(%dma_wait3A_19 : memref<10000x128xf32, #tpu.memory_space<hbm>>) dst(%arg9 : memref<128x128xf32, #tpu.memory_space<vmem>>)
    %run_scoped3A_20 = arith.constant 0 : i32
    "tpu.region"() ({
      %run_scoped3A_27 = tpu.sem_alloc : memref<!tpu.dma_semaphore, #tpu.memory_space<semaphore_mem>>
      %dma_start3A_28 = arith.constant 0 : i32
      %dma_start3A_29 = tpu.memref_slice %arg8[%run_scoped3A_20, %dma_start3A_28] : memref<1x128xi32, #tpu.memory_space<vmem>> -> memref<1x128xi32, #tpu.memory_space<vmem>>
      %dma_start3A_30 = tpu.memref_squeeze %dma_start3A_29 : memref<1x128xi32, #tpu.memory_space<vmem>> -> memref<128xi32, #tpu.memory_space<vmem>>
      %dma_start3A_31 = arith.constant 0 : i32
      %dma_start3A_32 = arith.constant 0 : i32
      %dma_start3A_33 = tpu.memref_slice %arg14[%dma_start3A_31, %dma_start3A_32] : memref<5008x128xf32, #tpu.memory_space<vmem_shared>> -> memref<5008x128xf32, #tpu.memory_space<vmem_shared>>
      tpu.enqueue_indirect_dma source(%arg9 : memref<128x128xf32, #tpu.memory_space<vmem>>) target(%dma_start3A_33 : memref<5008x128xf32, #tpu.memory_space<vmem_shared>>) offsets(%dma_start3A_30 : memref<128xi32, #tpu.memory_space<vmem>>) semaphore(%run_scoped3A_27 : memref<!tpu.dma_semaphore, #tpu.memory_space<semaphore_mem>>) {add = true}
      %dma_wait3A_34 = arith.constant 0 : i32
      %dma_wait3A_35 = tpu.memref_slice %arg8[%run_scoped3A_20, %dma_wait3A_34] : memref<1x128xi32, #tpu.memory_space<vmem>> -> memref<1x128xi32, #tpu.memory_space<vmem>>
      %dma_wait3A_36 = tpu.memref_squeeze %dma_wait3A_35 : memref<1x128xi32, #tpu.memory_space<vmem>> -> memref<128xi32, #tpu.memory_space<vmem>>
      %dma_wait3A_37 = arith.constant 0 : i32
      %dma_wait3A_38 = arith.constant 0 : i32
      %dma_wait3A_39 = tpu.memref_slice %arg14[%dma_wait3A_37, %dma_wait3A_38] : memref<5008x128xf32, #tpu.memory_space<vmem_shared>> -> memref<5008x128xf32, #tpu.memory_space<vmem_shared>>
      tpu.wait_indirect_dma semaphore(%run_scoped3A_27 : memref<!tpu.dma_semaphore, #tpu.memory_space<semaphore_mem>>) src(%arg9 : memref<128x128xf32, #tpu.memory_space<vmem>>) dst(%dma_wait3A_39 : memref<5008x128xf32, #tpu.memory_space<vmem_shared>>)
      tpu.yield
    }) : () -> ()
    %barrier3A_21 = arith.constant 0 : index
    tpu.barrier barrier_id(%barrier3A_21)
    "tpu.region"() ({
      %run_scoped3A_27 = tpu.sem_alloc : memref<!tpu.dma_semaphore, #tpu.memory_space<semaphore_mem>>
      %dma_start3A_28 = arith.constant 0 : i32
      %dma_start3A_29 = tpu.memref_slice %arg6[%arg0, %mul3A_2, %dma_start3A_28] : memref<2x5008x128xf32, #tpu.memory_space<hbm>> -> memref<1x312x128xf32, #tpu.memory_space<hbm>>
      %dma_start3A_30 = tpu.memref_squeeze %dma_start3A_29 : memref<1x312x128xf32, #tpu.memory_space<hbm>> -> memref<312x128xf32, #tpu.memory_space<hbm>>
      %dma_start3A_31 = arith.constant 0 : i32
      %dma_start3A_32 = tpu.memref_slice %arg14[%mul3A_2, %dma_start3A_31] : memref<5008x128xf32, #tpu.memory_space<vmem_shared>> -> memref<312x128xf32, #tpu.memory_space<vmem_shared>>
      tpu.enqueue_dma source(%dma_start3A_32 : memref<312x128xf32, #tpu.memory_space<vmem_shared>>) target(%dma_start3A_30 : memref<312x128xf32, #tpu.memory_space<hbm>>) target_semaphore(%run_scoped3A_27 : memref<!tpu.dma_semaphore, #tpu.memory_space<semaphore_mem>>)
      %dma_wait3A_33 = arith.constant 0 : i32
      %dma_wait3A_34 = tpu.memref_slice %arg6[%arg0, %mul3A_2, %dma_wait3A_33] : memref<2x5008x128xf32, #tpu.memory_space<hbm>> -> memref<1x312x128xf32, #tpu.memory_space<hbm>>
      %dma_wait3A_35 = tpu.memref_squeeze %dma_wait3A_34 : memref<1x312x128xf32, #tpu.memory_space<hbm>> -> memref<312x128xf32, #tpu.memory_space<hbm>>
      %dma_wait3A_36 = arith.constant 0 : i32
      %dma_wait3A_37 = tpu.memref_slice %arg14[%mul3A_2, %dma_wait3A_36] : memref<5008x128xf32, #tpu.memory_space<vmem_shared>> -> memref<312x128xf32, #tpu.memory_space<vmem_shared>>
      tpu.wait_dma2 semaphore(%run_scoped3A_27 : memref<!tpu.dma_semaphore, #tpu.memory_space<semaphore_mem>>) src(%dma_wait3A_37 : memref<312x128xf32, #tpu.memory_space<vmem_shared>>) dst(%dma_wait3A_35 : memref<312x128xf32, #tpu.memory_space<hbm>>)
      tpu.yield
    }) : () -> ()
    %eq3A_22 = arith.constant 0 : i32
    %eq3A_23 = arith.cmpi eq, %arg1, %eq3A_22 : i32
    %convert_element_type3A_24 = arith.extui %eq3A_23 : i1 to i32
    %cond3A_25 = arith.constant 0 : i32
    %cond3A_26 = arith.cmpi ne, %convert_element_type3A_24, %cond3A_25 : i32
    scf.if %cond3A_26 {
      "tpu.region"() ({
        %run_scoped3A_27 = tpu.sem_alloc : memref<!tpu.dma_semaphore, #tpu.memory_space<semaphore_mem>>
        %dma_start3A_28 = arith.constant 4992 : i32
        %dma_start3A_29 = arith.constant 0 : i32
        %dma_start3A_30 = tpu.memref_slice %arg6[%arg0, %dma_start3A_28, %dma_start3A_29] : memref<2x5008x128xf32, #tpu.memory_space<hbm>> -> memref<1x16x128xf32, #tpu.memory_space<hbm>>
        %dma_start3A_31 = tpu.memref_squeeze %dma_start3A_30 : memref<1x16x128xf32, #tpu.memory_space<hbm>> -> memref<16x128xf32, #tpu.memory_space<hbm>>
        %dma_start3A_32 = arith.constant 4992 : i32
        %dma_start3A_33 = arith.constant 0 : i32
        %dma_start3A_34 = tpu.memref_slice %arg14[%dma_start3A_32, %dma_start3A_33] : memref<5008x128xf32, #tpu.memory_space<vmem_shared>> -> memref<16x128xf32, #tpu.memory_space<vmem_shared>>
        tpu.enqueue_dma source(%dma_start3A_34 : memref<16x128xf32, #tpu.memory_space<vmem_shared>>) target(%dma_start3A_31 : memref<16x128xf32, #tpu.memory_space<hbm>>) target_semaphore(%run_scoped3A_27 : memref<!tpu.dma_semaphore, #tpu.memory_space<semaphore_mem>>)
        %dma_wait3A_35 = arith.constant 4992 : i32
        %dma_wait3A_36 = arith.constant 0 : i32
        %dma_wait3A_37 = tpu.memref_slice %arg6[%arg0, %dma_wait3A_35, %dma_wait3A_36] : memref<2x5008x128xf32, #tpu.memory_space<hbm>> -> memref<1x16x128xf32, #tpu.memory_space<hbm>>
        %dma_wait3A_38 = tpu.memref_squeeze %dma_wait3A_37 : memref<1x16x128xf32, #tpu.memory_space<hbm>> -> memref<16x128xf32, #tpu.memory_space<hbm>>
        %dma_wait3A_39 = arith.constant 4992 : i32
        %dma_wait3A_40 = arith.constant 0 : i32
        %dma_wait3A_41 = tpu.memref_slice %arg14[%dma_wait3A_39, %dma_wait3A_40] : memref<5008x128xf32, #tpu.memory_space<vmem_shared>> -> memref<16x128xf32, #tpu.memory_space<vmem_shared>>
        tpu.wait_dma2 semaphore(%run_scoped3A_27 : memref<!tpu.dma_semaphore, #tpu.memory_space<semaphore_mem>>) src(%dma_wait3A_41 : memref<16x128xf32, #tpu.memory_space<vmem_shared>>) dst(%dma_wait3A_38 : memref<16x128xf32, #tpu.memory_space<hbm>>)
        tpu.yield
      }) : () -> ()
    } else {
    }
    return
  }
}

#map = affine_map<(d0, d1) -> (0)>
#map1 = affine_map<(d0, d1) -> (0, 0)>
#map2 = affine_map<(d0, d1) -> (0, 0, 0)>
module attributes {stable_mosaic.version = 14 : i64} {
  func.func @_segsum_body(%arg0: i32, %arg1: i32, %arg2: memref<321536xi32, #tpu.memory_space<hbm>>, %arg3: memref<2x321536xi32, #tpu.memory_space<hbm>>, %arg4: memref<10000x128xf32, #tpu.memory_space<hbm>>, %arg5: memref<104x128xf32, #tpu.memory_space<hbm>>, %arg6: memref<2x5008x128xf32, #tpu.memory_space<hbm>>, %arg7: memref<128xi32, #tpu.memory_space<vmem>>, %arg8: memref<1x128xi32, #tpu.memory_space<vmem>>, %arg9: memref<128x128xf32, #tpu.memory_space<vmem>>, %arg10: memref<128xi32, #tpu.memory_space<vmem>>, %arg11: memref<1x128xi32, #tpu.memory_space<vmem>>, %arg12: memref<128x128xf32, #tpu.memory_space<vmem>>, %arg13: memref<104x128xf32, #tpu.memory_space<vmem>>, %arg14: memref<5008x128xf32, #tpu.memory_space<vmem_shared>>, %arg15: memref<!tpu.dma_semaphore, #tpu.memory_space<semaphore_mem>>, %arg16: memref<!tpu.dma_semaphore, #tpu.memory_space<semaphore_mem>>) attributes {dimension_semantics = [#tpu.dimension_semantics<core_parallel>, #tpu.dimension_semantics<subcore_parallel>], iteration_bounds = array<i64: 2, 16>, scalar_prefetch = 0 : i64, scratch_operands = 10 : i64, tpu.core_type = #tpu.core_type<sc_vector_subcore>, window_params = [{transform_indices = #map}, {transform_indices = #map1}, {transform_indices = #map1}, {transform_indices = #map1}, {transform_indices = #map2}]} {
    %mul3A = arith.constant 20096 : i32
    %mul3A_0 = arith.muli %arg1, %mul3A : i32
    %mul3A_1 = arith.constant 312 : i32
    %mul3A_2 = arith.muli %arg1, %mul3A_1 : i32
    "tpu.region"() ({
      %run_scoped3A_27 = tpu.sem_alloc : memref<!tpu.dma_semaphore, #tpu.memory_space<semaphore_mem>>
      tpu.enqueue_dma source(%arg5 : memref<104x128xf32, #tpu.memory_space<hbm>>) target(%arg13 : memref<104x128xf32, #tpu.memory_space<vmem>>) target_semaphore(%run_scoped3A_27 : memref<!tpu.dma_semaphore, #tpu.memory_space<semaphore_mem>>)
      tpu.wait_dma2 semaphore(%run_scoped3A_27 : memref<!tpu.dma_semaphore, #tpu.memory_space<semaphore_mem>>) src(%arg5 : memref<104x128xf32, #tpu.memory_space<hbm>>) dst(%arg13 : memref<104x128xf32, #tpu.memory_space<vmem>>)
      tpu.yield
    }) : () -> ()
    %add3A = arith.constant 0 : i32
    %add3A_3 = arith.addi %mul3A_2, %add3A : i32
    "tpu.region"() ({
      %run_scoped3A_27 = tpu.sem_alloc : memref<!tpu.dma_semaphore, #tpu.memory_space<semaphore_mem>>
      %dma_start3A_28 = arith.constant 0 : i32
      %dma_start3A_29 = tpu.memref_slice %arg14[%add3A_3, %dma_start3A_28] : memref<5008x128xf32, #tpu.memory_space<vmem_shared>> -> memref<104x128xf32, #tpu.memory_space<vmem_shared>>
      %dma_start3A_30 = arith.constant 0 : i32
      %dma_start3A_31 = tpu.memref_slice %arg14[%add3A_3, %dma_start3A_30] : memref<5008x128xf32, #tpu.memory_space<vmem_shared>> -> memref<104x128xf32, #tpu.memory_space<vmem_shared>>
      tpu.enqueue_dma source(%arg13 : memref<104x128xf32, #tpu.memory_space<vmem>>) target(%dma_start3A_31 : memref<104x128xf32, #tpu.memory_space<vmem_shared>>) target_semaphore(%run_scoped3A_27 : memref<!tpu.dma_semaphore, #tpu.memory_space<semaphore_mem>>)
      %dma_wait3A_32 = arith.constant 0 : i32
      %dma_wait3A_33 = tpu.memref_slice %arg14[%add3A_3, %dma_wait3A_32] : memref<5008x128xf32, #tpu.memory_space<vmem_shared>> -> memref<104x128xf32, #tpu.memory_space<vmem_shared>>
      %dma_wait3A_34 = arith.constant 0 : i32
      %dma_wait3A_35 = tpu.memref_slice %arg14[%add3A_3, %dma_wait3A_34] : memref<5008x128xf32, #tpu.memory_space<vmem_shared>> -> memref<104x128xf32, #tpu.memory_space<vmem_shared>>
      tpu.wait_dma2 semaphore(%run_scoped3A_27 : memref<!tpu.dma_semaphore, #tpu.memory_space<semaphore_mem>>) src(%arg13 : memref<104x128xf32, #tpu.memory_space<vmem>>) dst(%dma_wait3A_35 : memref<104x128xf32, #tpu.memory_space<vmem_shared>>)
      tpu.yield
    }) : () -> ()
    %add3A_4 = arith.constant 104 : i32
    %add3A_5 = arith.addi %mul3A_2, %add3A_4 : i32
    "tpu.region"() ({
      %run_scoped3A_27 = tpu.sem_alloc : memref<!tpu.dma_semaphore, #tpu.memory_space<semaphore_mem>>
      %dma_start3A_28 = arith.constant 0 : i32
      %dma_start3A_29 = tpu.memref_slice %arg14[%add3A_5, %dma_start3A_28] : memref<5008x128xf32, #tpu.memory_space<vmem_shared>> -> memref<104x128xf32, #tpu.memory_space<vmem_shared>>
      %dma_start3A_30 = arith.constant 0 : i32
      %dma_start3A_31 = tpu.memref_slice %arg14[%add3A_5, %dma_start3A_30] : memref<5008x128xf32, #tpu.memory_space<vmem_shared>> -> memref<104x128xf32, #tpu.memory_space<vmem_shared>>
      tpu.enqueue_dma source(%arg13 : memref<104x128xf32, #tpu.memory_space<vmem>>) target(%dma_start3A_31 : memref<104x128xf32, #tpu.memory_space<vmem_shared>>) target_semaphore(%run_scoped3A_27 : memref<!tpu.dma_semaphore, #tpu.memory_space<semaphore_mem>>)
      %dma_wait3A_32 = arith.constant 0 : i32
      %dma_wait3A_33 = tpu.memref_slice %arg14[%add3A_5, %dma_wait3A_32] : memref<5008x128xf32, #tpu.memory_space<vmem_shared>> -> memref<104x128xf32, #tpu.memory_space<vmem_shared>>
      %dma_wait3A_34 = arith.constant 0 : i32
      %dma_wait3A_35 = tpu.memref_slice %arg14[%add3A_5, %dma_wait3A_34] : memref<5008x128xf32, #tpu.memory_space<vmem_shared>> -> memref<104x128xf32, #tpu.memory_space<vmem_shared>>
      tpu.wait_dma2 semaphore(%run_scoped3A_27 : memref<!tpu.dma_semaphore, #tpu.memory_space<semaphore_mem>>) src(%arg13 : memref<104x128xf32, #tpu.memory_space<vmem>>) dst(%dma_wait3A_35 : memref<104x128xf32, #tpu.memory_space<vmem_shared>>)
      tpu.yield
    }) : () -> ()
    %add3A_6 = arith.constant 208 : i32
    %add3A_7 = arith.addi %mul3A_2, %add3A_6 : i32
    "tpu.region"() ({
      %run_scoped3A_27 = tpu.sem_alloc : memref<!tpu.dma_semaphore, #tpu.memory_space<semaphore_mem>>
      %dma_start3A_28 = arith.constant 0 : i32
      %dma_start3A_29 = tpu.memref_slice %arg14[%add3A_7, %dma_start3A_28] : memref<5008x128xf32, #tpu.memory_space<vmem_shared>> -> memref<104x128xf32, #tpu.memory_space<vmem_shared>>
      %dma_start3A_30 = arith.constant 0 : i32
      %dma_start3A_31 = tpu.memref_slice %arg14[%add3A_7, %dma_start3A_30] : memref<5008x128xf32, #tpu.memory_space<vmem_shared>> -> memref<104x128xf32, #tpu.memory_space<vmem_shared>>
      tpu.enqueue_dma source(%arg13 : memref<104x128xf32, #tpu.memory_space<vmem>>) target(%dma_start3A_31 : memref<104x128xf32, #tpu.memory_space<vmem_shared>>) target_semaphore(%run_scoped3A_27 : memref<!tpu.dma_semaphore, #tpu.memory_space<semaphore_mem>>)
      %dma_wait3A_32 = arith.constant 0 : i32
      %dma_wait3A_33 = tpu.memref_slice %arg14[%add3A_7, %dma_wait3A_32] : memref<5008x128xf32, #tpu.memory_space<vmem_shared>> -> memref<104x128xf32, #tpu.memory_space<vmem_shared>>
      %dma_wait3A_34 = arith.constant 0 : i32
      %dma_wait3A_35 = tpu.memref_slice %arg14[%add3A_7, %dma_wait3A_34] : memref<5008x128xf32, #tpu.memory_space<vmem_shared>> -> memref<104x128xf32, #tpu.memory_space<vmem_shared>>
      tpu.wait_dma2 semaphore(%run_scoped3A_27 : memref<!tpu.dma_semaphore, #tpu.memory_space<semaphore_mem>>) src(%arg13 : memref<104x128xf32, #tpu.memory_space<vmem>>) dst(%dma_wait3A_35 : memref<104x128xf32, #tpu.memory_space<vmem_shared>>)
      tpu.yield
    }) : () -> ()
    %eq3A = arith.constant 0 : i32
    %eq3A_8 = arith.cmpi eq, %arg1, %eq3A : i32
    %convert_element_type3A = arith.extui %eq3A_8 : i1 to i32
    %cond3A = arith.constant 0 : i32
    %cond3A_9 = arith.cmpi ne, %convert_element_type3A, %cond3A : i32
    scf.if %cond3A_9 {
      "tpu.region"() ({
        %run_scoped3A_27 = tpu.sem_alloc : memref<!tpu.dma_semaphore, #tpu.memory_space<semaphore_mem>>
        %dma_start3A_28 = arith.constant 0 : i32
        %dma_start3A_29 = arith.constant 0 : i32
        %dma_start3A_30 = tpu.memref_slice %arg13[%dma_start3A_28, %dma_start3A_29] : memref<104x128xf32, #tpu.memory_space<vmem>> -> memref<16x128xf32, #tpu.memory_space<vmem>>
        %dma_start3A_31 = arith.constant 4992 : i32
        %dma_start3A_32 = arith.constant 0 : i32
        %dma_start3A_33 = tpu.memref_slice %arg14[%dma_start3A_31, %dma_start3A_32] : memref<5008x128xf32, #tpu.memory_space<vmem_shared>> -> memref<16x128xf32, #tpu.memory_space<vmem_shared>>
        %dma_start3A_34 = arith.constant 4992 : i32
        %dma_start3A_35 = arith.constant 0 : i32
        %dma_start3A_36 = tpu.memref_slice %arg14[%dma_start3A_34, %dma_start3A_35] : memref<5008x128xf32, #tpu.memory_space<vmem_shared>> -> memref<16x128xf32, #tpu.memory_space<vmem_shared>>
        %dma_start3A_37 = arith.constant 0 : i32
        %dma_start3A_38 = arith.constant 0 : i32
        %dma_start3A_39 = tpu.memref_slice %arg13[%dma_start3A_37, %dma_start3A_38] : memref<104x128xf32, #tpu.memory_space<vmem>> -> memref<16x128xf32, #tpu.memory_space<vmem>>
        tpu.enqueue_dma source(%dma_start3A_39 : memref<16x128xf32, #tpu.memory_space<vmem>>) target(%dma_start3A_36 : memref<16x128xf32, #tpu.memory_space<vmem_shared>>) target_semaphore(%run_scoped3A_27 : memref<!tpu.dma_semaphore, #tpu.memory_space<semaphore_mem>>)
        %dma_wait3A_40 = arith.constant 0 : i32
        %dma_wait3A_41 = arith.constant 0 : i32
        %dma_wait3A_42 = tpu.memref_slice %arg13[%dma_wait3A_40, %dma_wait3A_41] : memref<104x128xf32, #tpu.memory_space<vmem>> -> memref<16x128xf32, #tpu.memory_space<vmem>>
        %dma_wait3A_43 = arith.constant 4992 : i32
        %dma_wait3A_44 = arith.constant 0 : i32
        %dma_wait3A_45 = tpu.memref_slice %arg14[%dma_wait3A_43, %dma_wait3A_44] : memref<5008x128xf32, #tpu.memory_space<vmem_shared>> -> memref<16x128xf32, #tpu.memory_space<vmem_shared>>
        %dma_wait3A_46 = arith.constant 4992 : i32
        %dma_wait3A_47 = arith.constant 0 : i32
        %dma_wait3A_48 = tpu.memref_slice %arg14[%dma_wait3A_46, %dma_wait3A_47] : memref<5008x128xf32, #tpu.memory_space<vmem_shared>> -> memref<16x128xf32, #tpu.memory_space<vmem_shared>>
        %dma_wait3A_49 = arith.constant 0 : i32
        %dma_wait3A_50 = arith.constant 0 : i32
        %dma_wait3A_51 = tpu.memref_slice %arg13[%dma_wait3A_49, %dma_wait3A_50] : memref<104x128xf32, #tpu.memory_space<vmem>> -> memref<16x128xf32, #tpu.memory_space<vmem>>
        tpu.wait_dma2 semaphore(%run_scoped3A_27 : memref<!tpu.dma_semaphore, #tpu.memory_space<semaphore_mem>>) src(%dma_wait3A_51 : memref<16x128xf32, #tpu.memory_space<vmem>>) dst(%dma_wait3A_48 : memref<16x128xf32, #tpu.memory_space<vmem_shared>>)
        tpu.yield
      }) : () -> ()
    } else {
    }
    %barrier3A = arith.constant 0 : index
    tpu.barrier barrier_id(%barrier3A)
    %add3A_10 = arith.constant 0 : i32
    %add3A_11 = arith.addi %mul3A_0, %add3A_10 : i32
    "tpu.region"() ({
      %run_scoped3A_27 = tpu.sem_alloc : memref<!tpu.dma_semaphore, #tpu.memory_space<semaphore_mem>>
      %dma_start3A_28 = tpu.memref_slice %arg2[%add3A_11] : memref<321536xi32, #tpu.memory_space<hbm>> -> memref<128xi32, #tpu.memory_space<hbm>>
      %dma_start3A_29 = tpu.memref_slice %arg2[%add3A_11] : memref<321536xi32, #tpu.memory_space<hbm>> -> memref<128xi32, #tpu.memory_space<hbm>>
      tpu.enqueue_dma source(%dma_start3A_29 : memref<128xi32, #tpu.memory_space<hbm>>) target(%arg7 : memref<128xi32, #tpu.memory_space<vmem>>) target_semaphore(%run_scoped3A_27 : memref<!tpu.dma_semaphore, #tpu.memory_space<semaphore_mem>>)
      %dma_wait3A_30 = tpu.memref_slice %arg2[%add3A_11] : memref<321536xi32, #tpu.memory_space<hbm>> -> memref<128xi32, #tpu.memory_space<hbm>>
      %dma_wait3A_31 = tpu.memref_slice %arg2[%add3A_11] : memref<321536xi32, #tpu.memory_space<hbm>> -> memref<128xi32, #tpu.memory_space<hbm>>
      tpu.wait_dma2 semaphore(%run_scoped3A_27 : memref<!tpu.dma_semaphore, #tpu.memory_space<semaphore_mem>>) src(%dma_wait3A_31 : memref<128xi32, #tpu.memory_space<hbm>>) dst(%arg7 : memref<128xi32, #tpu.memory_space<vmem>>)
      tpu.yield
    }) : () -> ()
    %run_scoped3A = arith.constant 0 : i32
    "tpu.region"() ({
      %run_scoped3A_27 = tpu.sem_alloc : memref<!tpu.dma_semaphore, #tpu.memory_space<semaphore_mem>>
      %dma_start3A_28 = arith.constant 0 : i32
      %dma_start3A_29 = tpu.memref_slice %arg8[%run_scoped3A, %dma_start3A_28] : memref<1x128xi32, #tpu.memory_space<vmem>> -> memref<1x128xi32, #tpu.memory_space<vmem>>
      %dma_start3A_30 = tpu.memref_squeeze %dma_start3A_29 : memref<1x128xi32, #tpu.memory_space<vmem>> -> memref<128xi32, #tpu.memory_space<vmem>>
      %dma_start3A_31 = tpu.memref_slice %arg3[%arg0, %add3A_11] : memref<2x321536xi32, #tpu.memory_space<hbm>> -> memref<1x128xi32, #tpu.memory_space<hbm>>
      %dma_start3A_32 = tpu.memref_squeeze %dma_start3A_31 : memref<1x128xi32, #tpu.memory_space<hbm>> -> memref<128xi32, #tpu.memory_space<hbm>>
      %dma_start3A_33 = arith.constant 0 : i32
      %dma_start3A_34 = tpu.memref_slice %arg8[%run_scoped3A, %dma_start3A_33] : memref<1x128xi32, #tpu.memory_space<vmem>> -> memref<1x128xi32, #tpu.memory_space<vmem>>
      %dma_start3A_35 = tpu.memref_squeeze %dma_start3A_34 : memref<1x128xi32, #tpu.memory_space<vmem>> -> memref<128xi32, #tpu.memory_space<vmem>>
      %dma_start3A_36 = tpu.memref_slice %arg3[%arg0, %add3A_11] : memref<2x321536xi32, #tpu.memory_space<hbm>> -> memref<1x128xi32, #tpu.memory_space<hbm>>
      %dma_start3A_37 = tpu.memref_squeeze %dma_start3A_36 : memref<1x128xi32, #tpu.memory_space<hbm>> -> memref<128xi32, #tpu.memory_space<hbm>>
      tpu.enqueue_dma source(%dma_start3A_37 : memref<128xi32, #tpu.memory_space<hbm>>) target(%dma_start3A_35 : memref<128xi32, #tpu.memory_space<vmem>>) target_semaphore(%run_scoped3A_27 : memref<!tpu.dma_semaphore, #tpu.memory_space<semaphore_mem>>)
      %dma_wait3A_38 = arith.constant 0 : i32
      %dma_wait3A_39 = tpu.memref_slice %arg8[%run_scoped3A, %dma_wait3A_38] : memref<1x128xi32, #tpu.memory_space<vmem>> -> memref<1x128xi32, #tpu.memory_space<vmem>>
      %dma_wait3A_40 = tpu.memref_squeeze %dma_wait3A_39 : memref<1x128xi32, #tpu.memory_space<vmem>> -> memref<128xi32, #tpu.memory_space<vmem>>
      %dma_wait3A_41 = tpu.memref_slice %arg3[%arg0, %add3A_11] : memref<2x321536xi32, #tpu.memory_space<hbm>> -> memref<1x128xi32, #tpu.memory_space<hbm>>
      %dma_wait3A_42 = tpu.memref_squeeze %dma_wait3A_41 : memref<1x128xi32, #tpu.memory_space<hbm>> -> memref<128xi32, #tpu.memory_space<hbm>>
      %dma_wait3A_43 = arith.constant 0 : i32
      %dma_wait3A_44 = tpu.memref_slice %arg8[%run_scoped3A, %dma_wait3A_43] : memref<1x128xi32, #tpu.memory_space<vmem>> -> memref<1x128xi32, #tpu.memory_space<vmem>>
      %dma_wait3A_45 = tpu.memref_squeeze %dma_wait3A_44 : memref<1x128xi32, #tpu.memory_space<vmem>> -> memref<128xi32, #tpu.memory_space<vmem>>
      %dma_wait3A_46 = tpu.memref_slice %arg3[%arg0, %add3A_11] : memref<2x321536xi32, #tpu.memory_space<hbm>> -> memref<1x128xi32, #tpu.memory_space<hbm>>
      %dma_wait3A_47 = tpu.memref_squeeze %dma_wait3A_46 : memref<1x128xi32, #tpu.memory_space<hbm>> -> memref<128xi32, #tpu.memory_space<hbm>>
      tpu.wait_dma2 semaphore(%run_scoped3A_27 : memref<!tpu.dma_semaphore, #tpu.memory_space<semaphore_mem>>) src(%dma_wait3A_47 : memref<128xi32, #tpu.memory_space<hbm>>) dst(%dma_wait3A_45 : memref<128xi32, #tpu.memory_space<vmem>>)
      tpu.yield
    }) : () -> ()
    %dma_start3A = arith.constant 0 : i32
    %dma_start3A_12 = arith.constant 0 : i32
    %dma_start3A_13 = tpu.memref_slice %arg4[%dma_start3A, %dma_start3A_12] : memref<10000x128xf32, #tpu.memory_space<hbm>> -> memref<10000x128xf32, #tpu.memory_space<hbm>>
    tpu.enqueue_indirect_dma source(%dma_start3A_13 : memref<10000x128xf32, #tpu.memory_space<hbm>>) target(%arg9 : memref<128x128xf32, #tpu.memory_space<vmem>>) offsets(%arg7 : memref<128xi32, #tpu.memory_space<vmem>>) semaphore(%arg15 : memref<!tpu.dma_semaphore, #tpu.memory_space<semaphore_mem>>)
    %scan3A = arith.constant 0 : i32
    %scan3A_14 = arith.constant 78 : i32
    %scan3A_15 = arith.addi %scan3A, %scan3A_14 : i32
    %scan3A_16 = arith.constant 1 : i32
    scf.for %scan3A_27 = %scan3A to %scan3A_15 step %scan3A_16  : i32 {
      %mul3A_28 = arith.constant 1 : i32
      %mul3A_29 = arith.muli %scan3A_27, %mul3A_28 : i32
      %add3A_30 = arith.constant 0 : i32
      %add3A_31 = arith.addi %add3A_30, %mul3A_29 : i32
      %mul3A_32 = arith.constant 2 : i32
      %mul3A_33 = arith.muli %mul3A_32, %add3A_31 : i32
      %add3A_34 = arith.constant 1 : i32
      %add3A_35 = arith.addi %mul3A_33, %add3A_34 : i32
      %mul3A_36 = arith.constant 128 : i32
      %mul3A_37 = arith.muli %add3A_35, %mul3A_36 : i32
      %add3A_38 = arith.addi %mul3A_0, %mul3A_37 : i32
      "tpu.region"() ({
        %run_scoped3A_60 = tpu.sem_alloc : memref<!tpu.dma_semaphore, #tpu.memory_space<semaphore_mem>>
        %dma_start3A_61 = tpu.memref_slice %arg2[%add3A_38] : memref<321536xi32, #tpu.memory_space<hbm>> -> memref<128xi32, #tpu.memory_space<hbm>>
        %dma_start3A_62 = tpu.memref_slice %arg2[%add3A_38] : memref<321536xi32, #tpu.memory_space<hbm>> -> memref<128xi32, #tpu.memory_space<hbm>>
        tpu.enqueue_dma source(%dma_start3A_62 : memref<128xi32, #tpu.memory_space<hbm>>) target(%arg10 : memref<128xi32, #tpu.memory_space<vmem>>) target_semaphore(%run_scoped3A_60 : memref<!tpu.dma_semaphore, #tpu.memory_space<semaphore_mem>>)
        %dma_wait3A_63 = tpu.memref_slice %arg2[%add3A_38] : memref<321536xi32, #tpu.memory_space<hbm>> -> memref<128xi32, #tpu.memory_space<hbm>>
        %dma_wait3A_64 = tpu.memref_slice %arg2[%add3A_38] : memref<321536xi32, #tpu.memory_space<hbm>> -> memref<128xi32, #tpu.memory_space<hbm>>
        tpu.wait_dma2 semaphore(%run_scoped3A_60 : memref<!tpu.dma_semaphore, #tpu.memory_space<semaphore_mem>>) src(%dma_wait3A_64 : memref<128xi32, #tpu.memory_space<hbm>>) dst(%arg10 : memref<128xi32, #tpu.memory_space<vmem>>)
        tpu.yield
      }) : () -> ()
      %run_scoped3A_39 = arith.constant 0 : i32
      "tpu.region"() ({
        %run_scoped3A_60 = tpu.sem_alloc : memref<!tpu.dma_semaphore, #tpu.memory_space<semaphore_mem>>
        %dma_start3A_61 = arith.constant 0 : i32
        %dma_start3A_62 = tpu.memref_slice %arg11[%run_scoped3A_39, %dma_start3A_61] : memref<1x128xi32, #tpu.memory_space<vmem>> -> memref<1x128xi32, #tpu.memory_space<vmem>>
        %dma_start3A_63 = tpu.memref_squeeze %dma_start3A_62 : memref<1x128xi32, #tpu.memory_space<vmem>> -> memref<128xi32, #tpu.memory_space<vmem>>
        %dma_start3A_64 = tpu.memref_slice %arg3[%arg0, %add3A_38] : memref<2x321536xi32, #tpu.memory_space<hbm>> -> memref<1x128xi32, #tpu.memory_space<hbm>>
        %dma_start3A_65 = tpu.memref_squeeze %dma_start3A_64 : memref<1x128xi32, #tpu.memory_space<hbm>> -> memref<128xi32, #tpu.memory_space<hbm>>
        %dma_start3A_66 = arith.constant 0 : i32
        %dma_start3A_67 = tpu.memref_slice %arg11[%run_scoped3A_39, %dma_start3A_66] : memref<1x128xi32, #tpu.memory_space<vmem>> -> memref<1x128xi32, #tpu.memory_space<vmem>>
        %dma_start3A_68 = tpu.memref_squeeze %dma_start3A_67 : memref<1x128xi32, #tpu.memory_space<vmem>> -> memref<128xi32, #tpu.memory_space<vmem>>
        %dma_start3A_69 = tpu.memref_slice %arg3[%arg0, %add3A_38] : memref<2x321536xi32, #tpu.memory_space<hbm>> -> memref<1x128xi32, #tpu.memory_space<hbm>>
        %dma_start3A_70 = tpu.memref_squeeze %dma_start3A_69 : memref<1x128xi32, #tpu.memory_space<hbm>> -> memref<128xi32, #tpu.memory_space<hbm>>
        tpu.enqueue_dma source(%dma_start3A_70 : memref<128xi32, #tpu.memory_space<hbm>>) target(%dma_start3A_68 : memref<128xi32, #tpu.memory_space<vmem>>) target_semaphore(%run_scoped3A_60 : memref<!tpu.dma_semaphore, #tpu.memory_space<semaphore_mem>>)
        %dma_wait3A_71 = arith.constant 0 : i32
        %dma_wait3A_72 = tpu.memref_slice %arg11[%run_scoped3A_39, %dma_wait3A_71] : memref<1x128xi32, #tpu.memory_space<vmem>> -> memref<1x128xi32, #tpu.memory_space<vmem>>
        %dma_wait3A_73 = tpu.memref_squeeze %dma_wait3A_72 : memref<1x128xi32, #tpu.memory_space<vmem>> -> memref<128xi32, #tpu.memory_space<vmem>>
        %dma_wait3A_74 = tpu.memref_slice %arg3[%arg0, %add3A_38] : memref<2x321536xi32, #tpu.memory_space<hbm>> -> memref<1x128xi32, #tpu.memory_space<hbm>>
        %dma_wait3A_75 = tpu.memref_squeeze %dma_wait3A_74 : memref<1x128xi32, #tpu.memory_space<hbm>> -> memref<128xi32, #tpu.memory_space<hbm>>
        %dma_wait3A_76 = arith.constant 0 : i32
        %dma_wait3A_77 = tpu.memref_slice %arg11[%run_scoped3A_39, %dma_wait3A_76] : memref<1x128xi32, #tpu.memory_space<vmem>> -> memref<1x128xi32, #tpu.memory_space<vmem>>
        %dma_wait3A_78 = tpu.memref_squeeze %dma_wait3A_77 : memref<1x128xi32, #tpu.memory_space<vmem>> -> memref<128xi32, #tpu.memory_space<vmem>>
        %dma_wait3A_79 = tpu.memref_slice %arg3[%arg0, %add3A_38] : memref<2x321536xi32, #tpu.memory_space<hbm>> -> memref<1x128xi32, #tpu.memory_space<hbm>>
        %dma_wait3A_80 = tpu.memref_squeeze %dma_wait3A_79 : memref<1x128xi32, #tpu.memory_space<hbm>> -> memref<128xi32, #tpu.memory_space<hbm>>
        tpu.wait_dma2 semaphore(%run_scoped3A_60 : memref<!tpu.dma_semaphore, #tpu.memory_space<semaphore_mem>>) src(%dma_wait3A_80 : memref<128xi32, #tpu.memory_space<hbm>>) dst(%dma_wait3A_78 : memref<128xi32, #tpu.memory_space<vmem>>)
        tpu.yield
      }) : () -> ()
      %dma_start3A_40 = arith.constant 0 : i32
      %dma_start3A_41 = arith.constant 0 : i32
      %dma_start3A_42 = tpu.memref_slice %arg4[%dma_start3A_40, %dma_start3A_41] : memref<10000x128xf32, #tpu.memory_space<hbm>> -> memref<10000x128xf32, #tpu.memory_space<hbm>>
      tpu.enqueue_indirect_dma source(%dma_start3A_42 : memref<10000x128xf32, #tpu.memory_space<hbm>>) target(%arg12 : memref<128x128xf32, #tpu.memory_space<vmem>>) offsets(%arg10 : memref<128xi32, #tpu.memory_space<vmem>>) semaphore(%arg16 : memref<!tpu.dma_semaphore, #tpu.memory_space<semaphore_mem>>)
      %dma_wait3A_43 = arith.constant 0 : i32
      %dma_wait3A_44 = arith.constant 0 : i32
      %dma_wait3A_45 = tpu.memref_slice %arg4[%dma_wait3A_43, %dma_wait3A_44] : memref<10000x128xf32, #tpu.memory_space<hbm>> -> memref<10000x128xf32, #tpu.memory_space<hbm>>
      tpu.wait_indirect_dma semaphore(%arg15 : memref<!tpu.dma_semaphore, #tpu.memory_space<semaphore_mem>>) src(%dma_wait3A_45 : memref<10000x128xf32, #tpu.memory_space<hbm>>) dst(%arg9 : memref<128x128xf32, #tpu.memory_space<vmem>>)
      %run_scoped3A_46 = arith.constant 0 : i32
      "tpu.region"() ({
        %run_scoped3A_60 = tpu.sem_alloc : memref<!tpu.dma_semaphore, #tpu.memory_space<semaphore_mem>>
        %dma_start3A_61 = arith.constant 0 : i32
        %dma_start3A_62 = tpu.memref_slice %arg8[%run_scoped3A_46, %dma_start3A_61] : memref<1x128xi32, #tpu.memory_space<vmem>> -> memref<1x128xi32, #tpu.memory_space<vmem>>
        %dma_start3A_63 = tpu.memref_squeeze %dma_start3A_62 : memref<1x128xi32, #tpu.memory_space<vmem>> -> memref<128xi32, #tpu.memory_space<vmem>>
        %dma_start3A_64 = arith.constant 0 : i32
        %dma_start3A_65 = arith.constant 0 : i32
        %dma_start3A_66 = tpu.memref_slice %arg14[%dma_start3A_64, %dma_start3A_65] : memref<5008x128xf32, #tpu.memory_space<vmem_shared>> -> memref<5008x128xf32, #tpu.memory_space<vmem_shared>>
        tpu.enqueue_indirect_dma source(%arg9 : memref<128x128xf32, #tpu.memory_space<vmem>>) target(%dma_start3A_66 : memref<5008x128xf32, #tpu.memory_space<vmem_shared>>) offsets(%dma_start3A_63 : memref<128xi32, #tpu.memory_space<vmem>>) semaphore(%run_scoped3A_60 : memref<!tpu.dma_semaphore, #tpu.memory_space<semaphore_mem>>) {add = true}
        %dma_wait3A_67 = arith.constant 0 : i32
        %dma_wait3A_68 = tpu.memref_slice %arg8[%run_scoped3A_46, %dma_wait3A_67] : memref<1x128xi32, #tpu.memory_space<vmem>> -> memref<1x128xi32, #tpu.memory_space<vmem>>
        %dma_wait3A_69 = tpu.memref_squeeze %dma_wait3A_68 : memref<1x128xi32, #tpu.memory_space<vmem>> -> memref<128xi32, #tpu.memory_space<vmem>>
        %dma_wait3A_70 = arith.constant 0 : i32
        %dma_wait3A_71 = arith.constant 0 : i32
        %dma_wait3A_72 = tpu.memref_slice %arg14[%dma_wait3A_70, %dma_wait3A_71] : memref<5008x128xf32, #tpu.memory_space<vmem_shared>> -> memref<5008x128xf32, #tpu.memory_space<vmem_shared>>
        tpu.wait_indirect_dma semaphore(%run_scoped3A_60 : memref<!tpu.dma_semaphore, #tpu.memory_space<semaphore_mem>>) src(%arg9 : memref<128x128xf32, #tpu.memory_space<vmem>>) dst(%dma_wait3A_72 : memref<5008x128xf32, #tpu.memory_space<vmem_shared>>)
        tpu.yield
      }) : () -> ()
      %add3A_47 = arith.constant 2 : i32
      %add3A_48 = arith.addi %mul3A_33, %add3A_47 : i32
      %mul3A_49 = arith.constant 128 : i32
      %mul3A_50 = arith.muli %add3A_48, %mul3A_49 : i32
      %add3A_51 = arith.addi %mul3A_0, %mul3A_50 : i32
      "tpu.region"() ({
        %run_scoped3A_60 = tpu.sem_alloc : memref<!tpu.dma_semaphore, #tpu.memory_space<semaphore_mem>>
        %dma_start3A_61 = tpu.memref_slice %arg2[%add3A_51] : memref<321536xi32, #tpu.memory_space<hbm>> -> memref<128xi32, #tpu.memory_space<hbm>>
        %dma_start3A_62 = tpu.memref_slice %arg2[%add3A_51] : memref<321536xi32, #tpu.memory_space<hbm>> -> memref<128xi32, #tpu.memory_space<hbm>>
        tpu.enqueue_dma source(%dma_start3A_62 : memref<128xi32, #tpu.memory_space<hbm>>) target(%arg7 : memref<128xi32, #tpu.memory_space<vmem>>) target_semaphore(%run_scoped3A_60 : memref<!tpu.dma_semaphore, #tpu.memory_space<semaphore_mem>>)
        %dma_wait3A_63 = tpu.memref_slice %arg2[%add3A_51] : memref<321536xi32, #tpu.memory_space<hbm>> -> memref<128xi32, #tpu.memory_space<hbm>>
        %dma_wait3A_64 = tpu.memref_slice %arg2[%add3A_51] : memref<321536xi32, #tpu.memory_space<hbm>> -> memref<128xi32, #tpu.memory_space<hbm>>
        tpu.wait_dma2 semaphore(%run_scoped3A_60 : memref<!tpu.dma_semaphore, #tpu.memory_space<semaphore_mem>>) src(%dma_wait3A_64 : memref<128xi32, #tpu.memory_space<hbm>>) dst(%arg7 : memref<128xi32, #tpu.memory_space<vmem>>)
        tpu.yield
      }) : () -> ()
      %run_scoped3A_52 = arith.constant 0 : i32
      "tpu.region"() ({
        %run_scoped3A_60 = tpu.sem_alloc : memref<!tpu.dma_semaphore, #tpu.memory_space<semaphore_mem>>
        %dma_start3A_61 = arith.constant 0 : i32
        %dma_start3A_62 = tpu.memref_slice %arg8[%run_scoped3A_52, %dma_start3A_61] : memref<1x128xi32, #tpu.memory_space<vmem>> -> memref<1x128xi32, #tpu.memory_space<vmem>>
        %dma_start3A_63 = tpu.memref_squeeze %dma_start3A_62 : memref<1x128xi32, #tpu.memory_space<vmem>> -> memref<128xi32, #tpu.memory_space<vmem>>
        %dma_start3A_64 = tpu.memref_slice %arg3[%arg0, %add3A_51] : memref<2x321536xi32, #tpu.memory_space<hbm>> -> memref<1x128xi32, #tpu.memory_space<hbm>>
        %dma_start3A_65 = tpu.memref_squeeze %dma_start3A_64 : memref<1x128xi32, #tpu.memory_space<hbm>> -> memref<128xi32, #tpu.memory_space<hbm>>
        %dma_start3A_66 = arith.constant 0 : i32
        %dma_start3A_67 = tpu.memref_slice %arg8[%run_scoped3A_52, %dma_start3A_66] : memref<1x128xi32, #tpu.memory_space<vmem>> -> memref<1x128xi32, #tpu.memory_space<vmem>>
        %dma_start3A_68 = tpu.memref_squeeze %dma_start3A_67 : memref<1x128xi32, #tpu.memory_space<vmem>> -> memref<128xi32, #tpu.memory_space<vmem>>
        %dma_start3A_69 = tpu.memref_slice %arg3[%arg0, %add3A_51] : memref<2x321536xi32, #tpu.memory_space<hbm>> -> memref<1x128xi32, #tpu.memory_space<hbm>>
        %dma_start3A_70 = tpu.memref_squeeze %dma_start3A_69 : memref<1x128xi32, #tpu.memory_space<hbm>> -> memref<128xi32, #tpu.memory_space<hbm>>
        tpu.enqueue_dma source(%dma_start3A_70 : memref<128xi32, #tpu.memory_space<hbm>>) target(%dma_start3A_68 : memref<128xi32, #tpu.memory_space<vmem>>) target_semaphore(%run_scoped3A_60 : memref<!tpu.dma_semaphore, #tpu.memory_space<semaphore_mem>>)
        %dma_wait3A_71 = arith.constant 0 : i32
        %dma_wait3A_72 = tpu.memref_slice %arg8[%run_scoped3A_52, %dma_wait3A_71] : memref<1x128xi32, #tpu.memory_space<vmem>> -> memref<1x128xi32, #tpu.memory_space<vmem>>
        %dma_wait3A_73 = tpu.memref_squeeze %dma_wait3A_72 : memref<1x128xi32, #tpu.memory_space<vmem>> -> memref<128xi32, #tpu.memory_space<vmem>>
        %dma_wait3A_74 = tpu.memref_slice %arg3[%arg0, %add3A_51] : memref<2x321536xi32, #tpu.memory_space<hbm>> -> memref<1x128xi32, #tpu.memory_space<hbm>>
        %dma_wait3A_75 = tpu.memref_squeeze %dma_wait3A_74 : memref<1x128xi32, #tpu.memory_space<hbm>> -> memref<128xi32, #tpu.memory_space<hbm>>
        %dma_wait3A_76 = arith.constant 0 : i32
        %dma_wait3A_77 = tpu.memref_slice %arg8[%run_scoped3A_52, %dma_wait3A_76] : memref<1x128xi32, #tpu.memory_space<vmem>> -> memref<1x128xi32, #tpu.memory_space<vmem>>
        %dma_wait3A_78 = tpu.memref_squeeze %dma_wait3A_77 : memref<1x128xi32, #tpu.memory_space<vmem>> -> memref<128xi32, #tpu.memory_space<vmem>>
        %dma_wait3A_79 = tpu.memref_slice %arg3[%arg0, %add3A_51] : memref<2x321536xi32, #tpu.memory_space<hbm>> -> memref<1x128xi32, #tpu.memory_space<hbm>>
        %dma_wait3A_80 = tpu.memref_squeeze %dma_wait3A_79 : memref<1x128xi32, #tpu.memory_space<hbm>> -> memref<128xi32, #tpu.memory_space<hbm>>
        tpu.wait_dma2 semaphore(%run_scoped3A_60 : memref<!tpu.dma_semaphore, #tpu.memory_space<semaphore_mem>>) src(%dma_wait3A_80 : memref<128xi32, #tpu.memory_space<hbm>>) dst(%dma_wait3A_78 : memref<128xi32, #tpu.memory_space<vmem>>)
        tpu.yield
      }) : () -> ()
      %dma_start3A_53 = arith.constant 0 : i32
      %dma_start3A_54 = arith.constant 0 : i32
      %dma_start3A_55 = tpu.memref_slice %arg4[%dma_start3A_53, %dma_start3A_54] : memref<10000x128xf32, #tpu.memory_space<hbm>> -> memref<10000x128xf32, #tpu.memory_space<hbm>>
      tpu.enqueue_indirect_dma source(%dma_start3A_55 : memref<10000x128xf32, #tpu.memory_space<hbm>>) target(%arg9 : memref<128x128xf32, #tpu.memory_space<vmem>>) offsets(%arg7 : memref<128xi32, #tpu.memory_space<vmem>>) semaphore(%arg15 : memref<!tpu.dma_semaphore, #tpu.memory_space<semaphore_mem>>)
      %dma_wait3A_56 = arith.constant 0 : i32
      %dma_wait3A_57 = arith.constant 0 : i32
      %dma_wait3A_58 = tpu.memref_slice %arg4[%dma_wait3A_56, %dma_wait3A_57] : memref<10000x128xf32, #tpu.memory_space<hbm>> -> memref<10000x128xf32, #tpu.memory_space<hbm>>
      tpu.wait_indirect_dma semaphore(%arg16 : memref<!tpu.dma_semaphore, #tpu.memory_space<semaphore_mem>>) src(%dma_wait3A_58 : memref<10000x128xf32, #tpu.memory_space<hbm>>) dst(%arg12 : memref<128x128xf32, #tpu.memory_space<vmem>>)
      %run_scoped3A_59 = arith.constant 0 : i32
      "tpu.region"() ({
        %run_scoped3A_60 = tpu.sem_alloc : memref<!tpu.dma_semaphore, #tpu.memory_space<semaphore_mem>>
        %dma_start3A_61 = arith.constant 0 : i32
        %dma_start3A_62 = tpu.memref_slice %arg11[%run_scoped3A_59, %dma_start3A_61] : memref<1x128xi32, #tpu.memory_space<vmem>> -> memref<1x128xi32, #tpu.memory_space<vmem>>
        %dma_start3A_63 = tpu.memref_squeeze %dma_start3A_62 : memref<1x128xi32, #tpu.memory_space<vmem>> -> memref<128xi32, #tpu.memory_space<vmem>>
        %dma_start3A_64 = arith.constant 0 : i32
        %dma_start3A_65 = arith.constant 0 : i32
        %dma_start3A_66 = tpu.memref_slice %arg14[%dma_start3A_64, %dma_start3A_65] : memref<5008x128xf32, #tpu.memory_space<vmem_shared>> -> memref<5008x128xf32, #tpu.memory_space<vmem_shared>>
        tpu.enqueue_indirect_dma source(%arg12 : memref<128x128xf32, #tpu.memory_space<vmem>>) target(%dma_start3A_66 : memref<5008x128xf32, #tpu.memory_space<vmem_shared>>) offsets(%dma_start3A_63 : memref<128xi32, #tpu.memory_space<vmem>>) semaphore(%run_scoped3A_60 : memref<!tpu.dma_semaphore, #tpu.memory_space<semaphore_mem>>) {add = true}
        %dma_wait3A_67 = arith.constant 0 : i32
        %dma_wait3A_68 = tpu.memref_slice %arg11[%run_scoped3A_59, %dma_wait3A_67] : memref<1x128xi32, #tpu.memory_space<vmem>> -> memref<1x128xi32, #tpu.memory_space<vmem>>
        %dma_wait3A_69 = tpu.memref_squeeze %dma_wait3A_68 : memref<1x128xi32, #tpu.memory_space<vmem>> -> memref<128xi32, #tpu.memory_space<vmem>>
        %dma_wait3A_70 = arith.constant 0 : i32
        %dma_wait3A_71 = arith.constant 0 : i32
        %dma_wait3A_72 = tpu.memref_slice %arg14[%dma_wait3A_70, %dma_wait3A_71] : memref<5008x128xf32, #tpu.memory_space<vmem_shared>> -> memref<5008x128xf32, #tpu.memory_space<vmem_shared>>
        tpu.wait_indirect_dma semaphore(%run_scoped3A_60 : memref<!tpu.dma_semaphore, #tpu.memory_space<semaphore_mem>>) src(%arg12 : memref<128x128xf32, #tpu.memory_space<vmem>>) dst(%dma_wait3A_72 : memref<5008x128xf32, #tpu.memory_space<vmem_shared>>)
        tpu.yield
      }) : () -> ()
    }
    %scan3A_17 = arith.constant 78 : i32
    %dma_wait3A = arith.constant 0 : i32
    %dma_wait3A_18 = arith.constant 0 : i32
    %dma_wait3A_19 = tpu.memref_slice %arg4[%dma_wait3A, %dma_wait3A_18] : memref<10000x128xf32, #tpu.memory_space<hbm>> -> memref<10000x128xf32, #tpu.memory_space<hbm>>
    tpu.wait_indirect_dma semaphore(%arg15 : memref<!tpu.dma_semaphore, #tpu.memory_space<semaphore_mem>>) src(%dma_wait3A_19 : memref<10000x128xf32, #tpu.memory_space<hbm>>) dst(%arg9 : memref<128x128xf32, #tpu.memory_space<vmem>>)
    %run_scoped3A_20 = arith.constant 0 : i32
    "tpu.region"() ({
      %run_scoped3A_27 = tpu.sem_alloc : memref<!tpu.dma_semaphore, #tpu.memory_space<semaphore_mem>>
      %dma_start3A_28 = arith.constant 0 : i32
      %dma_start3A_29 = tpu.memref_slice %arg8[%run_scoped3A_20, %dma_start3A_28] : memref<1x128xi32, #tpu.memory_space<vmem>> -> memref<1x128xi32, #tpu.memory_space<vmem>>
      %dma_start3A_30 = tpu.memref_squeeze %dma_start3A_29 : memref<1x128xi32, #tpu.memory_space<vmem>> -> memref<128xi32, #tpu.memory_space<vmem>>
      %dma_start3A_31 = arith.constant 0 : i32
      %dma_start3A_32 = arith.constant 0 : i32
      %dma_start3A_33 = tpu.memref_slice %arg14[%dma_start3A_31, %dma_start3A_32] : memref<5008x128xf32, #tpu.memory_space<vmem_shared>> -> memref<5008x128xf32, #tpu.memory_space<vmem_shared>>
      tpu.enqueue_indirect_dma source(%arg9 : memref<128x128xf32, #tpu.memory_space<vmem>>) target(%dma_start3A_33 : memref<5008x128xf32, #tpu.memory_space<vmem_shared>>) offsets(%dma_start3A_30 : memref<128xi32, #tpu.memory_space<vmem>>) semaphore(%run_scoped3A_27 : memref<!tpu.dma_semaphore, #tpu.memory_space<semaphore_mem>>) {add = true}
      %dma_wait3A_34 = arith.constant 0 : i32
      %dma_wait3A_35 = tpu.memref_slice %arg8[%run_scoped3A_20, %dma_wait3A_34] : memref<1x128xi32, #tpu.memory_space<vmem>> -> memref<1x128xi32, #tpu.memory_space<vmem>>
      %dma_wait3A_36 = tpu.memref_squeeze %dma_wait3A_35 : memref<1x128xi32, #tpu.memory_space<vmem>> -> memref<128xi32, #tpu.memory_space<vmem>>
      %dma_wait3A_37 = arith.constant 0 : i32
      %dma_wait3A_38 = arith.constant 0 : i32
      %dma_wait3A_39 = tpu.memref_slice %arg14[%dma_wait3A_37, %dma_wait3A_38] : memref<5008x128xf32, #tpu.memory_space<vmem_shared>> -> memref<5008x128xf32, #tpu.memory_space<vmem_shared>>
      tpu.wait_indirect_dma semaphore(%run_scoped3A_27 : memref<!tpu.dma_semaphore, #tpu.memory_space<semaphore_mem>>) src(%arg9 : memref<128x128xf32, #tpu.memory_space<vmem>>) dst(%dma_wait3A_39 : memref<5008x128xf32, #tpu.memory_space<vmem_shared>>)
      tpu.yield
    }) : () -> ()
    %barrier3A_21 = arith.constant 0 : index
    tpu.barrier barrier_id(%barrier3A_21)
    "tpu.region"() ({
      %run_scoped3A_27 = tpu.sem_alloc : memref<!tpu.dma_semaphore, #tpu.memory_space<semaphore_mem>>
      %dma_start3A_28 = arith.constant 0 : i32
      %dma_start3A_29 = tpu.memref_slice %arg6[%arg0, %mul3A_2, %dma_start3A_28] : memref<2x5008x128xf32, #tpu.memory_space<hbm>> -> memref<1x312x128xf32, #tpu.memory_space<hbm>>
      %dma_start3A_30 = tpu.memref_squeeze %dma_start3A_29 : memref<1x312x128xf32, #tpu.memory_space<hbm>> -> memref<312x128xf32, #tpu.memory_space<hbm>>
      %dma_start3A_31 = arith.constant 0 : i32
      %dma_start3A_32 = tpu.memref_slice %arg14[%mul3A_2, %dma_start3A_31] : memref<5008x128xf32, #tpu.memory_space<vmem_shared>> -> memref<312x128xf32, #tpu.memory_space<vmem_shared>>
      tpu.enqueue_dma source(%dma_start3A_32 : memref<312x128xf32, #tpu.memory_space<vmem_shared>>) target(%dma_start3A_30 : memref<312x128xf32, #tpu.memory_space<hbm>>) target_semaphore(%run_scoped3A_27 : memref<!tpu.dma_semaphore, #tpu.memory_space<semaphore_mem>>)
      %dma_wait3A_33 = arith.constant 0 : i32
      %dma_wait3A_34 = tpu.memref_slice %arg6[%arg0, %mul3A_2, %dma_wait3A_33] : memref<2x5008x128xf32, #tpu.memory_space<hbm>> -> memref<1x312x128xf32, #tpu.memory_space<hbm>>
      %dma_wait3A_35 = tpu.memref_squeeze %dma_wait3A_34 : memref<1x312x128xf32, #tpu.memory_space<hbm>> -> memref<312x128xf32, #tpu.memory_space<hbm>>
      %dma_wait3A_36 = arith.constant 0 : i32
      %dma_wait3A_37 = tpu.memref_slice %arg14[%mul3A_2, %dma_wait3A_36] : memref<5008x128xf32, #tpu.memory_space<vmem_shared>> -> memref<312x128xf32, #tpu.memory_space<vmem_shared>>
      tpu.wait_dma2 semaphore(%run_scoped3A_27 : memref<!tpu.dma_semaphore, #tpu.memory_space<semaphore_mem>>) src(%dma_wait3A_37 : memref<312x128xf32, #tpu.memory_space<vmem_shared>>) dst(%dma_wait3A_35 : memref<312x128xf32, #tpu.memory_space<hbm>>)
      tpu.yield
    }) : () -> ()
    %eq3A_22 = arith.constant 0 : i32
    %eq3A_23 = arith.cmpi eq, %arg1, %eq3A_22 : i32
    %convert_element_type3A_24 = arith.extui %eq3A_23 : i1 to i32
    %cond3A_25 = arith.constant 0 : i32
    %cond3A_26 = arith.cmpi ne, %convert_element_type3A_24, %cond3A_25 : i32
    scf.if %cond3A_26 {
      "tpu.region"() ({
        %run_scoped3A_27 = tpu.sem_alloc : memref<!tpu.dma_semaphore, #tpu.memory_space<semaphore_mem>>
        %dma_start3A_28 = arith.constant 4992 : i32
        %dma_start3A_29 = arith.constant 0 : i32
        %dma_start3A_30 = tpu.memref_slice %arg6[%arg0, %dma_start3A_28, %dma_start3A_29] : memref<2x5008x128xf32, #tpu.memory_space<hbm>> -> memref<1x16x128xf32, #tpu.memory_space<hbm>>
        %dma_start3A_31 = tpu.memref_squeeze %dma_start3A_30 : memref<1x16x128xf32, #tpu.memory_space<hbm>> -> memref<16x128xf32, #tpu.memory_space<hbm>>
        %dma_start3A_32 = arith.constant 4992 : i32
        %dma_start3A_33 = arith.constant 0 : i32
        %dma_start3A_34 = tpu.memref_slice %arg14[%dma_start3A_32, %dma_start3A_33] : memref<5008x128xf32, #tpu.memory_space<vmem_shared>> -> memref<16x128xf32, #tpu.memory_space<vmem_shared>>
        tpu.enqueue_dma source(%dma_start3A_34 : memref<16x128xf32, #tpu.memory_space<vmem_shared>>) target(%dma_start3A_31 : memref<16x128xf32, #tpu.memory_space<hbm>>) target_semaphore(%run_scoped3A_27 : memref<!tpu.dma_semaphore, #tpu.memory_space<semaphore_mem>>)
        %dma_wait3A_35 = arith.constant 4992 : i32
        %dma_wait3A_36 = arith.constant 0 : i32
        %dma_wait3A_37 = tpu.memref_slice %arg6[%arg0, %dma_wait3A_35, %dma_wait3A_36] : memref<2x5008x128xf32, #tpu.memory_space<hbm>> -> memref<1x16x128xf32, #tpu.memory_space<hbm>>
        %dma_wait3A_38 = tpu.memref_squeeze %dma_wait3A_37 : memref<1x16x128xf32, #tpu.memory_space<hbm>> -> memref<16x128xf32, #tpu.memory_space<hbm>>
        %dma_wait3A_39 = arith.constant 4992 : i32
        %dma_wait3A_40 = arith.constant 0 : i32
        %dma_wait3A_41 = tpu.memref_slice %arg14[%dma_wait3A_39, %dma_wait3A_40] : memref<5008x128xf32, #tpu.memory_space<vmem_shared>> -> memref<16x128xf32, #tpu.memory_space<vmem_shared>>
        tpu.wait_dma2 semaphore(%run_scoped3A_27 : memref<!tpu.dma_semaphore, #tpu.memory_space<semaphore_mem>>) src(%dma_wait3A_41 : memref<16x128xf32, #tpu.memory_space<vmem_shared>>) dst(%dma_wait3A_38 : memref<16x128xf32, #tpu.memory_space<hbm>>)
        tpu.yield
      }) : () -> ()
    } else {
    }
    return
  }
}

#map = affine_map<(d0, d1) -> (0, 0)>
#map1 = affine_map<(d0, d1) -> (0, 0, 0)>
module attributes {stable_mosaic.version = 14 : i64} {
  func.func @_counts_body(%arg0: i32, %arg1: i32, %arg2: memref<2x321536xi32, #tpu.memory_space<hbm>>, %arg3: memref<312x128xf32, #tpu.memory_space<hbm>>, %arg4: memref<128x128xf32, #tpu.memory_space<hbm>>, %arg5: memref<2x5008x128xf32, #tpu.memory_space<hbm>>, %arg6: memref<1x128xi32, #tpu.memory_space<vmem>>, %arg7: memref<128x128xf32, #tpu.memory_space<vmem>>, %arg8: memref<312x128xf32, #tpu.memory_space<vmem>>, %arg9: memref<5008x128xf32, #tpu.memory_space<vmem_shared>>) attributes {dimension_semantics = [#tpu.dimension_semantics<core_parallel>, #tpu.dimension_semantics<subcore_parallel>], iteration_bounds = array<i64: 2, 16>, scalar_prefetch = 0 : i64, scratch_operands = 4 : i64, tpu.core_type = #tpu.core_type<sc_vector_subcore>, window_params = [{transform_indices = #map}, {transform_indices = #map}, {transform_indices = #map}, {transform_indices = #map1}]} {
    %mul3A = arith.constant 20096 : i32
    %mul3A_0 = arith.muli %arg1, %mul3A : i32
    %mul3A_1 = arith.constant 312 : i32
    %mul3A_2 = arith.muli %arg1, %mul3A_1 : i32
    "tpu.region"() ({
      %run_scoped3A = tpu.sem_alloc : memref<!tpu.dma_semaphore, #tpu.memory_space<semaphore_mem>>
      tpu.enqueue_dma source(%arg3 : memref<312x128xf32, #tpu.memory_space<hbm>>) target(%arg8 : memref<312x128xf32, #tpu.memory_space<vmem>>) target_semaphore(%run_scoped3A : memref<!tpu.dma_semaphore, #tpu.memory_space<semaphore_mem>>)
      tpu.wait_dma2 semaphore(%run_scoped3A : memref<!tpu.dma_semaphore, #tpu.memory_space<semaphore_mem>>) src(%arg3 : memref<312x128xf32, #tpu.memory_space<hbm>>) dst(%arg8 : memref<312x128xf32, #tpu.memory_space<vmem>>)
      tpu.yield
    }) : () -> ()
    "tpu.region"() ({
      %run_scoped3A = tpu.sem_alloc : memref<!tpu.dma_semaphore, #tpu.memory_space<semaphore_mem>>
      tpu.enqueue_dma source(%arg4 : memref<128x128xf32, #tpu.memory_space<hbm>>) target(%arg7 : memref<128x128xf32, #tpu.memory_space<vmem>>) target_semaphore(%run_scoped3A : memref<!tpu.dma_semaphore, #tpu.memory_space<semaphore_mem>>)
      tpu.wait_dma2 semaphore(%run_scoped3A : memref<!tpu.dma_semaphore, #tpu.memory_space<semaphore_mem>>) src(%arg4 : memref<128x128xf32, #tpu.memory_space<hbm>>) dst(%arg7 : memref<128x128xf32, #tpu.memory_space<vmem>>)
      tpu.yield
    }) : () -> ()
    "tpu.region"() ({
      %run_scoped3A = tpu.sem_alloc : memref<!tpu.dma_semaphore, #tpu.memory_space<semaphore_mem>>
      %dma_start3A = arith.constant 0 : i32
      %dma_start3A_15 = tpu.memref_slice %arg9[%mul3A_2, %dma_start3A] : memref<5008x128xf32, #tpu.memory_space<vmem_shared>> -> memref<312x128xf32, #tpu.memory_space<vmem_shared>>
      %dma_start3A_16 = arith.constant 0 : i32
      %dma_start3A_17 = tpu.memref_slice %arg9[%mul3A_2, %dma_start3A_16] : memref<5008x128xf32, #tpu.memory_space<vmem_shared>> -> memref<312x128xf32, #tpu.memory_space<vmem_shared>>
      tpu.enqueue_dma source(%arg8 : memref<312x128xf32, #tpu.memory_space<vmem>>) target(%dma_start3A_17 : memref<312x128xf32, #tpu.memory_space<vmem_shared>>) target_semaphore(%run_scoped3A : memref<!tpu.dma_semaphore, #tpu.memory_space<semaphore_mem>>)
      %dma_wait3A = arith.constant 0 : i32
      %dma_wait3A_18 = tpu.memref_slice %arg9[%mul3A_2, %dma_wait3A] : memref<5008x128xf32, #tpu.memory_space<vmem_shared>> -> memref<312x128xf32, #tpu.memory_space<vmem_shared>>
      %dma_wait3A_19 = arith.constant 0 : i32
      %dma_wait3A_20 = tpu.memref_slice %arg9[%mul3A_2, %dma_wait3A_19] : memref<5008x128xf32, #tpu.memory_space<vmem_shared>> -> memref<312x128xf32, #tpu.memory_space<vmem_shared>>
      tpu.wait_dma2 semaphore(%run_scoped3A : memref<!tpu.dma_semaphore, #tpu.memory_space<semaphore_mem>>) src(%arg8 : memref<312x128xf32, #tpu.memory_space<vmem>>) dst(%dma_wait3A_20 : memref<312x128xf32, #tpu.memory_space<vmem_shared>>)
      tpu.yield
    }) : () -> ()
    %eq3A = arith.constant 0 : i32
    %eq3A_3 = arith.cmpi eq, %arg1, %eq3A : i32
    %convert_element_type3A = arith.extui %eq3A_3 : i1 to i32
    %cond3A = arith.constant 0 : i32
    %cond3A_4 = arith.cmpi ne, %convert_element_type3A, %cond3A : i32
    scf.if %cond3A_4 {
      "tpu.region"() ({
        %run_scoped3A = tpu.sem_alloc : memref<!tpu.dma_semaphore, #tpu.memory_space<semaphore_mem>>
        %dma_start3A = arith.constant 0 : i32
        %dma_start3A_15 = arith.constant 0 : i32
        %dma_start3A_16 = tpu.memref_slice %arg8[%dma_start3A, %dma_start3A_15] : memref<312x128xf32, #tpu.memory_space<vmem>> -> memref<16x128xf32, #tpu.memory_space<vmem>>
        %dma_start3A_17 = arith.constant 4992 : i32
        %dma_start3A_18 = arith.constant 0 : i32
        %dma_start3A_19 = tpu.memref_slice %arg9[%dma_start3A_17, %dma_start3A_18] : memref<5008x128xf32, #tpu.memory_space<vmem_shared>> -> memref<16x128xf32, #tpu.memory_space<vmem_shared>>
        %dma_start3A_20 = arith.constant 4992 : i32
        %dma_start3A_21 = arith.constant 0 : i32
        %dma_start3A_22 = tpu.memref_slice %arg9[%dma_start3A_20, %dma_start3A_21] : memref<5008x128xf32, #tpu.memory_space<vmem_shared>> -> memref<16x128xf32, #tpu.memory_space<vmem_shared>>
        %dma_start3A_23 = arith.constant 0 : i32
        %dma_start3A_24 = arith.constant 0 : i32
        %dma_start3A_25 = tpu.memref_slice %arg8[%dma_start3A_23, %dma_start3A_24] : memref<312x128xf32, #tpu.memory_space<vmem>> -> memref<16x128xf32, #tpu.memory_space<vmem>>
        tpu.enqueue_dma source(%dma_start3A_25 : memref<16x128xf32, #tpu.memory_space<vmem>>) target(%dma_start3A_22 : memref<16x128xf32, #tpu.memory_space<vmem_shared>>) target_semaphore(%run_scoped3A : memref<!tpu.dma_semaphore, #tpu.memory_space<semaphore_mem>>)
        %dma_wait3A = arith.constant 0 : i32
        %dma_wait3A_26 = arith.constant 0 : i32
        %dma_wait3A_27 = tpu.memref_slice %arg8[%dma_wait3A, %dma_wait3A_26] : memref<312x128xf32, #tpu.memory_space<vmem>> -> memref<16x128xf32, #tpu.memory_space<vmem>>
        %dma_wait3A_28 = arith.constant 4992 : i32
        %dma_wait3A_29 = arith.constant 0 : i32
        %dma_wait3A_30 = tpu.memref_slice %arg9[%dma_wait3A_28, %dma_wait3A_29] : memref<5008x128xf32, #tpu.memory_space<vmem_shared>> -> memref<16x128xf32, #tpu.memory_space<vmem_shared>>
        %dma_wait3A_31 = arith.constant 4992 : i32
        %dma_wait3A_32 = arith.constant 0 : i32
        %dma_wait3A_33 = tpu.memref_slice %arg9[%dma_wait3A_31, %dma_wait3A_32] : memref<5008x128xf32, #tpu.memory_space<vmem_shared>> -> memref<16x128xf32, #tpu.memory_space<vmem_shared>>
        %dma_wait3A_34 = arith.constant 0 : i32
        %dma_wait3A_35 = arith.constant 0 : i32
        %dma_wait3A_36 = tpu.memref_slice %arg8[%dma_wait3A_34, %dma_wait3A_35] : memref<312x128xf32, #tpu.memory_space<vmem>> -> memref<16x128xf32, #tpu.memory_space<vmem>>
        tpu.wait_dma2 semaphore(%run_scoped3A : memref<!tpu.dma_semaphore, #tpu.memory_space<semaphore_mem>>) src(%dma_wait3A_36 : memref<16x128xf32, #tpu.memory_space<vmem>>) dst(%dma_wait3A_33 : memref<16x128xf32, #tpu.memory_space<vmem_shared>>)
        tpu.yield
      }) : () -> ()
    } else {
    }
    %barrier3A = arith.constant 0 : index
    tpu.barrier barrier_id(%barrier3A)
    %scan3A = arith.constant 0 : i32
    %scan3A_5 = arith.constant 157 : i32
    %scan3A_6 = arith.addi %scan3A, %scan3A_5 : i32
    %scan3A_7 = arith.constant 1 : i32
    scf.for %scan3A_15 = %scan3A to %scan3A_6 step %scan3A_7  : i32 {
      %mul3A_16 = arith.constant 1 : i32
      %mul3A_17 = arith.muli %scan3A_15, %mul3A_16 : i32
      %add3A = arith.constant 0 : i32
      %add3A_18 = arith.addi %add3A, %mul3A_17 : i32
      %mul3A_19 = arith.constant 128 : i32
      %mul3A_20 = arith.muli %add3A_18, %mul3A_19 : i32
      %add3A_21 = arith.addi %mul3A_0, %mul3A_20 : i32
      %run_scoped3A = arith.constant 0 : i32
      "tpu.region"() ({
        %run_scoped3A_23 = tpu.sem_alloc : memref<!tpu.dma_semaphore, #tpu.memory_space<semaphore_mem>>
        %dma_start3A = arith.constant 0 : i32
        %dma_start3A_24 = tpu.memref_slice %arg6[%run_scoped3A, %dma_start3A] : memref<1x128xi32, #tpu.memory_space<vmem>> -> memref<1x128xi32, #tpu.memory_space<vmem>>
        %dma_start3A_25 = tpu.memref_squeeze %dma_start3A_24 : memref<1x128xi32, #tpu.memory_space<vmem>> -> memref<128xi32, #tpu.memory_space<vmem>>
        %dma_start3A_26 = tpu.memref_slice %arg2[%arg0, %add3A_21] : memref<2x321536xi32, #tpu.memory_space<hbm>> -> memref<1x128xi32, #tpu.memory_space<hbm>>
        %dma_start3A_27 = tpu.memref_squeeze %dma_start3A_26 : memref<1x128xi32, #tpu.memory_space<hbm>> -> memref<128xi32, #tpu.memory_space<hbm>>
        %dma_start3A_28 = arith.constant 0 : i32
        %dma_start3A_29 = tpu.memref_slice %arg6[%run_scoped3A, %dma_start3A_28] : memref<1x128xi32, #tpu.memory_space<vmem>> -> memref<1x128xi32, #tpu.memory_space<vmem>>
        %dma_start3A_30 = tpu.memref_squeeze %dma_start3A_29 : memref<1x128xi32, #tpu.memory_space<vmem>> -> memref<128xi32, #tpu.memory_space<vmem>>
        %dma_start3A_31 = tpu.memref_slice %arg2[%arg0, %add3A_21] : memref<2x321536xi32, #tpu.memory_space<hbm>> -> memref<1x128xi32, #tpu.memory_space<hbm>>
        %dma_start3A_32 = tpu.memref_squeeze %dma_start3A_31 : memref<1x128xi32, #tpu.memory_space<hbm>> -> memref<128xi32, #tpu.memory_space<hbm>>
        tpu.enqueue_dma source(%dma_start3A_32 : memref<128xi32, #tpu.memory_space<hbm>>) target(%dma_start3A_30 : memref<128xi32, #tpu.memory_space<vmem>>) target_semaphore(%run_scoped3A_23 : memref<!tpu.dma_semaphore, #tpu.memory_space<semaphore_mem>>)
        %dma_wait3A = arith.constant 0 : i32
        %dma_wait3A_33 = tpu.memref_slice %arg6[%run_scoped3A, %dma_wait3A] : memref<1x128xi32, #tpu.memory_space<vmem>> -> memref<1x128xi32, #tpu.memory_space<vmem>>
        %dma_wait3A_34 = tpu.memref_squeeze %dma_wait3A_33 : memref<1x128xi32, #tpu.memory_space<vmem>> -> memref<128xi32, #tpu.memory_space<vmem>>
        %dma_wait3A_35 = tpu.memref_slice %arg2[%arg0, %add3A_21] : memref<2x321536xi32, #tpu.memory_space<hbm>> -> memref<1x128xi32, #tpu.memory_space<hbm>>
        %dma_wait3A_36 = tpu.memref_squeeze %dma_wait3A_35 : memref<1x128xi32, #tpu.memory_space<hbm>> -> memref<128xi32, #tpu.memory_space<hbm>>
        %dma_wait3A_37 = arith.constant 0 : i32
        %dma_wait3A_38 = tpu.memref_slice %arg6[%run_scoped3A, %dma_wait3A_37] : memref<1x128xi32, #tpu.memory_space<vmem>> -> memref<1x128xi32, #tpu.memory_space<vmem>>
        %dma_wait3A_39 = tpu.memref_squeeze %dma_wait3A_38 : memref<1x128xi32, #tpu.memory_space<vmem>> -> memref<128xi32, #tpu.memory_space<vmem>>
        %dma_wait3A_40 = tpu.memref_slice %arg2[%arg0, %add3A_21] : memref<2x321536xi32, #tpu.memory_space<hbm>> -> memref<1x128xi32, #tpu.memory_space<hbm>>
        %dma_wait3A_41 = tpu.memref_squeeze %dma_wait3A_40 : memref<1x128xi32, #tpu.memory_space<hbm>> -> memref<128xi32, #tpu.memory_space<hbm>>
        tpu.wait_dma2 semaphore(%run_scoped3A_23 : memref<!tpu.dma_semaphore, #tpu.memory_space<semaphore_mem>>) src(%dma_wait3A_41 : memref<128xi32, #tpu.memory_space<hbm>>) dst(%dma_wait3A_39 : memref<128xi32, #tpu.memory_space<vmem>>)
        tpu.yield
      }) : () -> ()
      %run_scoped3A_22 = arith.constant 0 : i32
      "tpu.region"() ({
        %run_scoped3A_23 = tpu.sem_alloc : memref<!tpu.dma_semaphore, #tpu.memory_space<semaphore_mem>>
        %dma_start3A = arith.constant 0 : i32
        %dma_start3A_24 = tpu.memref_slice %arg6[%run_scoped3A_22, %dma_start3A] : memref<1x128xi32, #tpu.memory_space<vmem>> -> memref<1x128xi32, #tpu.memory_space<vmem>>
        %dma_start3A_25 = tpu.memref_squeeze %dma_start3A_24 : memref<1x128xi32, #tpu.memory_space<vmem>> -> memref<128xi32, #tpu.memory_space<vmem>>
        %dma_start3A_26 = arith.constant 0 : i32
        %dma_start3A_27 = arith.constant 0 : i32
        %dma_start3A_28 = tpu.memref_slice %arg9[%dma_start3A_26, %dma_start3A_27] : memref<5008x128xf32, #tpu.memory_space<vmem_shared>> -> memref<5008x128xf32, #tpu.memory_space<vmem_shared>>
        tpu.enqueue_indirect_dma source(%arg7 : memref<128x128xf32, #tpu.memory_space<vmem>>) target(%dma_start3A_28 : memref<5008x128xf32, #tpu.memory_space<vmem_shared>>) offsets(%dma_start3A_25 : memref<128xi32, #tpu.memory_space<vmem>>) semaphore(%run_scoped3A_23 : memref<!tpu.dma_semaphore, #tpu.memory_space<semaphore_mem>>) {add = true}
        %dma_wait3A = arith.constant 0 : i32
        %dma_wait3A_29 = tpu.memref_slice %arg6[%run_scoped3A_22, %dma_wait3A] : memref<1x128xi32, #tpu.memory_space<vmem>> -> memref<1x128xi32, #tpu.memory_space<vmem>>
        %dma_wait3A_30 = tpu.memref_squeeze %dma_wait3A_29 : memref<1x128xi32, #tpu.memory_space<vmem>> -> memref<128xi32, #tpu.memory_space<vmem>>
        %dma_wait3A_31 = arith.constant 0 : i32
        %dma_wait3A_32 = arith.constant 0 : i32
        %dma_wait3A_33 = tpu.memref_slice %arg9[%dma_wait3A_31, %dma_wait3A_32] : memref<5008x128xf32, #tpu.memory_space<vmem_shared>> -> memref<5008x128xf32, #tpu.memory_space<vmem_shared>>
        tpu.wait_indirect_dma semaphore(%run_scoped3A_23 : memref<!tpu.dma_semaphore, #tpu.memory_space<semaphore_mem>>) src(%arg7 : memref<128x128xf32, #tpu.memory_space<vmem>>) dst(%dma_wait3A_33 : memref<5008x128xf32, #tpu.memory_space<vmem_shared>>)
        tpu.yield
      }) : () -> ()
    }
    %scan3A_8 = arith.constant 157 : i32
    %barrier3A_9 = arith.constant 0 : index
    tpu.barrier barrier_id(%barrier3A_9)
    "tpu.region"() ({
      %run_scoped3A = tpu.sem_alloc : memref<!tpu.dma_semaphore, #tpu.memory_space<semaphore_mem>>
      %dma_start3A = arith.constant 0 : i32
      %dma_start3A_15 = tpu.memref_slice %arg5[%arg0, %mul3A_2, %dma_start3A] : memref<2x5008x128xf32, #tpu.memory_space<hbm>> -> memref<1x312x128xf32, #tpu.memory_space<hbm>>
      %dma_start3A_16 = tpu.memref_squeeze %dma_start3A_15 : memref<1x312x128xf32, #tpu.memory_space<hbm>> -> memref<312x128xf32, #tpu.memory_space<hbm>>
      %dma_start3A_17 = arith.constant 0 : i32
      %dma_start3A_18 = tpu.memref_slice %arg9[%mul3A_2, %dma_start3A_17] : memref<5008x128xf32, #tpu.memory_space<vmem_shared>> -> memref<312x128xf32, #tpu.memory_space<vmem_shared>>
      tpu.enqueue_dma source(%dma_start3A_18 : memref<312x128xf32, #tpu.memory_space<vmem_shared>>) target(%dma_start3A_16 : memref<312x128xf32, #tpu.memory_space<hbm>>) target_semaphore(%run_scoped3A : memref<!tpu.dma_semaphore, #tpu.memory_space<semaphore_mem>>)
      %dma_wait3A = arith.constant 0 : i32
      %dma_wait3A_19 = tpu.memref_slice %arg5[%arg0, %mul3A_2, %dma_wait3A] : memref<2x5008x128xf32, #tpu.memory_space<hbm>> -> memref<1x312x128xf32, #tpu.memory_space<hbm>>
      %dma_wait3A_20 = tpu.memref_squeeze %dma_wait3A_19 : memref<1x312x128xf32, #tpu.memory_space<hbm>> -> memref<312x128xf32, #tpu.memory_space<hbm>>
      %dma_wait3A_21 = arith.constant 0 : i32
      %dma_wait3A_22 = tpu.memref_slice %arg9[%mul3A_2, %dma_wait3A_21] : memref<5008x128xf32, #tpu.memory_space<vmem_shared>> -> memref<312x128xf32, #tpu.memory_space<vmem_shared>>
      tpu.wait_dma2 semaphore(%run_scoped3A : memref<!tpu.dma_semaphore, #tpu.memory_space<semaphore_mem>>) src(%dma_wait3A_22 : memref<312x128xf32, #tpu.memory_space<vmem_shared>>) dst(%dma_wait3A_20 : memref<312x128xf32, #tpu.memory_space<hbm>>)
      tpu.yield
    }) : () -> ()
    %eq3A_10 = arith.constant 0 : i32
    %eq3A_11 = arith.cmpi eq, %arg1, %eq3A_10 : i32
    %convert_element_type3A_12 = arith.extui %eq3A_11 : i1 to i32
    %cond3A_13 = arith.constant 0 : i32
    %cond3A_14 = arith.cmpi ne, %convert_element_type3A_12, %cond3A_13 : i32
    scf.if %cond3A_14 {
      "tpu.region"() ({
        %run_scoped3A = tpu.sem_alloc : memref<!tpu.dma_semaphore, #tpu.memory_space<semaphore_mem>>
        %dma_start3A = arith.constant 4992 : i32
        %dma_start3A_15 = arith.constant 0 : i32
        %dma_start3A_16 = tpu.memref_slice %arg5[%arg0, %dma_start3A, %dma_start3A_15] : memref<2x5008x128xf32, #tpu.memory_space<hbm>> -> memref<1x16x128xf32, #tpu.memory_space<hbm>>
        %dma_start3A_17 = tpu.memref_squeeze %dma_start3A_16 : memref<1x16x128xf32, #tpu.memory_space<hbm>> -> memref<16x128xf32, #tpu.memory_space<hbm>>
        %dma_start3A_18 = arith.constant 4992 : i32
        %dma_start3A_19 = arith.constant 0 : i32
        %dma_start3A_20 = tpu.memref_slice %arg9[%dma_start3A_18, %dma_start3A_19] : memref<5008x128xf32, #tpu.memory_space<vmem_shared>> -> memref<16x128xf32, #tpu.memory_space<vmem_shared>>
        tpu.enqueue_dma source(%dma_start3A_20 : memref<16x128xf32, #tpu.memory_space<vmem_shared>>) target(%dma_start3A_17 : memref<16x128xf32, #tpu.memory_space<hbm>>) target_semaphore(%run_scoped3A : memref<!tpu.dma_semaphore, #tpu.memory_space<semaphore_mem>>)
        %dma_wait3A = arith.constant 4992 : i32
        %dma_wait3A_21 = arith.constant 0 : i32
        %dma_wait3A_22 = tpu.memref_slice %arg5[%arg0, %dma_wait3A, %dma_wait3A_21] : memref<2x5008x128xf32, #tpu.memory_space<hbm>> -> memref<1x16x128xf32, #tpu.memory_space<hbm>>
        %dma_wait3A_23 = tpu.memref_squeeze %dma_wait3A_22 : memref<1x16x128xf32, #tpu.memory_space<hbm>> -> memref<16x128xf32, #tpu.memory_space<hbm>>
        %dma_wait3A_24 = arith.constant 4992 : i32
        %dma_wait3A_25 = arith.constant 0 : i32
        %dma_wait3A_26 = tpu.memref_slice %arg9[%dma_wait3A_24, %dma_wait3A_25] : memref<5008x128xf32, #tpu.memory_space<vmem_shared>> -> memref<16x128xf32, #tpu.memory_space<vmem_shared>>
        tpu.wait_dma2 semaphore(%run_scoped3A : memref<!tpu.dma_semaphore, #tpu.memory_space<semaphore_mem>>) src(%dma_wait3A_26 : memref<16x128xf32, #tpu.memory_space<vmem_shared>>) dst(%dma_wait3A_23 : memref<16x128xf32, #tpu.memory_space<hbm>>)
        tpu.yield
      }) : () -> ()
    } else {
    }
    return
  }
}

module attributes {stable_mosaic.version = 14 : i64} {
  func.func @_mm_body(%arg0: i32, %arg1: memref<1000x128xf32, #tpu.memory_space<vmem>>, %arg2: memref<128x256xf32, #tpu.memory_space<vmem>>, %arg3: memref<1x256xf32, #tpu.memory_space<vmem>>, %arg4: memref<1000x128xf32, #tpu.memory_space<vmem>>, %arg5: memref<1000x128xf32, #tpu.memory_space<vmem>>) attributes {dimension_semantics = [#tpu.dimension_semantics<arbitrary>], iteration_bounds = array<i64: 10>, scalar_prefetch = 0 : i64, scratch_operands = 0 : i64, tpu.core_type = #tpu.core_type<tc>, window_params = [{transform_indices = @transform_0, window_bounds = array<i64: 1000, 128>}, {pipeline_mode = #tpu.pipeline_mode<synchronous>, transform_indices = @transform_1, window_bounds = array<i64: 128, 256>}, {pipeline_mode = #tpu.pipeline_mode<synchronous>, transform_indices = @transform_2, window_bounds = array<i64: 1, 256>}, {transform_indices = @transform_3, window_bounds = array<i64: 1000, 128>}, {transform_indices = @transform_4, window_bounds = array<i64: 1000, 128>}]} {
    %get3A = arith.constant 0 : index
    %get3A_0 = arith.constant 0 : index
    %get3A_1 = vector.load %arg1[%get3A, %get3A_0] : memref<1000x128xf32, #tpu.memory_space<vmem>>, vector<1000x128xf32>
    %get3A_2 = arith.constant 0 : index
    %get3A_3 = arith.constant 0 : index
    %get3A_4 = vector.load %arg2[%get3A_2, %get3A_3] : memref<128x256xf32, #tpu.memory_space<vmem>>, vector<128x256xf32>
    %dot_general3A = arith.constant dense<0.000000e+00> : vector<1000x256xf32>
    %dot_general3A_5 = tpu.matmul %get3A_1, %get3A_4, %dot_general3A {dimension_numbers = #tpu.dot_dimension_numbers<[1], [0], [0], [1], [0, 0, 1, 1], [], []>, transpose_lhs_hint = false} : vector<1000x128xf32>, vector<128x256xf32>, vector<1000x256xf32> -> vector<1000x256xf32>
    %get3A_6 = arith.constant 0 : index
    %get3A_7 = arith.constant 0 : index
    %get3A_8 = vector.load %arg3[%get3A_6, %get3A_7] : memref<1x256xf32, #tpu.memory_space<vmem>>, vector<1x256xf32>
    %add3A = vector.broadcast %get3A_8 : vector<1x256xf32> to vector<1000x256xf32>
    %add3A_9 = arith.addf %dot_general3A_5, %add3A : vector<1000x256xf32>
    %slice3A = vector.extract_strided_slice %add3A_9 {offsets = [0, 0], sizes = [1000, 128], strides = [1, 1]} : vector<1000x256xf32> to vector<1000x128xf32>
    %swap3A = arith.constant 0 : index
    %swap3A_10 = arith.constant 0 : index
    %swap3A_11 = vector.load %arg4[%swap3A, %swap3A_10] : memref<1000x128xf32, #tpu.memory_space<vmem>>, vector<1000x128xf32>
    tpu.vector_store %arg4[%swap3A, %swap3A_10], %slice3A {strides = array<i32>} : memref<1000x128xf32, #tpu.memory_space<vmem>>, vector<1000x128xf32>,
    %slice3A_12 = vector.extract_strided_slice %add3A_9 {offsets = [0, 128], sizes = [1000, 128], strides = [1, 1]} : vector<1000x256xf32> to vector<1000x128xf32>
    %swap3A_13 = arith.constant 0 : index
    %swap3A_14 = arith.constant 0 : index
    %swap3A_15 = vector.load %arg5[%swap3A_13, %swap3A_14] : memref<1000x128xf32, #tpu.memory_space<vmem>>, vector<1000x128xf32>
    tpu.vector_store %arg5[%swap3A_13, %swap3A_14], %slice3A_12 {strides = array<i32>} : memref<1000x128xf32, #tpu.memory_space<vmem>>, vector<1000x128xf32>,
    return
  }
  func.func @transform_0(%arg0: i32) -> (i32, i32) {
    %c0_i32 = arith.constant 0 : i32
    %c0_i32_0 = arith.constant 0 : i32
    return %arg0, %c0_i32 : i32, i32
  }
  func.func @transform_1(%arg0: i32) -> (i32, i32) {
    %c0_i32 = arith.constant 0 : i32
    %c0_i32_0 = arith.constant 0 : i32
    %c0_i32_1 = arith.constant 0 : i32
    return %c0_i32, %c0_i32_0 : i32, i32
  }
  func.func @transform_2(%arg0: i32) -> (i32, i32) {
    %c0_i32 = arith.constant 0 : i32
    %c0_i32_0 = arith.constant 0 : i32
    %c0_i32_1 = arith.constant 0 : i32
    return %c0_i32, %c0_i32_0 : i32, i32
  }
  func.func @transform_3(%arg0: i32) -> (i32, i32) {
    %c0_i32 = arith.constant 0 : i32
    %c0_i32_0 = arith.constant 0 : i32
    return %arg0, %c0_i32 : i32, i32
  }
  func.func @transform_4(%arg0: i32) -> (i32, i32) {
    %c0_i32 = arith.constant 0 : i32
    %c0_i32_0 = arith.constant 0 : i32
    return %arg0, %c0_i32 : i32, i32
  }
}

module attributes {stable_mosaic.version = 14 : i64} {
  func.func @_layer_body(%arg0: i32, %arg1: memref<1000x128xf32, #tpu.memory_space<vmem>>, %arg2: memref<1000x128xf32, #tpu.memory_space<vmem>>, %arg3: memref<1000x128xf32, #tpu.memory_space<vmem>>, %arg4: memref<128x256xf32, #tpu.memory_space<vmem>>, %arg5: memref<1x256xf32, #tpu.memory_space<vmem>>, %arg6: memref<1000x128xf32, #tpu.memory_space<vmem>>, %arg7: memref<1000x128xf32, #tpu.memory_space<vmem>>) attributes {dimension_semantics = [#tpu.dimension_semantics<arbitrary>], iteration_bounds = array<i64: 10>, scalar_prefetch = 0 : i64, scratch_operands = 0 : i64, tpu.core_type = #tpu.core_type<tc>, window_params = [{transform_indices = @transform_0, window_bounds = array<i64: 1000, 128>}, {transform_indices = @transform_1, window_bounds = array<i64: 1000, 128>}, {transform_indices = @transform_2, window_bounds = array<i64: 1000, 128>}, {pipeline_mode = #tpu.pipeline_mode<synchronous>, transform_indices = @transform_3, window_bounds = array<i64: 128, 256>}, {pipeline_mode = #tpu.pipeline_mode<synchronous>, transform_indices = @transform_4, window_bounds = array<i64: 1, 256>}, {transform_indices = @transform_5, window_bounds = array<i64: 1000, 128>}, {transform_indices = @transform_6, window_bounds = array<i64: 1000, 128>}]} {
    %get3A = arith.constant 0 : index
    %get3A_0 = arith.constant 0 : index
    %get3A_1 = vector.load %arg2[%get3A, %get3A_0] : memref<1000x128xf32, #tpu.memory_space<vmem>>, vector<1000x1xf32>
    %get3A_2 = arith.constant 0 : index
    %get3A_3 = arith.constant 0 : index
    %get3A_4 = vector.load %arg1[%get3A_2, %get3A_3] : memref<1000x128xf32, #tpu.memory_space<vmem>>, vector<1000x128xf32>
    %max3A = arith.constant 1.000000e+00 : f32
    %max3A_5 = vector.broadcast %max3A : f32 to vector<1000x1xf32>
    %max3A_6 = arith.maximumf %get3A_1, %max3A_5 : vector<1000x1xf32>
    %div3A = vector.broadcast %max3A_6 : vector<1000x1xf32> to vector<1000x128xf32>
    %div3A_7 = arith.divf %get3A_4, %div3A : vector<1000x128xf32>
    %get3A_8 = arith.constant 0 : index
    %get3A_9 = arith.constant 0 : index
    %get3A_10 = vector.load %arg3[%get3A_8, %get3A_9] : memref<1000x128xf32, #tpu.memory_space<vmem>>, vector<1000x128xf32>
    %add3A = arith.addf %div3A_7, %get3A_10 : vector<1000x128xf32>
    %max3A_11 = arith.constant 0.000000e+00 : f32
    %max3A_12 = vector.broadcast %max3A_11 : f32 to vector<1000x128xf32>
    %max3A_13 = arith.maximumf %add3A, %max3A_12 : vector<1000x128xf32>
    %get3A_14 = arith.constant 0 : index
    %get3A_15 = arith.constant 0 : index
    %get3A_16 = vector.load %arg4[%get3A_14, %get3A_15] : memref<128x256xf32, #tpu.memory_space<vmem>>, vector<128x256xf32>
    %dot_general3A = arith.constant dense<0.000000e+00> : vector<1000x256xf32>
    %dot_general3A_17 = tpu.matmul %max3A_13, %get3A_16, %dot_general3A {dimension_numbers = #tpu.dot_dimension_numbers<[1], [0], [0], [1], [0, 0, 1, 1], [], []>, transpose_lhs_hint = false} : vector<1000x128xf32>, vector<128x256xf32>, vector<1000x256xf32> -> vector<1000x256xf32>
    %get3A_18 = arith.constant 0 : index
    %get3A_19 = arith.constant 0 : index
    %get3A_20 = vector.load %arg5[%get3A_18, %get3A_19] : memref<1x256xf32, #tpu.memory_space<vmem>>, vector<1x256xf32>
    %add3A_21 = vector.broadcast %get3A_20 : vector<1x256xf32> to vector<1000x256xf32>
    %add3A_22 = arith.addf %dot_general3A_17, %add3A_21 : vector<1000x256xf32>
    %slice3A = vector.extract_strided_slice %add3A_22 {offsets = [0, 0], sizes = [1000, 128], strides = [1, 1]} : vector<1000x256xf32> to vector<1000x128xf32>
    %swap3A = arith.constant 0 : index
    %swap3A_23 = arith.constant 0 : index
    %swap3A_24 = vector.load %arg6[%swap3A, %swap3A_23] : memref<1000x128xf32, #tpu.memory_space<vmem>>, vector<1000x128xf32>
    tpu.vector_store %arg6[%swap3A, %swap3A_23], %slice3A {strides = array<i32>} : memref<1000x128xf32, #tpu.memory_space<vmem>>, vector<1000x128xf32>,
    %slice3A_25 = vector.extract_strided_slice %add3A_22 {offsets = [0, 128], sizes = [1000, 128], strides = [1, 1]} : vector<1000x256xf32> to vector<1000x128xf32>
    %swap3A_26 = arith.constant 0 : index
    %swap3A_27 = arith.constant 0 : index
    %swap3A_28 = vector.load %arg7[%swap3A_26, %swap3A_27] : memref<1000x128xf32, #tpu.memory_space<vmem>>, vector<1000x128xf32>
    tpu.vector_store %arg7[%swap3A_26, %swap3A_27], %slice3A_25 {strides = array<i32>} : memref<1000x128xf32, #tpu.memory_space<vmem>>, vector<1000x128xf32>,
    return
  }
  func.func @transform_0(%arg0: i32) -> (i32, i32) {
    %c0_i32 = arith.constant 0 : i32
    %c0_i32_0 = arith.constant 0 : i32
    return %arg0, %c0_i32 : i32, i32
  }
  func.func @transform_1(%arg0: i32) -> (i32, i32) {
    %c0_i32 = arith.constant 0 : i32
    %c0_i32_0 = arith.constant 0 : i32
    return %arg0, %c0_i32 : i32, i32
  }
  func.func @transform_2(%arg0: i32) -> (i32, i32) {
    %c0_i32 = arith.constant 0 : i32
    %c0_i32_0 = arith.constant 0 : i32
    return %arg0, %c0_i32 : i32, i32
  }
  func.func @transform_3(%arg0: i32) -> (i32, i32) {
    %c0_i32 = arith.constant 0 : i32
    %c0_i32_0 = arith.constant 0 : i32
    %c0_i32_1 = arith.constant 0 : i32
    return %c0_i32, %c0_i32_0 : i32, i32
  }
  func.func @transform_4(%arg0: i32) -> (i32, i32) {
    %c0_i32 = arith.constant 0 : i32
    %c0_i32_0 = arith.constant 0 : i32
    %c0_i32_1 = arith.constant 0 : i32
    return %c0_i32, %c0_i32_0 : i32, i32
  }
  func.func @transform_5(%arg0: i32) -> (i32, i32) {
    %c0_i32 = arith.constant 0 : i32
    %c0_i32_0 = arith.constant 0 : i32
    return %arg0, %c0_i32 : i32, i32
  }
  func.func @transform_6(%arg0: i32) -> (i32, i32) {
    %c0_i32 = arith.constant 0 : i32
    %c0_i32_0 = arith.constant 0 : i32
    return %arg0, %c0_i32 : i32, i32
  }
}

module attributes {stable_mosaic.version = 14 : i64} {
  func.func @_final_body(%arg0: i32, %arg1: memref<1000x128xf32, #tpu.memory_space<vmem>>, %arg2: memref<1000x128xf32, #tpu.memory_space<vmem>>, %arg3: memref<1000x128xf32, #tpu.memory_space<vmem>>, %arg4: memref<1x128xf32, #tpu.memory_space<vmem>>) attributes {dimension_semantics = [#tpu.dimension_semantics<arbitrary>], iteration_bounds = array<i64: 10>, scalar_prefetch = 0 : i64, scratch_operands = 0 : i64, tpu.core_type = #tpu.core_type<tc>, window_params = [{transform_indices = @transform_0, window_bounds = array<i64: 1000, 128>}, {transform_indices = @transform_1, window_bounds = array<i64: 1000, 128>}, {transform_indices = @transform_2, window_bounds = array<i64: 1000, 128>}, {pipeline_mode = #tpu.pipeline_mode<synchronous>, transform_indices = @transform_3, window_bounds = array<i64: 1, 128>}]} {
    %eq3A = arith.constant 0 : i32
    %eq3A_0 = arith.cmpi eq, %arg0, %eq3A : i32
    %convert_element_type3A = arith.extui %eq3A_0 : i1 to i32
    %cond3A = arith.constant 0 : i32
    %cond3A_1 = arith.cmpi ne, %convert_element_type3A, %cond3A : i32
    scf.if %cond3A_1 {
      %broadcast_in_dim3A_22 = arith.constant 0.000000e+00 : f32
      %broadcast_in_dim3A_23 = vector.broadcast %broadcast_in_dim3A_22 : f32 to vector<1x128xf32>
      %swap3A_24 = arith.constant 0 : index
      %swap3A_25 = arith.constant 0 : index
      %swap3A_26 = vector.load %arg4[%swap3A_24, %swap3A_25] : memref<1x128xf32, #tpu.memory_space<vmem>>, vector<1x128xf32>
      tpu.vector_store %arg4[%swap3A_24, %swap3A_25], %broadcast_in_dim3A_23 {strides = array<i32>} : memref<1x128xf32, #tpu.memory_space<vmem>>, vector<1x128xf32>,
    } else {
    }
    %get3A = arith.constant 0 : index
    %get3A_2 = arith.constant 0 : index
    %get3A_3 = vector.load %arg2[%get3A, %get3A_2] : memref<1000x128xf32, #tpu.memory_space<vmem>>, vector<1000x1xf32>
    %get3A_4 = arith.constant 0 : index
    %get3A_5 = arith.constant 0 : index
    %get3A_6 = vector.load %arg1[%get3A_4, %get3A_5] : memref<1000x128xf32, #tpu.memory_space<vmem>>, vector<1000x128xf32>
    %max3A = arith.constant 1.000000e+00 : f32
    %max3A_7 = vector.broadcast %max3A : f32 to vector<1000x1xf32>
    %max3A_8 = arith.maximumf %get3A_3, %max3A_7 : vector<1000x1xf32>
    %div3A = vector.broadcast %max3A_8 : vector<1000x1xf32> to vector<1000x128xf32>
    %div3A_9 = arith.divf %get3A_6, %div3A : vector<1000x128xf32>
    %get3A_10 = arith.constant 0 : index
    %get3A_11 = arith.constant 0 : index
    %get3A_12 = vector.load %arg3[%get3A_10, %get3A_11] : memref<1000x128xf32, #tpu.memory_space<vmem>>, vector<1000x128xf32>
    %add3A = arith.addf %div3A_9, %get3A_12 : vector<1000x128xf32>
    %get3A_13 = arith.constant 0 : index
    %get3A_14 = arith.constant 0 : index
    %get3A_15 = vector.load %arg4[%get3A_13, %get3A_14] : memref<1x128xf32, #tpu.memory_space<vmem>>, vector<1x128xf32>
    %reduce_sum3A = arith.constant dense<0.000000e+00> : vector<128xf32>
    %reduce_sum3A_16 = vector.multi_reduction <add>, %add3A, %reduce_sum3A [0] : vector<1000x128xf32> to vector<128xf32>
    %broadcast_in_dim3A = vector.shape_cast %reduce_sum3A_16 : vector<128xf32> to vector<1x128xf32>
    %mul3A = arith.constant 9.99999974E-5 : f32
    %mul3A_17 = vector.broadcast %mul3A : f32 to vector<1x128xf32>
    %mul3A_18 = arith.mulf %broadcast_in_dim3A, %mul3A_17 : vector<1x128xf32>
    %add3A_19 = arith.addf %get3A_15, %mul3A_18 : vector<1x128xf32>
    %swap3A = arith.constant 0 : index
    %swap3A_20 = arith.constant 0 : index
    %swap3A_21 = vector.load %arg4[%swap3A, %swap3A_20] : memref<1x128xf32, #tpu.memory_space<vmem>>, vector<1x128xf32>
    tpu.vector_store %arg4[%swap3A, %swap3A_20], %add3A_19 {strides = array<i32>} : memref<1x128xf32, #tpu.memory_space<vmem>>, vector<1x128xf32>,
    return
  }
  func.func @transform_0(%arg0: i32) -> (i32, i32) {
    %c0_i32 = arith.constant 0 : i32
    %c0_i32_0 = arith.constant 0 : i32
    return %arg0, %c0_i32 : i32, i32
  }
  func.func @transform_1(%arg0: i32) -> (i32, i32) {
    %c0_i32 = arith.constant 0 : i32
    %c0_i32_0 = arith.constant 0 : i32
    return %arg0, %c0_i32 : i32, i32
  }
  func.func @transform_2(%arg0: i32) -> (i32, i32) {
    %c0_i32 = arith.constant 0 : i32
    %c0_i32_0 = arith.constant 0 : i32
    return %arg0, %c0_i32 : i32, i32
  }
  func.func @transform_3(%arg0: i32) -> (i32, i32) {
    %c0_i32 = arith.constant 0 : i32
    %c0_i32_0 = arith.constant 0 : i32
    %c0_i32_1 = arith.constant 0 : i32
    return %c0_i32, %c0_i32_0 : i32, i32
  }
}

</mosaic_0001>

<sc_bundles>
// kernel: kernel.10.cloned.1.call-start
scs
__scs_entry_jumppad:
0x0: {  	(pc) =	sbr.rel $0x88, $3  }
0x1: {  	(tag) =	ssettag $0x0;
	lr =	simm.s32 $0x1  }
0x2: {  	[smem:$0x3F96] =	sst lr;
	_ =	strace $0xD0000000  }
0x3: {  	_ = 	snop  }
0x4: {  	_ = 	snop  }
0x5: {  	_ = 	snop  }
0x6: {  	_ = 	snop  }
0x7: {  	_ = 	snop  }
__scs_overlays_trampoline_lowered:
0x8: {  	[smem:$0x3FA5] =	sst s0  }
0x9: {  	[smem:$0x3FA6] =	sst s1  }
0xa: {  	[smem:$0x3FA7] =	sst s2  }
0xb: {  	[smem:$0x3FA8] =	sst s3  }
0xc: {  	[smem:$0x3FA9] =	sst s4  }
0xd: {  	[smem:$0x3FAA] =	sst s5  }
0xe: {  	[smem:$0x3FAB] =	sst s6  }
0xf: {  	[smem:$0x3FAC] =	sst s7  }
0x10: {  	[smem:$0x3FAD] =	sst s8  }
0x11: {  	[smem:$0x3FAE] =	sst s9;
	s0 =	simm.s32 @!p0 $0x0  }
0x12: {  	s1 =	sld [smem:$0x3F94];
	s0 =	simm.s32 @p0 $0x1  }
0x13: {  	[smem:$0x3FAF] =	sst s0;
	s0 =	simm.s32 @!p1 $0x0  }
0x14: {  	s2 =	sld [smem:$0x3F93];
	s0 =	simm.s32 @p1 $0x1  }
0x15: {  	[smem:$0x3FB0] =	sst s0;
	s0 =	simm.s32 @!p2 $0x0  }
0x16: {  	s3 =	sld [smem:$0x3FDB];
	s0 =	simm.s32 @p2 $0x1  }
0x17: {  	s4 =	simm.s32 $0x1BF5;
	[smem:$0x3FB2] =	sst s0  }
0x18: {  	s0 =	sld [smem:$0x3F95];
	_ =	swait.ge [sflag:s4], $0x0  }
0x19: {  	s7 =	sld [smem:$0x3F96]  }
0x1a: {  	s8 =	sadd.s32 $0xFFFFE003, lr  }
0x1b: {  	s9 =	sadd.s32 $0xFFFFFEF7, lr;
	s5 =	simm.s32 $0xFFFFFFFF;
	p2 =	slt.u32 s8, $0xFFFFF086  }
0x1c: {  	p1 =	slt.u32 s9, $0xF7A;
	s5 =	simm.s32 @!p2 $0x0  }
0x1d: {  	s5 =	simm.s32 @p1 $0x1;
	p0 =	seq.s32 s7, s2  }
0x1e: {  	s7 =	smul.u32 @!p0 $0xF7A, s2;
	p2 =	seq.s32 @!p0 s5, $0x0  }
0x1f: {  	s9 =	smul.u32 $0xF7A, s1;
	s8 =	simm.s32 @!p0 $0x1BF5;
	p2 =	por !p2, p0  }
0x20: {  	[sflag:s8] =	ssyncset.s32 @!p0 $0xFFFFF086;
	s6 =	sadd.s32 @!p0 s3, s7;
	s7 =	simm.s32 @!p0 $0x108  }
0x21: {  	s3 =	sadd.s32 s3, s9;
	s6 =	sadd.s32 @!p0 $0x88, s6;
	s7 =	simm.s32 @p2 $0x1082  }
0x22: {  	[simem:s7], [sflag:s8] =	dma.local @!p0 [hbm:s6], $0xF7A  }
0x23: {  	s9 =	sor.u32 $0xD0000000, s2;
	s6 =	simm.s32 $0x108;
	_ =	swait.ge @!p0 [sflag:s8], $0x0  }
0x24: {  	s3 =	sadd.s32 $0x88, s3;
	s6 =	simm.s32 @!p1 $0x1082;
	[sflag:s4] =	ssyncset.s32 $0xFFFFF086  }
0x25: {  	[simem:s6], [sflag:s4] =	dma.local [hbm:s3], $0xF7A  }
0x26: {  	[smem:$0x3F96] =	sst s1;
	(tag) =	ssettag s2;
	_ =	strace s9  }
0x27: {  	s1 =	sld [smem:$0x3FA6]  }
0x28: {  	s2 =	sld [smem:$0x3FA7]  }
0x29: {  	s4 =	sld [smem:$0x3FA9]  }
0x2a: {  	p0 =	seq.s32 s5, $0x0;
	s5 =	sld [smem:$0x3FAA]  }
0x2b: {  	s6 =	sld [smem:$0x3FAB]  }
0x2c: {  	s7 =	sld [smem:$0x3FAC]  }
0x2d: {  	s3 =	simm.s32 $0x108;
	s8 =	sld [smem:$0x3FAD]  }
0x2e: {  	s3 =	simm.s32 @!p0 $0x1082;
	s9 =	sld [smem:$0x3FAE]  }
0x2f: {  	lr =	sadd.s32 s0, s3;
	s0 =	sld [smem:$0x3FA5]  }
0x30: {  	s3 =	sld [smem:$0x3FA8]  }
0x31: {  	[smem:$0x3FB1] =	sst s10  }
0x32: {  	s10 =	sld [smem:$0x3FAF];
	_ =	sdelay $0x3  }
0x33: {  	p0 =	seq.s32 s10, $0x1;
	s10 =	sld [smem:$0x3FB1];
	_ =	sdelay $0x3  }
0x34: {  	[smem:$0x3FB1] =	sst s10  }
0x35: {  	s10 =	sld [smem:$0x3FB0];
	_ =	sdelay $0x3  }
0x36: {  	p1 =	seq.s32 s10, $0x1;
	s10 =	sld [smem:$0x3FB1];
	_ =	sdelay $0x3  }
0x37: {  	[smem:$0x3FB1] =	sst s10  }
0x38: {  	s10 =	sld [smem:$0x3FB2]  }
0x39: {  	_ = 	snop;
	(pc) =	sbr.ind lr, $3  }
0x3a: {  	_ = 	snop  }
0x3b: {  	_ = 	snop  }
0x3c: {  	p2 =	seq.s32 s10, $0x1;
	s10 =	sld [smem:$0x3FB1]  }
0x3d: {  	_ =	shalt  }
0x3e: {  	_ =	shalt  }
0x3f: {  	_ =	shalt  }
0x40: {  	_ =	shalt  }
0x41: {  	_ =	shalt  }
0x42: {  	_ =	shalt  }
0x43: {  	_ =	shalt  }
0x44: {  	_ =	shalt  }
0x45: {  	_ =	shalt  }
0x46: {  	_ =	shalt  }
0x47: {  	_ =	shalt  }
0x48: {  	_ =	shalt  }
0x49: {  	_ =	shalt  }
0x4a: {  	_ =	shalt  }
0x4b: {  	_ =	shalt  }
0x4c: {  	_ =	shalt  }
0x4d: {  	_ =	shalt  }
0x4e: {  	_ =	shalt  }
0x4f: {  	_ =	shalt  }
0x50: {  	_ =	shalt  }
0x51: {  	_ =	shalt  }
0x52: {  	_ =	shalt  }
0x53: {  	_ =	shalt  }
0x54: {  	_ =	shalt  }
0x55: {  	_ =	shalt  }
0x56: {  	_ =	shalt  }
0x57: {  	_ =	shalt  }
0x58: {  	_ =	shalt  }
0x59: {  	_ =	shalt  }
0x5a: {  	_ =	shalt  }
0x5b: {  	_ =	shalt  }
0x5c: {  	_ =	shalt  }
0x5d: {  	_ =	shalt  }
0x5e: {  	_ =	shalt  }
0x5f: {  	_ =	shalt  }
0x60: {  	_ =	shalt  }
0x61: {  	_ =	shalt  }
0x62: {  	_ =	shalt  }
0x63: {  	_ =	shalt  }
0x64: {  	_ =	shalt  }
0x65: {  	_ =	shalt  }
0x66: {  	_ =	shalt  }
0x67: {  	_ =	shalt  }
0x68: {  	_ =	shalt  }
0x69: {  	_ =	shalt  }
0x6a: {  	_ =	shalt  }
0x6b: {  	_ =	shalt  }
0x6c: {  	_ =	shalt  }
0x6d: {  	_ =	shalt  }
0x6e: {  	_ =	shalt  }
0x6f: {  	_ =	shalt  }
0x70: {  	_ =	shalt  }
0x71: {  	_ =	shalt  }
0x72: {  	_ =	shalt  }
0x73: {  	_ =	shalt  }
0x74: {  	_ =	shalt  }
0x75: {  	_ =	shalt  }
0x76: {  	_ =	shalt  }
0x77: {  	_ =	shalt  }
0x78: {  	_ =	shalt  }
0x79: {  	_ =	shalt  }
0x7a: {  	_ =	shalt  }
0x7b: {  	_ =	shalt  }
0x7c: {  	_ =	shalt  }
0x7d: {  	_ =	shalt  }
0x7e: {  	_ =	shalt  }
0x7f: {  	_ =	shalt  }
0x80: {  	_ =	shalt  }
0x81: {  	_ =	shalt  }
0x82: {  	_ =	shalt  }
0x83: {  	_ =	shalt  }
0x84: {  	_ =	shalt  }
0x85: {  	_ =	shalt  }
0x86: {  	_ =	shalt  }
0x87: {  	_ =	shalt  }
.Lfunc_end0:
.L_simem_size_0:
called_computation_lowered:
.L_overlay_start_0:
0x88: {  	s2 =	sld [smem:$0x3FD9]  }
0x89: {  	s3 =	sld [smem:$0x3FFE];
	_ =	sdelay $0x1  }
0x8a: {  	s1 =	srdreg.scid  }
0x8b: {  	s0 =	sand.u32 $0x1, s1  }
0x8c: {  	s17 =	sshll.u32 s0, $0xA;
	s2 =	sadd.s32 s3, s2  }
0x8d: {  	s2 =	sadd.s32 s2, s17  }
0x8e: {  	[smem:$0x3FBD] =	sst s2  }
0x8f: {  	_ = 	snop  }
0x90: {  	(tm) =	ssettm $0x1  }
0x91: {  	s18 =	sld [smem:$0x3FFB];
	_ =	sdelay $0x3  }
0x92: {  	_ =	strace s18  }
0x93: {  	s2 =	sld [smem:$0x3FFC];
	_ =	sdelay $0x3  }
0x94: {  	_ =	strace s2  }
0x95: {  	s2 =	sld [smem:$0x3FFD];
	_ =	sdelay $0x3  }
0x96: {  	_ =	strace s2  }
0x97: {  	_ =	strace $0x8FFFFFFF  }
0x98: {  	s19 =	sld [smem:$0x3FDB];
	_ =	sdelay $0x1  }
0x99: {  	s20 =	simm.s32 $_scs_section_size  }
0x9a: {  	s4 =	simm.s32 $_size__tile_overlayer_lowered;
	s5 =	simm.s32 $_tile_overlayer_lowered  }
0x9b: {  	s6 =	simm.s32 $0x1BFF;
	s21 =	sshll.u32 s5, $0x1;
	s3 =	sadd.s32 s20, s19  }
0x9c: {  	s22 =	simm.s32 $0x0;
	s4 =	sshll.u32 s4, $0x1;
	s5 =	sadd.s32 s21, s3  }
0x9d: {  	[timem:s22], [sflag:s6] =	dma.local [hbm:s5], s4  }
0x9e: {  	_ =	swait.ge [sflag:s6], s4  }
0x9f: {  	s4 =	ssub.s32 $0x0, s4;
	[sflag:s6] =	ssyncset.done $0x0  }
0xa0: {  	[sflag:s6] =	ssyncadd.s32 s4;
	_ =	sdelay $0x1  }
0xa1: {  	s23 =	simm.s32 $0x1B8B  }
0xa2: {  	_ =	swait.ge [sflag:s23], $0x1  }
0xa3: {  	[sflag:s23] =	ssyncset.done $0x0  }
0xa4: {  	[sflag:s23] =	ssyncadd.s32 $0xFFFFFFFF  }
0xa5: {  	s4 =	sld [smem:$0x0]  }
0xa6: {  	s5 =	sand.u32 $0xFFFFFFFE, s1  }
0xa7: {  	p0 =	sne.s32 s1, s5  }
0xa8: {  	s5 =	sshll.u32 @p0 s5, $0xE  }
0xa9: {  	s5 =	sadd.s32 @p0 $0x11B8D, s5;
	s6 =	sshll.u32 @p0 s4, $0x11  }
0xaa: {  	s5 =	sor.u32 @p0 s6, s5  }
0xab: {  	[sflag:s5] =	ssyncadd.remote.s32 @p0 $0x1;
	_ =	sdelay $0x1  }
0xac: {  	s5 =	simm.s32 @p0 $0x1B8D  }
0xad: {  	_ =	swait.eq @p0 [sflag:s5], $0x1  }
0xae: {  	[sflag:s5] =	ssyncadd.s32 @p0 $0xFFFFFFFF  }
0xaf: {  	s6 =	sshll.u32 @!p0 s1, $0xE  }
0xb0: {  	s6 =	sor.u32 @!p0 $0x4000, s6;
	s5 =	simm.s32 @!p0 $0x1B8D  }
0xb1: {  	s4 =	sshll.u32 @!p0 s4, $0x11;
	s6 =	sadd.s32 @!p0 $0x11B8D, s6;
	_ =	swait.eq @!p0 [sflag:s5], $0x1  }
0xb2: {  	s4 =	sor.u32 @!p0 s4, s6;
	[sflag:s5] =	ssyncadd.s32 @!p0 $0xFFFFFFFF  }
0xb3: {  	s25 =	simm.s32 $0x1B8E;
	s24 =	sld [smem:$0x3FFE];
	[sflag:s4] =	ssyncadd.remote.s32 @!p0 $0x1  }
0xb4: {  	s26 =	simm.s32 $execute0_lowered;
	[smem:$0x3FD2] =	sst s25  }
0xb5: {  	s5 =	sshll.u32 s26, $0x1;
	_ =	strace $0x80000049;
	[dreg:$0x1] =	wrdreg $0xFFFFFFFF  }
0xb6: {  	s28 =	simm.s32 $_size_execute0_lowered;
	s3 =	sadd.s32 s3, s5;
	[dreg:$0x0] =	wrdreg $0x0  }
0xb7: {  	s5 =	sshll.u32 s28, $0x1;
	[dreg:$0x2] =	wrdreg s3  }
0xb8: {  	[dreg:$0x3] =	wrdreg s5  }
0xb9: {  	[dreg:$0x4] =	wrdreg $0xC0  }
0xba: {  	_ =	task [dreg:s22], $0x5FFFF  }
0xbb: {  	[dreg:$0x1] =	wrdreg $0xFFFFFFFF  }
0xbc: {  	[dreg:$0x0] =	wrdreg $0x60  }
0xbd: {  	[dreg:$0x2] =	wrdreg s24  }
0xbe: {  	[dreg:$0x3] =	wrdreg $0xDC800  }
0xbf: {  	[dreg:$0x4] =	wrdreg $0x9  }
0xc0: {  	_ =	task.clear_ibuf [dreg:s22], $0x5FFFF;
	_ =	strace $0x90000049  }
0xc1: {  	s29 =	simm.s32 $0x9;
	_ =	strace $0x8000004B  }
0xc2: {  	_ =	swait.ge [sflag:s29], $0x1  }
0xc3: {  	[sflag:s29] =	ssyncadd.s32 $0xFFFFFFFF  }
0xc4: {  	_ =	strace $0x9000004B  }
0xc5: {  	_ =	sfence  }
0xc6: {  	s30 =	sld [smem:$0x0];
	_ =	sdelay $0x2  }
0xc7: {  	s31 =	sshll.u32 s1, $0xD;
	s1 =	sshrl.u32 s1, $0x2  }
0xc8: {  	s4 =	sand.u32 $0x4000, s31;
	s1 =	sadd.s32 s1, s30  }
0xc9: {  	s0 =	sor.u32 s4, s0;
	s1 =	sshll.u32 s1, $0x11  }
0xca: {  	s0 =	sor.u32 s1, s0  }
0xcb: {  	s0 =	sadd.s32 $0x8F2B, s0  }
0xcc: {  	[sflag:s0] =	ssyncadd.remote.s32 $0x1  }
0xcd: {  	_ =	sfence.sel $0xFFFF  }
0xce: {  	[dreg:$0x0] =	wrdreg $0xFFFFFFFF;
	(pc) =	sbr.abs _section_cstart, $3  }
0xcf: {  	[dreg:$0x1] =	wrdreg $0xFFFFFFFF  }
0xd0: {  	_ =	task.clear_ibuf [dreg:s22], $0x2FFFF;
	_ =	strace $0x9FFFFFFF  }
0xd1: {  	(tm) =	ssettm $0x7FFFFFFF  }
tec
execute0_lowered:
.L_overlay_start_1:
0x0: {  	(tag) =	ssettag $0x1  }
0x1: {  	s5 =	rddreg [dreg:$0x0]  }
0x2: {  	s1 =	rddreg [dreg:$0x1]  }
0x3: {  	s0 =	rddreg [dreg:$0x2]  }
0x4: {  	s2 =	simm.s32 $0x0;
	s12 =	stileid.u32;
	s4 =	srdreg.scid  }
0x5: {  	s17 =	simm.s32 $0x0;
	[smem:$0x7FF] =	sst s2;
	s3 =	smul.u32 $0x13A0, s12  }
0x6: {  	s7 =	sand.u32 $0x1, s4;
	s6 =	smul.u32 $0x27000, s12;
	s4 =	sadd.s32 $0x98800, s5  }
0x7: {  	s13 =	smul.u32 $0x9C00, s12;
	s14 =	sadd.s32 $0x99000, s5;
	p0 =	sne.s32 s12, $0x0  }
0x8: {  	s31 =	sshll.u32 s12, $0x6;
	s12 =	simm.s32 $0x1;
	_ =	strace $0x8000004A  }
0x9: {  	s9 =	ssub.s32 $0x2, s7;
	s10 =	smul.u32 $0x9C800, s7;
	s28 =	sshll.u32 s7, $0x4  }
0xa: {  	s8 =	sadd.s32 s3, s5;
	s3 =	sadd.s32 $0x97400, s5;
	s11 =	sshrl.u32 s9, $0x1  }
0xb: {  	s25 =	sshrl.u32 s6, $0x2;
	s6 =	sadd.s32 $0x9C000, s1;
	s9 =	ssub.s32 s9, s11  }
0xc: {  	s5 =	sadd.s32 s25, s1;
	s26 =	sadd.s32 s13, s10;
	s10 =	sshrl.u32 s10, $0x3  }
0xd: {  	s30 =	sadd.s32 s28, s8;
	s11 =	simm.s32 $0x4080;
	s13 =	simm.s32 $0x80  }
0xe: {  	s16 =	sshrl.u32 @!p0 s6, $0x3;
	s29 =	sshrl.u32 s26, $0x3;
	s10 =	sadd.s32 s14, s10  }
0xf: {  	s9 =	smax.u32 s9, $0x1;
	s15 =	sshrl.u32 s5, $0x3;
	s7 =	sadd.s32 s14, s29  }
0x10: {  	s8 =	sadd.s32 $0x13800, s10;
	s10 =	sadd.s32 $0x3E00, s30;
	s14 =	sor.u32 $0x1C01, s31  }
.LBB2_1:
0x11: {  	[tilespmem:s11], [sflag:$0x1] =	stream.linear.gather [hbm4b:s3+s2], $0x9C00, $0x38;
	[tilespmem:$0x17900] =	vst v63  }
0x12: {  	_ =	swait.ge [sflag:s12], $0x9C00  }
0x13: {  	[sflag:s12] =	ssyncset.done $0x0  }
0x14: {  	[sflag:s12] =	ssyncadd.s32 $0xFFFF6400  }
0x15: {  	[tilespmem:s13], [sflag:$0x1] =	stream.linear.gather [hbm4b:s4+s2], $0x4000, $0x38;
	[tilespmem:$0x17900] =	vst v63  }
0x16: {  	_ =	swait.ge [sflag:s12], $0x4000  }
0x17: {  	[sflag:s12] =	ssyncset.done $0x0  }
0x18: {  	[sflag:s12] =	ssyncadd.s32 $0xFFFFC000  }
0x19: {  	[spmem:s5] =	stream.linear.scatter [tilespmem:s11], [sflag:$0x1], $0x9C00, $0x38;
	[tilespmem:$0x17900] =	vst v63  }
0x1a: {  	_ =	swait.ge [sflag:s12], $0x9C00  }
0x1b: {  	[sflag:s12] =	ssyncset.done $0x0  }
0x1c: {  	s18 =	simm.s32 @!p0 $0x4080;
	[sflag:s12] =	ssyncadd.s32 $0xFFFF6400  }
0x1d: {  	[spmem:s6] =	stream.linear.scatter @!p0 [tilespmem:s18], [sflag:$0x1], $0x800, $0x38;
	[tilespmem:$0x17900] =	vst v63  }
0x1e: {  	s18 =	simm.s32 @!p0 $0x1  }
0x1f: {  	_ =	swait.ge @!p0 [sflag:s18], $0x800  }
0x20: {  	[sflag:s18] =	ssyncset.done @!p0 $0x0  }
0x21: {  	[sflag:s18] =	ssyncadd.s32 @!p0 $0xFFFFF800  }
0x22: {  	s31 =	sadd.s32 $0x0, s10;
	[bflag:$0x0] =	sbarrier.arrive $0xFFFF  }
0x23: {  	[tilespmem:s2], [sflag:$0x1] =	stream.linear.gather [hbm4b:s31+s2], $0x80, $0x38;
	[tilespmem:$0x17900] =	vst v63  }
0x24: {  	_ =	swait.ge [sflag:s12], $0x80  }
0x25: {  	[sflag:s12] =	ssyncset.done $0x0  }
0x26: {  	[sflag:s12] =	ssyncadd.s32 $0xFFFFFF80  }
0x27: {  	[spmem:s1] =	stream.indirect.scatter.add.f32 [tilespmem:s13], [sflag:$0x1], $0x80, s2, s13, $0xb8;
	[tilespmem:$0x17900] =	vst v63  }
0x28: {  	_ =	swait.ge [sflag:s12], $0x4000  }
0x29: {  	s19 =	simm.s32 $0x40;
	s18 =	simm.s32 $0x20;
	[sflag:s12] =	ssyncset.done $0x0  }
.LBB2_2:
0x2a: {  	s20 =	sadd.s32 s18, s10  }
0x2b: {  	[sflag:s12] =	ssyncadd.s32 $0xFFFFC000;
	s18 =	smov.u32 s19;
	s21 =	sadd.s32 $0x20, s19  }
0x2c: {  	[tilespmem:s2], [sflag:$0x1] =	stream.linear.gather [hbm4b:s20+s2], $0x80, $0x38;
	[tilespmem:$0x17900] =	vst v63  }
0x2d: {  	p1 =	sne.s32 s19, $0x1380;
	_ =	swait.ge [sflag:s12], $0x80  }
.Ltmp0:
0x2e: {  	[sflag:s12] =	ssyncset.done $0x0;
	(pc) =	sbr.rel @p1 .LBB2_2-.Ltmp0, $4  }
0x2f: {  	[sflag:s12] =	ssyncadd.s32 $0xFFFFFF80  }
0x30: {  	[spmem:s1] =	stream.indirect.scatter.add.f32 [tilespmem:s13], [sflag:$0x1], $0x80, s2, s13, $0xb8;
	[tilespmem:$0x17900] =	vst v63  }
0x31: {  	_ =	swait.ge [sflag:s12], $0x4000  }
0x32: {  	s19 =	smov.u32 s21;
	[sflag:s12] =	ssyncset.done $0x0  }
0x33: {  	s18 =	sadd.s32 s18, s10;
	[sflag:s12] =	ssyncadd.s32 $0xFFFFC000  }
0x34: {  	[tilespmem:s2], [sflag:$0x1] =	stream.linear.gather [hbm4b:s18+s2], $0x80, $0x38;
	[tilespmem:$0x17900] =	vst v63  }
0x35: {  	_ =	swait.ge [sflag:s12], $0x80  }
0x36: {  	[sflag:s12] =	ssyncset.done $0x0  }
0x37: {  	[sflag:s12] =	ssyncadd.s32 $0xFFFFFF80  }
0x38: {  	[spmem:s1] =	stream.indirect.scatter.add.f32 [tilespmem:s13], [sflag:$0x1], $0x80, s2, s13, $0xb8;
	[tilespmem:$0x17900] =	vst v63  }
0x39: {  	_ =	swait.ge [sflag:s12], $0x4000  }
0x3a: {  	[sflag:s12] =	ssyncset.done $0x0  }
0x3b: {  	[sflag:s12] =	ssyncadd.s32 $0xFFFFC000  }
0x3c: {  	[bflag:$0x0] =	sbarrier.arrive $0xFFFF  }
0x3d: {  	[hbm:s7], [sflag:s14] =	dma.local [spmem:s15], $0x1380  }
0x3e: {  	s17 =	sadd.s32 $0x1, s17;
	_ =	swait.ge [sflag:s12], $0x1380  }
0x3f: {  	p1 =	sne.s32 s17, s9;
	[sflag:s12] =	ssyncset.done $0x0  }
.Ltmp1:
0x40: {  	s18 =	simm.s32 @!p0 $0x1;
	[sflag:s12] =	ssyncadd.s32 $0xFFFFEC80;
	(pc) =	sbr.rel @p1 .LBB2_1-.Ltmp1, $4  }
0x41: {  	[hbm:s8], [sflag:s14] =	dma.local @!p0 [spmem:s16], $0x100  }
0x42: {  	_ =	swait.ge @!p0 [sflag:s18], $0x100  }
0x43: {  	[sflag:s18] =	ssyncset.done @!p0 $0x0  }
0x44: {  	[sflag:s18] =	ssyncadd.s32 @!p0 $0xFFFFFF00  }
0x45: {  	_ =	sfence.sel $0x180000  }
0x46: {  	[bflag:$0x0] =	sbarrier.arrive $0xFFFF  }
0x47: {  	_ =	strace $0x9000004A  }
0x48: {  	s0 =	sadd.s32 @!p0 $0x100000, s0;
	[bflag:$0x2] =	sbarrier.arrive $0xFFFF  }
0x49: {  	[sflag:s0] =	ssyncadd.tile.s32 @!p0 $0x1;
	_ =	shalt  }
.Lfunc_end2:
_tile_overlayer_lowered:
.L_overlay_start_2:
0x4a: {  	(tag) =	ssettag $0x2  }
0x4b: {  	s0 =	rddreg [dreg:$0x0];
	s2 =	stileid.u32  }
0x4c: {  	s1 =	rddreg [dreg:$0x1];
	p0 =	sne.s32 s2, $0x0  }
0x4d: {  	s3 =	rddreg [dreg:$0x2];
	[bflag:$0x3] =	sbarrier.arrive $0xFFFF;
	s2 =	simm.s32 @!p0 $0x1C01  }
0x4e: {  	[timem:s3], [sflag:s2] =	dma.local @!p0 [hbm:s0], s1  }
0x4f: {  	s0 =	simm.s32 @!p0 $0x1  }
0x50: {  	_ =	swait.ge @!p0 [sflag:s0], s1  }
0x51: {  	s1 =	ssub.s32 @!p0 $0x0, s1;
	[sflag:s0] =	ssyncset.done @!p0 $0x0  }
0x52: {  	[sflag:s0] =	ssyncadd.s32 @!p0 s1  }
0x53: {  	[bflag:$0x3] =	sbarrier.arrive $0xFFFF  }
0x54: {  	_ =	shalt  }

// kernel: kernel.13.cloned.1.call-start
scs
__scs_entry_jumppad:
0x0: {  	(pc) =	sbr.rel $0x88, $3  }
0x1: {  	(tag) =	ssettag $0x0;
	lr =	simm.s32 $0x1  }
0x2: {  	[smem:$0x3F96] =	sst lr;
	_ =	strace $0xD0000000  }
0x3: {  	_ = 	snop  }
0x4: {  	_ = 	snop  }
0x5: {  	_ = 	snop  }
0x6: {  	_ = 	snop  }
0x7: {  	_ = 	snop  }
__scs_overlays_trampoline_lowered:
0x8: {  	[smem:$0x3FA5] =	sst s0  }
0x9: {  	[smem:$0x3FA6] =	sst s1  }
0xa: {  	[smem:$0x3FA7] =	sst s2  }
0xb: {  	[smem:$0x3FA8] =	sst s3  }
0xc: {  	[smem:$0x3FA9] =	sst s4  }
0xd: {  	[smem:$0x3FAA] =	sst s5  }
0xe: {  	[smem:$0x3FAB] =	sst s6  }
0xf: {  	[smem:$0x3FAC] =	sst s7  }
0x10: {  	[smem:$0x3FAD] =	sst s8  }
0x11: {  	[smem:$0x3FAE] =	sst s9;
	s0 =	simm.s32 @!p0 $0x0  }
0x12: {  	s1 =	sld [smem:$0x3F94];
	s0 =	simm.s32 @p0 $0x1  }
0x13: {  	[smem:$0x3FAF] =	sst s0;
	s0 =	simm.s32 @!p1 $0x0  }
0x14: {  	s2 =	sld [smem:$0x3F93];
	s0 =	simm.s32 @p1 $0x1  }
0x15: {  	[smem:$0x3FB0] =	sst s0;
	s0 =	simm.s32 @!p2 $0x0  }
0x16: {  	s3 =	sld [smem:$0x3FDB];
	s0 =	simm.s32 @p2 $0x1  }
0x17: {  	s4 =	simm.s32 $0x1BF5;
	[smem:$0x3FB2] =	sst s0  }
0x18: {  	s0 =	sld [smem:$0x3F95];
	_ =	swait.ge [sflag:s4], $0x0  }
0x19: {  	s7 =	sld [smem:$0x3F96]  }
0x1a: {  	s8 =	sadd.s32 $0xFFFFE003, lr  }
0x1b: {  	s9 =	sadd.s32 $0xFFFFFEF7, lr;
	s5 =	simm.s32 $0xFFFFFFFF;
	p2 =	slt.u32 s8, $0xFFFFF086  }
0x1c: {  	p1 =	slt.u32 s9, $0xF7A;
	s5 =	simm.s32 @!p2 $0x0  }
0x1d: {  	s5 =	simm.s32 @p1 $0x1;
	p0 =	seq.s32 s7, s2  }
0x1e: {  	s7 =	smul.u32 @!p0 $0xF7A, s2;
	p2 =	seq.s32 @!p0 s5, $0x0  }
0x1f: {  	s9 =	smul.u32 $0xF7A, s1;
	s8 =	simm.s32 @!p0 $0x1BF5;
	p2 =	por !p2, p0  }
0x20: {  	[sflag:s8] =	ssyncset.s32 @!p0 $0xFFFFF086;
	s6 =	sadd.s32 @!p0 s3, s7;
	s7 =	simm.s32 @!p0 $0x108  }
0x21: {  	s3 =	sadd.s32 s3, s9;
	s6 =	sadd.s32 @!p0 $0x88, s6;
	s7 =	simm.s32 @p2 $0x1082  }
0x22: {  	[simem:s7], [sflag:s8] =	dma.local @!p0 [hbm:s6], $0xF7A  }
0x23: {  	s9 =	sor.u32 $0xD0000000, s2;
	s6 =	simm.s32 $0x108;
	_ =	swait.ge @!p0 [sflag:s8], $0x0  }
0x24: {  	s3 =	sadd.s32 $0x88, s3;
	s6 =	simm.s32 @!p1 $0x1082;
	[sflag:s4] =	ssyncset.s32 $0xFFFFF086  }
0x25: {  	[simem:s6], [sflag:s4] =	dma.local [hbm:s3], $0xF7A  }
0x26: {  	[smem:$0x3F96] =	sst s1;
	(tag) =	ssettag s2;
	_ =	strace s9  }
0x27: {  	s1 =	sld [smem:$0x3FA6]  }
0x28: {  	s2 =	sld [smem:$0x3FA7]  }
0x29: {  	s4 =	sld [smem:$0x3FA9]  }
0x2a: {  	p0 =	seq.s32 s5, $0x0;
	s5 =	sld [smem:$0x3FAA]  }
0x2b: {  	s6 =	sld [smem:$0x3FAB]  }
0x2c: {  	s7 =	sld [smem:$0x3FAC]  }
0x2d: {  	s3 =	simm.s32 $0x108;
	s8 =	sld [smem:$0x3FAD]  }
0x2e: {  	s3 =	simm.s32 @!p0 $0x1082;
	s9 =	sld [smem:$0x3FAE]  }
0x2f: {  	lr =	sadd.s32 s0, s3;
	s0 =	sld [smem:$0x3FA5]  }
0x30: {  	s3 =	sld [smem:$0x3FA8]  }
0x31: {  	[smem:$0x3FB1] =	sst s10  }
0x32: {  	s10 =	sld [smem:$0x3FAF];
	_ =	sdelay $0x3  }
0x33: {  	p0 =	seq.s32 s10, $0x1;
	s10 =	sld [smem:$0x3FB1];
	_ =	sdelay $0x3  }
0x34: {  	[smem:$0x3FB1] =	sst s10  }
0x35: {  	s10 =	sld [smem:$0x3FB0];
	_ =	sdelay $0x3  }
0x36: {  	p1 =	seq.s32 s10, $0x1;
	s10 =	sld [smem:$0x3FB1];
	_ =	sdelay $0x3  }
0x37: {  	[smem:$0x3FB1] =	sst s10  }
0x38: {  	s10 =	sld [smem:$0x3FB2]  }
0x39: {  	_ = 	snop;
	(pc) =	sbr.ind lr, $3  }
0x3a: {  	_ = 	snop  }
0x3b: {  	_ = 	snop  }
0x3c: {  	p2 =	seq.s32 s10, $0x1;
	s10 =	sld [smem:$0x3FB1]  }
0x3d: {  	_ =	shalt  }
0x3e: {  	_ =	shalt  }
0x3f: {  	_ =	shalt  }
0x40: {  	_ =	shalt  }
0x41: {  	_ =	shalt  }
0x42: {  	_ =	shalt  }
0x43: {  	_ =	shalt  }
0x44: {  	_ =	shalt  }
0x45: {  	_ =	shalt  }
0x46: {  	_ =	shalt  }
0x47: {  	_ =	shalt  }
0x48: {  	_ =	shalt  }
0x49: {  	_ =	shalt  }
0x4a: {  	_ =	shalt  }
0x4b: {  	_ =	shalt  }
0x4c: {  	_ =	shalt  }
0x4d: {  	_ =	shalt  }
0x4e: {  	_ =	shalt  }
0x4f: {  	_ =	shalt  }
0x50: {  	_ =	shalt  }
0x51: {  	_ =	shalt  }
0x52: {  	_ =	shalt  }
0x53: {  	_ =	shalt  }
0x54: {  	_ =	shalt  }
0x55: {  	_ =	shalt  }
0x56: {  	_ =	shalt  }
0x57: {  	_ =	shalt  }
0x58: {  	_ =	shalt  }
0x59: {  	_ =	shalt  }
0x5a: {  	_ =	shalt  }
0x5b: {  	_ =	shalt  }
0x5c: {  	_ =	shalt  }
0x5d: {  	_ =	shalt  }
0x5e: {  	_ =	shalt  }
0x5f: {  	_ =	shalt  }
0x60: {  	_ =	shalt  }
0x61: {  	_ =	shalt  }
0x62: {  	_ =	shalt  }
0x63: {  	_ =	shalt  }
0x64: {  	_ =	shalt  }
0x65: {  	_ =	shalt  }
0x66: {  	_ =	shalt  }
0x67: {  	_ =	shalt  }
0x68: {  	_ =	shalt  }
0x69: {  	_ =	shalt  }
0x6a: {  	_ =	shalt  }
0x6b: {  	_ =	shalt  }
0x6c: {  	_ =	shalt  }
0x6d: {  	_ =	shalt  }
0x6e: {  	_ =	shalt  }
0x6f: {  	_ =	shalt  }
0x70: {  	_ =	shalt  }
0x71: {  	_ =	shalt  }
0x72: {  	_ =	shalt  }
0x73: {  	_ =	shalt  }
0x74: {  	_ =	shalt  }
0x75: {  	_ =	shalt  }
0x76: {  	_ =	shalt  }
0x77: {  	_ =	shalt  }
0x78: {  	_ =	shalt  }
0x79: {  	_ =	shalt  }
0x7a: {  	_ =	shalt  }
0x7b: {  	_ =	shalt  }
0x7c: {  	_ =	shalt  }
0x7d: {  	_ =	shalt  }
0x7e: {  	_ =	shalt  }
0x7f: {  	_ =	shalt  }
0x80: {  	_ =	shalt  }
0x81: {  	_ =	shalt  }
0x82: {  	_ =	shalt  }
0x83: {  	_ =	shalt  }
0x84: {  	_ =	shalt  }
0x85: {  	_ =	shalt  }
0x86: {  	_ =	shalt  }
0x87: {  	_ =	shalt  }
.Lfunc_end0:
.L_simem_size_0:
called_computation.1_lowered:
.L_overlay_start_0:
0x88: {  	s2 =	sld [smem:$0x3FD9]  }
0x89: {  	s3 =	sld [smem:$0x3FFE];
	_ =	sdelay $0x1  }
0x8a: {  	s1 =	srdreg.scid  }
0x8b: {  	s0 =	sand.u32 $0x1, s1  }
0x8c: {  	s16 =	sshll.u32 s0, $0xA;
	s2 =	sadd.s32 s3, s2  }
0x8d: {  	s2 =	sadd.s32 s2, s16  }
0x8e: {  	[smem:$0x3FBD] =	sst s2  }
0x8f: {  	_ = 	snop  }
0x90: {  	(tm) =	ssettm $0x1  }
0x91: {  	s17 =	sld [smem:$0x3FFB];
	_ =	sdelay $0x3  }
0x92: {  	_ =	strace s17  }
0x93: {  	s2 =	sld [smem:$0x3FFC];
	_ =	sdelay $0x3  }
0x94: {  	_ =	strace s2  }
0x95: {  	s2 =	sld [smem:$0x3FFD];
	_ =	sdelay $0x3  }
0x96: {  	_ =	strace s2  }
0x97: {  	_ =	strace $0x8FFFFFFF  }
0x98: {  	s18 =	sld [smem:$0x3FDB];
	_ =	sdelay $0x1  }
0x99: {  	s19 =	simm.s32 $_scs_section_size  }
0x9a: {  	s4 =	simm.s32 $_size__tile_overlayer_lowered;
	s5 =	simm.s32 $_tile_overlayer_lowered  }
0x9b: {  	s22 =	simm.s32 $0x1BFF;
	s21 =	sshll.u32 s5, $0x1;
	s2 =	sadd.s32 s19, s18  }
0x9c: {  	s6 =	simm.s32 $0x0;
	s20 =	sshll.u32 s4, $0x1;
	s4 =	sadd.s32 s21, s2  }
0x9d: {  	[timem:s6], [sflag:s22] =	dma.local [hbm:s4], s20  }
0x9e: {  	_ =	swait.ge [sflag:s22], s20  }
0x9f: {  	s3 =	ssub.s32 $0x0, s20;
	[sflag:s22] =	ssyncset.done $0x0  }
0xa0: {  	[sflag:s22] =	ssyncadd.s32 s3;
	_ =	sdelay $0x1  }
0xa1: {  	s23 =	simm.s32 $0x1B8B  }
0xa2: {  	_ =	swait.ge [sflag:s23], $0x1  }
0xa3: {  	[sflag:s23] =	ssyncset.done $0x0  }
0xa4: {  	s25 =	simm.s32 $0x1B8E;
	s24 =	sld [smem:$0x3FFE];
	[sflag:s23] =	ssyncadd.s32 $0xFFFFFFFF  }
0xa5: {  	s26 =	simm.s32 $execute0_lowered;
	[smem:$0x3FD2] =	sst s25  }
0xa6: {  	s4 =	sshll.u32 s26, $0x1;
	_ =	strace $0x80000046;
	[dreg:$0x1] =	wrdreg $0xFFFFFFFF  }
0xa7: {  	s28 =	simm.s32 $_size_execute0_lowered;
	s2 =	sadd.s32 s2, s4;
	[dreg:$0x0] =	wrdreg $0x0  }
0xa8: {  	s4 =	sshll.u32 s28, $0x1;
	[dreg:$0x2] =	wrdreg s2  }
0xa9: {  	[dreg:$0x3] =	wrdreg s4  }
0xaa: {  	[dreg:$0x4] =	wrdreg $0xC0  }
0xab: {  	_ =	task [dreg:s6], $0x5FFFF  }
0xac: {  	[dreg:$0x1] =	wrdreg $0xFFFFFFFF  }
0xad: {  	[dreg:$0x0] =	wrdreg $0x60  }
0xae: {  	[dreg:$0x2] =	wrdreg s24  }
0xaf: {  	[dreg:$0x3] =	wrdreg $0xB6000  }
0xb0: {  	[dreg:$0x4] =	wrdreg $0xA  }
0xb1: {  	_ =	task.clear_ibuf [dreg:s6], $0x5FFFF;
	_ =	strace $0x90000046  }
0xb2: {  	s29 =	simm.s32 $0xA;
	_ =	strace $0x80000048  }
0xb3: {  	_ =	swait.ge [sflag:s29], $0x1  }
0xb4: {  	[sflag:s29] =	ssyncadd.s32 $0xFFFFFFFF  }
0xb5: {  	_ =	strace $0x90000048  }
0xb6: {  	_ =	sfence  }
0xb7: {  	s30 =	sld [smem:$0x0];
	_ =	sdelay $0x2  }
0xb8: {  	s31 =	sshll.u32 s1, $0xD;
	s1 =	sshrl.u32 s1, $0x2  }
0xb9: {  	s3 =	sand.u32 $0x4000, s31;
	s1 =	sadd.s32 s1, s30  }
0xba: {  	s0 =	sor.u32 s3, s0;
	s1 =	sshll.u32 s1, $0x11  }
0xbb: {  	s0 =	sor.u32 s1, s0  }
0xbc: {  	s0 =	sadd.s32 $0x8F2B, s0  }
0xbd: {  	[sflag:s0] =	ssyncadd.remote.s32 $0x1  }
0xbe: {  	_ =	sfence.sel $0xFFFF  }
0xbf: {  	[dreg:$0x0] =	wrdreg $0xFFFFFFFF;
	(pc) =	sbr.abs _section_cstart, $3  }
0xc0: {  	[dreg:$0x1] =	wrdreg $0xFFFFFFFF  }
0xc1: {  	_ =	task.clear_ibuf [dreg:s6], $0x2FFFF;
	_ =	strace $0x9FFFFFFF  }
0xc2: {  	(tm) =	ssettm $0x7FFFFFFF  }
0xc3: {  	_ =	shalt  }
tec
execute0_lowered:
.L_overlay_start_1:
0x0: {  	(tag) =	ssettag $0x1  }
0x1: {  	s0 =	rddreg [dreg:$0x0]  }
0x2: {  	s1 =	rddreg [dreg:$0x1]  }
0x3: {  	s2 =	simm.s32 $0x0;
	s6 =	srdreg.scid;
	s19 =	stileid.u32  }
0x4: {  	s20 =	simm.s32 $0x3;
	s21 =	simm.s32 $0x80;
	s28 =	simm.s32 $0x2  }
0x5: {  	s29 =	simm.s32 $0x0;
	[smem:$0x7FF] =	sst s2;
	s7 =	smul.u32 $0x27000, s19  }
0x6: {  	s4 =	sadd.s32 $0x17800, s0;
	s3 =	sadd.s32 $0x3E00, s0;
	s11 =	smul.u32 $0x4E80, s19  }
0x7: {  	s5 =	sadd.s32 $0x21600, s0;
	s10 =	sand.u32 $0x1, s6;
	s12 =	smul.u32 $0x9D00, s19  }
0x8: {  	s22 =	sadd.s32 $0x6FA00, s0;
	s0 =	sadd.s32 $0x70200, s0;
	s16 =	smul.u32 $0x9C00, s19  }
0x9: {  	s18 =	smul.u32 $0x9D0, s19;
	p0 =	sne.s32 s19, $0x0;
	s19 =	simm.s32 $0x8200  }
0xa: {  	_ =	strace $0x80000047;
	[dreg:$0x3] =	wrdreg s22;
	s8 =	ssub.s32 $0x2, s10  }
0xb: {  	s13 =	smul.u32 $0x9C800, s10;
	s14 =	sshll.u32 s10, $0x7;
	s10 =	sadd.s32 $0x9C000, s1  }
0xc: {  	s22 =	simm.s32 $0x100;
	s9 =	sshrl.u32 s8, $0x1;
	s7 =	sshrl.u32 s7, $0x2  }
0xd: {  	s11 =	sshrl.u32 s11, $0x3;
	s17 =	sor.u32 s14, s12;
	s26 =	sadd.s32 s18, s4  }
0xe: {  	s15 =	ssub.s32 s8, s9;
	s7 =	sadd.s32 s7, s1;
	s11 =	sadd.s32 s4, s11  }
0xf: {  	s12 =	sshrl.u32 s17, $0x3;
	s24 =	sadd.s32 s16, s13;
	s13 =	sshrl.u32 s13, $0x3  }
0x10: {  	s30 =	sadd.s32 $0x100, s17;
	s16 =	sadd.s32 $0x200, s17;
	s17 =	sadd.s32 $0x20, s26  }
0x11: {  	s26 =	simm.s32 $0x1;
	s23 =	sadd.s32 $0x3400, s7;
	s9 =	sadd.s32 $0x6800, s7  }
0x12: {  	s14 =	sshrl.u32 s24, $0x3;
	s25 =	sadd.s32 s0, s13;
	s12 =	sadd.s32 s3, s12  }
0x13: {  	s15 =	smax.u32 s15, $0x1;
	s31 =	sshrl.u32 s30, $0x3;
	s24 =	simm.s32 $0x4180  }
0x14: {  	[dreg:$0x4] =	wrdreg s23;
	s13 =	sadd.s32 s0, s14;
	s14 =	sadd.s32 $0x13800, s25  }
0x15: {  	s18 =	sadd.s32 s31, s3;
	s23 =	simm.s32 $0x4100;
	s25 =	simm.s32 $0x4200  }
.LBB2_1:
0x16: {  	s0 =	rddreg [dreg:$0x3]  }
0x17: {  	[tilespmem:s19], [sflag:$0x3] =	stream.linear.gather [hbm4b:s0+s2], $0x3400, $0x38;
	[tilespmem:$0x15280] =	vst v63  }
0x18: {  	_ =	swait.ge [sflag:s20], $0x3400  }
0x19: {  	[sflag:s20] =	ssyncset.done $0x0  }
0x1a: {  	[sflag:s20] =	ssyncadd.s32 $0xFFFFCC00  }
0x1b: {  	[spmem:s7] =	stream.linear.scatter [tilespmem:s19], [sflag:$0x3], $0x3400, $0x38;
	[tilespmem:$0x15280] =	vst v63  }
0x1c: {  	_ =	swait.ge [sflag:s20], $0x3400  }
0x1d: {  	[sflag:s20] =	ssyncset.done $0x0  }
0x1e: {  	s8 =	rddreg [dreg:$0x4];
	[sflag:s20] =	ssyncadd.s32 $0xFFFFCC00  }
0x1f: {  	[spmem:s8] =	stream.linear.scatter [tilespmem:s19], [sflag:$0x3], $0x3400, $0x38;
	[tilespmem:$0x15280] =	vst v63  }
0x20: {  	_ =	swait.ge [sflag:s20], $0x3400  }
0x21: {  	[sflag:s20] =	ssyncset.done $0x0  }
0x22: {  	[sflag:s20] =	ssyncadd.s32 $0xFFFFCC00  }
0x23: {  	[spmem:s9] =	stream.linear.scatter [tilespmem:s19], [sflag:$0x3], $0x3400, $0x38;
	[tilespmem:$0x15280] =	vst v63  }
0x24: {  	_ =	swait.ge [sflag:s20], $0x3400  }
0x25: {  	[sflag:s20] =	ssyncset.done $0x0  }
0x26: {  	s0 =	simm.s32 @!p0 $0x8200;
	[sflag:s20] =	ssyncadd.s32 $0xFFFFCC00  }
0x27: {  	[spmem:s10] =	stream.linear.scatter @!p0 [tilespmem:s0], [sflag:$0x3], $0x800, $0x38;
	[tilespmem:$0x15280] =	vst v63  }
0x28: {  	s0 =	simm.s32 @!p0 $0x3  }
0x29: {  	_ =	swait.ge @!p0 [sflag:s0], $0x800  }
0x2a: {  	[sflag:s0] =	ssyncset.done @!p0 $0x0  }
0x2b: {  	[sflag:s0] =	ssyncadd.s32 @!p0 $0xFFFFF800  }
0x2c: {  	[bflag:$0x0] =	sbarrier.arrive $0xFFFF  }
0x2d: {  	[tilespmem:s2], [sflag:$0x3] =	stream.linear.gather [hbm4b:s11+s2], $0x80, $0x38;
	[tilespmem:$0x15280] =	vst v63  }
0x2e: {  	_ =	swait.ge [sflag:s20], $0x80  }
0x2f: {  	[sflag:s20] =	ssyncset.done $0x0  }
0x30: {  	[sflag:s20] =	ssyncadd.s32 $0xFFFFFF80  }
0x31: {  	[tilespmem:s21], [sflag:$0x3] =	stream.linear.gather [hbm4b:s12+s2], $0x80, $0x38;
	[tilespmem:$0x15280] =	vst v63  }
0x32: {  	_ =	swait.ge [sflag:s20], $0x80  }
0x33: {  	[sflag:s20] =	ssyncset.done $0x0  }
0x34: {  	[sflag:s20] =	ssyncadd.s32 $0xFFFFFF80  }
0x35: {  	[tilespmem:s22], [sflag:$0x1] =	stream.indirect.gather [hbm4b:s5+s21], $0x80, s2, s21, $0xb8;
	[tilespmem:$0x15280] =	vst v63  }
0x36: {  	s4 =	sadd.s32 $0xFFFFFFF0, s17  }
0x37: {  	[tilespmem:s23], [sflag:$0x3] =	stream.linear.gather [hbm4b:s4+s2], $0x80, $0x38;
	[tilespmem:$0x15280] =	vst v63  }
0x38: {  	_ =	swait.ge [sflag:s20], $0x80  }
0x39: {  	[sflag:s20] =	ssyncset.done $0x0  }
0x3a: {  	s6 =	sadd.s32 $0x0, s18;
	[sflag:s20] =	ssyncadd.s32 $0xFFFFFF80  }
0x3b: {  	[tilespmem:s24], [sflag:$0x3] =	stream.linear.gather [hbm4b:s6+s2], $0x80, $0x38;
	[tilespmem:$0x15280] =	vst v63  }
0x3c: {  	_ =	swait.ge [sflag:s20], $0x80  }
0x3d: {  	[sflag:s20] =	ssyncset.done $0x0  }
0x3e: {  	[sflag:s20] =	ssyncadd.s32 $0xFFFFFF80  }
0x3f: {  	[tilespmem:s25], [sflag:$0x2] =	stream.indirect.gather [hbm4b:s5+s21], $0x80, s23, s21, $0xb8;
	[tilespmem:$0x15280] =	vst v63  }
0x40: {  	_ =	swait.ge [sflag:s26], $0x4000  }
0x41: {  	[sflag:s26] =	ssyncset.done $0x0  }
0x42: {  	[sflag:s26] =	ssyncadd.s32 $0xFFFFC000  }
0x43: {  	[spmem:s1] =	stream.indirect.scatter.add.f32 [tilespmem:s22], [sflag:$0x3], $0x80, s21, s21, $0xb8;
	[tilespmem:$0x15280] =	vst v63  }
0x44: {  	_ =	swait.ge [sflag:s20], $0x4000  }
0x45: {  	[sflag:s20] =	ssyncset.done $0x0  }
0x46: {  	[sflag:s20] =	ssyncadd.s32 $0xFFFFC000  }
0x47: {  	[tilespmem:s2], [sflag:$0x3] =	stream.linear.gather [hbm4b:s17+s2], $0x80, $0x38;
	[tilespmem:$0x15280] =	vst v63  }
0x48: {  	_ =	swait.ge [sflag:s20], $0x80  }
0x49: {  	s8 =	sshrl.u32 s16, $0x3;
	[sflag:s20] =	ssyncset.done $0x0  }
0x4a: {  	s0 =	sadd.s32 s3, s8;
	[sflag:s20] =	ssyncadd.s32 $0xFFFFFF80  }
0x4b: {  	[tilespmem:s21], [sflag:$0x3] =	stream.linear.gather [hbm4b:s0+s2], $0x80, $0x38;
	[tilespmem:$0x15280] =	vst v63  }
0x4c: {  	_ =	swait.ge [sflag:s20], $0x80  }
0x4d: {  	[sflag:s20] =	ssyncset.done $0x0  }
0x4e: {  	[sflag:s20] =	ssyncadd.s32 $0xFFFFFF80  }
0x4f: {  	[tilespmem:s22], [sflag:$0x1] =	stream.indirect.gather [hbm4b:s5+s21], $0x80, s2, s21, $0xb8;
	[tilespmem:$0x15280] =	vst v63  }
0x50: {  	_ =	swait.ge [sflag:s28], $0x4000  }
0x51: {  	[sflag:s28] =	ssyncset.done $0x0  }
0x52: {  	[sflag:s28] =	ssyncadd.s32 $0xFFFFC000  }
0x53: {  	[spmem:s1] =	stream.indirect.scatter.add.f32 [tilespmem:s25], [sflag:$0x3], $0x80, s24, s21, $0xb8;
	[tilespmem:$0x15280] =	vst v63  }
0x54: {  	s30 =	sadd.s32 $0x20, s17;
	s31 =	smov.u32 s16;
	_ =	swait.ge [sflag:s20], $0x4000  }
0x55: {  	s4 =	simm.s32 $0x80;
	s0 =	simm.s32 $0x40;
	[sflag:s20] =	ssyncset.done $0x0  }
.LBB2_2:
0x56: {  	s6 =	sadd.s32 $0xFFFFFFF0, s30  }
0x57: {  	[sflag:s20] =	ssyncadd.s32 $0xFFFFC000;
	s31 =	sadd.s32 $0x200, s31;
	s8 =	smov.u32 s4  }
0x58: {  	[tilespmem:s23], [sflag:$0x3] =	stream.linear.gather [hbm4b:s6+s2], $0x80, $0x38;
	[tilespmem:$0x15280] =	vst v63  }
0x59: {  	p1 =	sne.s32 s4, $0x1340;
	s4 =	sadd.s32 $0x40, s4;
	_ =	swait.ge [sflag:s20], $0x80  }
0x5a: {  	[sflag:s20] =	ssyncset.done $0x0  }
0x5b: {  	s6 =	sadd.s32 s0, s18;
	s0 =	smov.u32 s8;
	[sflag:s20] =	ssyncadd.s32 $0xFFFFFF80  }
0x5c: {  	[tilespmem:s24], [sflag:$0x3] =	stream.linear.gather [hbm4b:s6+s2], $0x80, $0x38;
	[tilespmem:$0x15280] =	vst v63  }
0x5d: {  	_ =	swait.ge [sflag:s20], $0x80  }
0x5e: {  	[sflag:s20] =	ssyncset.done $0x0  }
0x5f: {  	[sflag:s20] =	ssyncadd.s32 $0xFFFFFF80  }
0x60: {  	[tilespmem:s25], [sflag:$0x2] =	stream.indirect.gather [hbm4b:s5+s21], $0x80, s23, s21, $0xb8;
	[tilespmem:$0x15280] =	vst v63  }
0x61: {  	_ =	swait.ge [sflag:s26], $0x4000  }
0x62: {  	[sflag:s26] =	ssyncset.done $0x0  }
0x63: {  	[sflag:s26] =	ssyncadd.s32 $0xFFFFC000  }
0x64: {  	[spmem:s1] =	stream.indirect.scatter.add.f32 [tilespmem:s22], [sflag:$0x3], $0x80, s21, s21, $0xb8;
	[tilespmem:$0x15280] =	vst v63  }
0x65: {  	_ =	swait.ge [sflag:s20], $0x4000  }
0x66: {  	[sflag:s20] =	ssyncset.done $0x0  }
0x67: {  	[sflag:s20] =	ssyncadd.s32 $0xFFFFC000  }
0x68: {  	[tilespmem:s2], [sflag:$0x3] =	stream.linear.gather [hbm4b:s30+s2], $0x80, $0x38;
	[tilespmem:$0x15280] =	vst v63  }
0x69: {  	_ =	swait.ge [sflag:s20], $0x80  }
0x6a: {  	s6 =	sshrl.u32 s31, $0x3;
	[sflag:s20] =	ssyncset.done $0x0  }
0x6b: {  	s6 =	sadd.s32 s3, s6;
	[sflag:s20] =	ssyncadd.s32 $0xFFFFFF80  }
0x6c: {  	[tilespmem:s21], [sflag:$0x3] =	stream.linear.gather [hbm4b:s6+s2], $0x80, $0x38;
	[tilespmem:$0x15280] =	vst v63  }
0x6d: {  	_ =	swait.ge [sflag:s20], $0x80  }
0x6e: {  	[sflag:s20] =	ssyncset.done $0x0  }
0x6f: {  	[sflag:s20] =	ssyncadd.s32 $0xFFFFFF80  }
0x70: {  	[tilespmem:s22], [sflag:$0x1] =	stream.indirect.gather [hbm4b:s5+s21], $0x80, s2, s21, $0xb8;
	[tilespmem:$0x15280] =	vst v63  }
0x71: {  	_ =	swait.ge [sflag:s28], $0x4000  }
.Ltmp0:
0x72: {  	[sflag:s28] =	ssyncset.done $0x0;
	(pc) =	sbr.rel @p1 .LBB2_2-.Ltmp0, $4  }
0x73: {  	[sflag:s28] =	ssyncadd.s32 $0xFFFFC000  }
0x74: {  	[spmem:s1] =	stream.indirect.scatter.add.f32 [tilespmem:s25], [sflag:$0x3], $0x80, s24, s21, $0xb8;
	[tilespmem:$0x15280] =	vst v63  }
0x75: {  	_ =	swait.ge [sflag:s20], $0x4000  }
0x76: {  	s30 =	sadd.s32 $0x20, s30;
	[sflag:s20] =	ssyncset.done $0x0  }
0x77: {  	s4 =	sadd.s32 $0xFFFFFFF0, s30;
	[sflag:s20] =	ssyncadd.s32 $0xFFFFC000  }
0x78: {  	[tilespmem:s23], [sflag:$0x3] =	stream.linear.gather [hbm4b:s4+s2], $0x80, $0x38;
	[tilespmem:$0x15280] =	vst v63  }
0x79: {  	_ =	swait.ge [sflag:s20], $0x80  }
0x7a: {  	[sflag:s20] =	ssyncset.done $0x0  }
0x7b: {  	s0 =	sadd.s32 s0, s18;
	[sflag:s20] =	ssyncadd.s32 $0xFFFFFF80  }
0x7c: {  	[tilespmem:s24], [sflag:$0x3] =	stream.linear.gather [hbm4b:s0+s2], $0x80, $0x38;
	[tilespmem:$0x15280] =	vst v63  }
0x7d: {  	_ =	swait.ge [sflag:s20], $0x80  }
0x7e: {  	[sflag:s20] =	ssyncset.done $0x0  }
0x7f: {  	[sflag:s20] =	ssyncadd.s32 $0xFFFFFF80  }
0x80: {  	[tilespmem:s25], [sflag:$0x2] =	stream.indirect.gather [hbm4b:s5+s21], $0x80, s23, s21, $0xb8;
	[tilespmem:$0x15280] =	vst v63  }
0x81: {  	_ =	swait.ge [sflag:s26], $0x4000  }
0x82: {  	[sflag:s26] =	ssyncset.done $0x0  }
0x83: {  	[sflag:s26] =	ssyncadd.s32 $0xFFFFC000  }
0x84: {  	[spmem:s1] =	stream.indirect.scatter.add.f32 [tilespmem:s22], [sflag:$0x3], $0x80, s21, s21, $0xb8;
	[tilespmem:$0x15280] =	vst v63  }
0x85: {  	_ =	swait.ge [sflag:s20], $0x4000  }
0x86: {  	[sflag:s20] =	ssyncset.done $0x0  }
0x87: {  	[sflag:s20] =	ssyncadd.s32 $0xFFFFC000  }
0x88: {  	[tilespmem:s2], [sflag:$0x3] =	stream.linear.gather [hbm4b:s30+s2], $0x80, $0x38;
	[tilespmem:$0x15280] =	vst v63  }
0x89: {  	s8 =	sadd.s32 $0x200, s31;
	_ =	swait.ge [sflag:s20], $0x80  }
0x8a: {  	s0 =	sshrl.u32 s8, $0x3;
	[sflag:s20] =	ssyncset.done $0x0  }
0x8b: {  	s0 =	sadd.s32 s3, s0;
	[sflag:s20] =	ssyncadd.s32 $0xFFFFFF80  }
0x8c: {  	[tilespmem:s21], [sflag:$0x3] =	stream.linear.gather [hbm4b:s0+s2], $0x80, $0x38;
	[tilespmem:$0x15280] =	vst v63  }
0x8d: {  	_ =	swait.ge [sflag:s20], $0x80  }
0x8e: {  	[sflag:s20] =	ssyncset.done $0x0  }
0x8f: {  	[sflag:s20] =	ssyncadd.s32 $0xFFFFFF80  }
0x90: {  	[tilespmem:s22], [sflag:$0x1] =	stream.indirect.gather [hbm4b:s5+s21], $0x80, s2, s21, $0xb8;
	[tilespmem:$0x15280] =	vst v63  }
0x91: {  	_ =	swait.ge [sflag:s28], $0x4000  }
0x92: {  	[sflag:s28] =	ssyncset.done $0x0  }
0x93: {  	[sflag:s28] =	ssyncadd.s32 $0xFFFFC000  }
0x94: {  	[spmem:s1] =	stream.indirect.scatter.add.f32 [tilespmem:s25], [sflag:$0x3], $0x80, s24, s21, $0xb8;
	[tilespmem:$0x15280] =	vst v63  }
0x95: {  	_ =	swait.ge [sflag:s20], $0x4000  }
0x96: {  	[sflag:s20] =	ssyncset.done $0x0  }
0x97: {  	[sflag:s20] =	ssyncadd.s32 $0xFFFFC000  }
0x98: {  	_ =	swait.ge [sflag:s26], $0x4000  }
0x99: {  	[sflag:s26] =	ssyncset.done $0x0  }
0x9a: {  	[sflag:s26] =	ssyncadd.s32 $0xFFFFC000  }
0x9b: {  	[spmem:s1] =	stream.indirect.scatter.add.f32 [tilespmem:s22], [sflag:$0x3], $0x80, s21, s21, $0xb8;
	[tilespmem:$0x15280] =	vst v63  }
0x9c: {  	_ =	swait.ge [sflag:s20], $0x4000  }
0x9d: {  	s30 =	stileid.u32;
	[sflag:s20] =	ssyncset.done $0x0  }
0x9e: {  	s0 =	sshll.u32 s30, $0x6;
	[sflag:s20] =	ssyncadd.s32 $0xFFFFC000  }
0x9f: {  	s31 =	sshrl.u32 s7, $0x3;
	s0 =	sor.u32 $0x1C03, s0;
	[bflag:$0x0] =	sbarrier.arrive $0xFFFF  }
0xa0: {  	[hbm:s13], [sflag:s0] =	dma.local [spmem:s31], $0x1380  }
0xa1: {  	_ =	swait.ge [sflag:s20], $0x1380  }
0xa2: {  	s29 =	sadd.s32 $0x1, s29;
	[sflag:s20] =	ssyncset.done $0x0  }
0xa3: {  	s4 =	sshrl.u32 @!p0 s10, $0x3;
	p1 =	sne.s32 s29, s15;
	[sflag:s20] =	ssyncadd.s32 $0xFFFFEC80  }
0xa4: {  	[hbm:s14], [sflag:s0] =	dma.local @!p0 [spmem:s4], $0x100  }
.Ltmp1:
0xa5: {  	_ = 	snop;
	(pc) =	sbr.rel @p1 .LBB2_1-.Ltmp1, $4  }
0xa6: {  	s0 =	simm.s32 @!p0 $0x3  }
0xa7: {  	_ =	swait.ge @!p0 [sflag:s0], $0x100  }
0xa8: {  	[sflag:s0] =	ssyncset.done @!p0 $0x0  }
0xa9: {  	[sflag:s0] =	ssyncadd.s32 @!p0 $0xFFFFFF00  }
0xaa: {  	_ =	sfence.sel $0x180000  }
0xab: {  	[bflag:$0x0] =	sbarrier.arrive $0xFFFF  }
0xac: {  	_ =	strace $0x90000047  }
0xad: {  	[bflag:$0x2] =	sbarrier.arrive $0xFFFF  }
0xae: {  	s0 =	rddreg [dreg:$0x2]  }
0xaf: {  	s0 =	sadd.s32 @!p0 $0x100000, s0  }
0xb0: {  	[sflag:s0] =	ssyncadd.tile.s32 @!p0 $0x1;
	_ =	shalt  }
.Lfunc_end2:
_tile_overlayer_lowered:
.L_overlay_start_2:
0xb1: {  	(tag) =	ssettag $0x2  }
0xb2: {  	s0 =	rddreg [dreg:$0x0];
	s2 =	stileid.u32  }
0xb3: {  	s1 =	rddreg [dreg:$0x1];
	p0 =	sne.s32 s2, $0x0  }
0xb4: {  	s3 =	rddreg [dreg:$0x2];
	[bflag:$0x3] =	sbarrier.arrive $0xFFFF;
	s2 =	simm.s32 @!p0 $0x1C03  }
0xb5: {  	[timem:s3], [sflag:s2] =	dma.local @!p0 [hbm:s0], s1  }
0xb6: {  	s0 =	simm.s32 @!p0 $0x3  }
0xb7: {  	_ =	swait.ge @!p0 [sflag:s0], s1  }
0xb8: {  	s1 =	ssub.s32 @!p0 $0x0, s1;
	[sflag:s0] =	ssyncset.done @!p0 $0x0  }
0xb9: {  	[sflag:s0] =	ssyncadd.s32 @!p0 s1  }
0xba: {  	[bflag:$0x3] =	sbarrier.arrive $0xFFFF  }
0xbb: {  	_ =	shalt  }

// kernel: kernel.16.cloned.1.call-start
scs
__scs_entry_jumppad:
0x0: {  	(pc) =	sbr.rel $0x88, $3  }
0x1: {  	(tag) =	ssettag $0x0;
	lr =	simm.s32 $0x1  }
0x2: {  	[smem:$0x3F96] =	sst lr;
	_ =	strace $0xD0000000  }
0x3: {  	_ = 	snop  }
0x4: {  	_ = 	snop  }
0x5: {  	_ = 	snop  }
0x6: {  	_ = 	snop  }
0x7: {  	_ = 	snop  }
__scs_overlays_trampoline_lowered:
0x8: {  	[smem:$0x3FA5] =	sst s0  }
0x9: {  	[smem:$0x3FA6] =	sst s1  }
0xa: {  	[smem:$0x3FA7] =	sst s2  }
0xb: {  	[smem:$0x3FA8] =	sst s3  }
0xc: {  	[smem:$0x3FA9] =	sst s4  }
0xd: {  	[smem:$0x3FAA] =	sst s5  }
0xe: {  	[smem:$0x3FAB] =	sst s6  }
0xf: {  	[smem:$0x3FAC] =	sst s7  }
0x10: {  	[smem:$0x3FAD] =	sst s8  }
0x11: {  	[smem:$0x3FAE] =	sst s9;
	s0 =	simm.s32 @!p0 $0x0  }
0x12: {  	s1 =	sld [smem:$0x3F94];
	s0 =	simm.s32 @p0 $0x1  }
0x13: {  	[smem:$0x3FAF] =	sst s0;
	s0 =	simm.s32 @!p1 $0x0  }
0x14: {  	s2 =	sld [smem:$0x3F93];
	s0 =	simm.s32 @p1 $0x1  }
0x15: {  	[smem:$0x3FB0] =	sst s0;
	s0 =	simm.s32 @!p2 $0x0  }
0x16: {  	s3 =	sld [smem:$0x3FDB];
	s0 =	simm.s32 @p2 $0x1  }
0x17: {  	s4 =	simm.s32 $0x1BF5;
	[smem:$0x3FB2] =	sst s0  }
0x18: {  	s0 =	sld [smem:$0x3F95];
	_ =	swait.ge [sflag:s4], $0x0  }
0x19: {  	s7 =	sld [smem:$0x3F96]  }
0x1a: {  	s8 =	sadd.s32 $0xFFFFE003, lr  }
0x1b: {  	s9 =	sadd.s32 $0xFFFFFEF7, lr;
	s5 =	simm.s32 $0xFFFFFFFF;
	p2 =	slt.u32 s8, $0xFFFFF086  }
0x1c: {  	p1 =	slt.u32 s9, $0xF7A;
	s5 =	simm.s32 @!p2 $0x0  }
0x1d: {  	s5 =	simm.s32 @p1 $0x1;
	p0 =	seq.s32 s7, s2  }
0x1e: {  	s7 =	smul.u32 @!p0 $0xF7A, s2;
	p2 =	seq.s32 @!p0 s5, $0x0  }
0x1f: {  	s9 =	smul.u32 $0xF7A, s1;
	s8 =	simm.s32 @!p0 $0x1BF5;
	p2 =	por !p2, p0  }
0x20: {  	[sflag:s8] =	ssyncset.s32 @!p0 $0xFFFFF086;
	s6 =	sadd.s32 @!p0 s3, s7;
	s7 =	simm.s32 @!p0 $0x108  }
0x21: {  	s3 =	sadd.s32 s3, s9;
	s6 =	sadd.s32 @!p0 $0x88, s6;
	s7 =	simm.s32 @p2 $0x1082  }
0x22: {  	[simem:s7], [sflag:s8] =	dma.local @!p0 [hbm:s6], $0xF7A  }
0x23: {  	s9 =	sor.u32 $0xD0000000, s2;
	s6 =	simm.s32 $0x108;
	_ =	swait.ge @!p0 [sflag:s8], $0x0  }
0x24: {  	s3 =	sadd.s32 $0x88, s3;
	s6 =	simm.s32 @!p1 $0x1082;
	[sflag:s4] =	ssyncset.s32 $0xFFFFF086  }
0x25: {  	[simem:s6], [sflag:s4] =	dma.local [hbm:s3], $0xF7A  }
0x26: {  	[smem:$0x3F96] =	sst s1;
	(tag) =	ssettag s2;
	_ =	strace s9  }
0x27: {  	s1 =	sld [smem:$0x3FA6]  }
0x28: {  	s2 =	sld [smem:$0x3FA7]  }
0x29: {  	s4 =	sld [smem:$0x3FA9]  }
0x2a: {  	p0 =	seq.s32 s5, $0x0;
	s5 =	sld [smem:$0x3FAA]  }
0x2b: {  	s6 =	sld [smem:$0x3FAB]  }
0x2c: {  	s7 =	sld [smem:$0x3FAC]  }
0x2d: {  	s3 =	simm.s32 $0x108;
	s8 =	sld [smem:$0x3FAD]  }
0x2e: {  	s3 =	simm.s32 @!p0 $0x1082;
	s9 =	sld [smem:$0x3FAE]  }
0x2f: {  	lr =	sadd.s32 s0, s3;
	s0 =	sld [smem:$0x3FA5]  }
0x30: {  	s3 =	sld [smem:$0x3FA8]  }
0x31: {  	[smem:$0x3FB1] =	sst s10  }
0x32: {  	s10 =	sld [smem:$0x3FAF];
	_ =	sdelay $0x3  }
0x33: {  	p0 =	seq.s32 s10, $0x1;
	s10 =	sld [smem:$0x3FB1];
	_ =	sdelay $0x3  }
0x34: {  	[smem:$0x3FB1] =	sst s10  }
0x35: {  	s10 =	sld [smem:$0x3FB0];
	_ =	sdelay $0x3  }
0x36: {  	p1 =	seq.s32 s10, $0x1;
	s10 =	sld [smem:$0x3FB1];
	_ =	sdelay $0x3  }
0x37: {  	[smem:$0x3FB1] =	sst s10  }
0x38: {  	s10 =	sld [smem:$0x3FB2]  }
0x39: {  	_ = 	snop;
	(pc) =	sbr.ind lr, $3  }
0x3a: {  	_ = 	snop  }
0x3b: {  	_ = 	snop  }
0x3c: {  	p2 =	seq.s32 s10, $0x1;
	s10 =	sld [smem:$0x3FB1]  }
0x3d: {  	_ =	shalt  }
0x3e: {  	_ =	shalt  }
0x3f: {  	_ =	shalt  }
0x40: {  	_ =	shalt  }
0x41: {  	_ =	shalt  }
0x42: {  	_ =	shalt  }
0x43: {  	_ =	shalt  }
0x44: {  	_ =	shalt  }
0x45: {  	_ =	shalt  }
0x46: {  	_ =	shalt  }
0x47: {  	_ =	shalt  }
0x48: {  	_ =	shalt  }
0x49: {  	_ =	shalt  }
0x4a: {  	_ =	shalt  }
0x4b: {  	_ =	shalt  }
0x4c: {  	_ =	shalt  }
0x4d: {  	_ =	shalt  }
0x4e: {  	_ =	shalt  }
0x4f: {  	_ =	shalt  }
0x50: {  	_ =	shalt  }
0x51: {  	_ =	shalt  }
0x52: {  	_ =	shalt  }
0x53: {  	_ =	shalt  }
0x54: {  	_ =	shalt  }
0x55: {  	_ =	shalt  }
0x56: {  	_ =	shalt  }
0x57: {  	_ =	shalt  }
0x58: {  	_ =	shalt  }
0x59: {  	_ =	shalt  }
0x5a: {  	_ =	shalt  }
0x5b: {  	_ =	shalt  }
0x5c: {  	_ =	shalt  }
0x5d: {  	_ =	shalt  }
0x5e: {  	_ =	shalt  }
0x5f: {  	_ =	shalt  }
0x60: {  	_ =	shalt  }
0x61: {  	_ =	shalt  }
0x62: {  	_ =	shalt  }
0x63: {  	_ =	shalt  }
0x64: {  	_ =	shalt  }
0x65: {  	_ =	shalt  }
0x66: {  	_ =	shalt  }
0x67: {  	_ =	shalt  }
0x68: {  	_ =	shalt  }
0x69: {  	_ =	shalt  }
0x6a: {  	_ =	shalt  }
0x6b: {  	_ =	shalt  }
0x6c: {  	_ =	shalt  }
0x6d: {  	_ =	shalt  }
0x6e: {  	_ =	shalt  }
0x6f: {  	_ =	shalt  }
0x70: {  	_ =	shalt  }
0x71: {  	_ =	shalt  }
0x72: {  	_ =	shalt  }
0x73: {  	_ =	shalt  }
0x74: {  	_ =	shalt  }
0x75: {  	_ =	shalt  }
0x76: {  	_ =	shalt  }
0x77: {  	_ =	shalt  }
0x78: {  	_ =	shalt  }
0x79: {  	_ =	shalt  }
0x7a: {  	_ =	shalt  }
0x7b: {  	_ =	shalt  }
0x7c: {  	_ =	shalt  }
0x7d: {  	_ =	shalt  }
0x7e: {  	_ =	shalt  }
0x7f: {  	_ =	shalt  }
0x80: {  	_ =	shalt  }
0x81: {  	_ =	shalt  }
0x82: {  	_ =	shalt  }
0x83: {  	_ =	shalt  }
0x84: {  	_ =	shalt  }
0x85: {  	_ =	shalt  }
0x86: {  	_ =	shalt  }
0x87: {  	_ =	shalt  }
.Lfunc_end0:
.L_simem_size_0:
called_computation.2_lowered:
.L_overlay_start_0:
0x88: {  	s2 =	sld [smem:$0x3FD9]  }
0x89: {  	s3 =	sld [smem:$0x3FFE];
	_ =	sdelay $0x1  }
0x8a: {  	s1 =	srdreg.scid  }
0x8b: {  	s0 =	sand.u32 $0x1, s1  }
0x8c: {  	s16 =	sshll.u32 s0, $0xA;
	s2 =	sadd.s32 s3, s2  }
0x8d: {  	s2 =	sadd.s32 s2, s16  }
0x8e: {  	[smem:$0x3FBD] =	sst s2  }
0x8f: {  	_ = 	snop  }
0x90: {  	(tm) =	ssettm $0x1  }
0x91: {  	s17 =	sld [smem:$0x3FFB];
	_ =	sdelay $0x3  }
0x92: {  	_ =	strace s17  }
0x93: {  	s2 =	sld [smem:$0x3FFC];
	_ =	sdelay $0x3  }
0x94: {  	_ =	strace s2  }
0x95: {  	s2 =	sld [smem:$0x3FFD];
	_ =	sdelay $0x3  }
0x96: {  	_ =	strace s2  }
0x97: {  	_ =	strace $0x8FFFFFFF  }
0x98: {  	s18 =	sld [smem:$0x3FDB];
	_ =	sdelay $0x1  }
0x99: {  	s19 =	simm.s32 $_scs_section_size  }
0x9a: {  	s4 =	simm.s32 $_size__tile_overlayer_lowered;
	s5 =	simm.s32 $_tile_overlayer_lowered  }
0x9b: {  	s22 =	simm.s32 $0x1BFF;
	s21 =	sshll.u32 s5, $0x1;
	s2 =	sadd.s32 s19, s18  }
0x9c: {  	s6 =	simm.s32 $0x0;
	s20 =	sshll.u32 s4, $0x1;
	s4 =	sadd.s32 s21, s2  }
0x9d: {  	[timem:s6], [sflag:s22] =	dma.local [hbm:s4], s20  }
0x9e: {  	_ =	swait.ge [sflag:s22], s20  }
0x9f: {  	s3 =	ssub.s32 $0x0, s20;
	[sflag:s22] =	ssyncset.done $0x0  }
0xa0: {  	[sflag:s22] =	ssyncadd.s32 s3;
	_ =	sdelay $0x1  }
0xa1: {  	s23 =	simm.s32 $0x1B8B  }
0xa2: {  	_ =	swait.ge [sflag:s23], $0x1  }
0xa3: {  	[sflag:s23] =	ssyncset.done $0x0  }
0xa4: {  	s25 =	simm.s32 $0x1B8E;
	s24 =	sld [smem:$0x3FFE];
	[sflag:s23] =	ssyncadd.s32 $0xFFFFFFFF  }
0xa5: {  	s26 =	simm.s32 $execute0_lowered;
	[smem:$0x3FD2] =	sst s25  }
0xa6: {  	s4 =	sshll.u32 s26, $0x1;
	_ =	strace $0x8000004C;
	[dreg:$0x1] =	wrdreg $0xFFFFFFFF  }
0xa7: {  	s28 =	simm.s32 $_size_execute0_lowered;
	s2 =	sadd.s32 s2, s4;
	[dreg:$0x0] =	wrdreg $0x0  }
0xa8: {  	s4 =	sshll.u32 s28, $0x1;
	[dreg:$0x2] =	wrdreg s2  }
0xa9: {  	[dreg:$0x3] =	wrdreg s4  }
0xaa: {  	[dreg:$0x4] =	wrdreg $0xC0  }
0xab: {  	_ =	task [dreg:s6], $0x5FFFF  }
0xac: {  	[dreg:$0x1] =	wrdreg $0xFFFFFFFF  }
0xad: {  	[dreg:$0x0] =	wrdreg $0x60  }
0xae: {  	[dreg:$0x2] =	wrdreg s24  }
0xaf: {  	[dreg:$0x3] =	wrdreg $0xB6000  }
0xb0: {  	[dreg:$0x4] =	wrdreg $0x9  }
0xb1: {  	_ =	task.clear_ibuf [dreg:s6], $0x5FFFF;
	_ =	strace $0x9000004C  }
0xb2: {  	s29 =	simm.s32 $0x9;
	_ =	strace $0x8000004E  }
0xb3: {  	_ =	swait.ge [sflag:s29], $0x1  }
0xb4: {  	[sflag:s29] =	ssyncadd.s32 $0xFFFFFFFF  }
0xb5: {  	_ =	strace $0x9000004E  }
0xb6: {  	_ =	sfence  }
0xb7: {  	s30 =	sld [smem:$0x0];
	_ =	sdelay $0x2  }
0xb8: {  	s31 =	sshll.u32 s1, $0xD;
	s1 =	sshrl.u32 s1, $0x2  }
0xb9: {  	s3 =	sand.u32 $0x4000, s31;
	s1 =	sadd.s32 s1, s30  }
0xba: {  	s0 =	sor.u32 s3, s0;
	s1 =	sshll.u32 s1, $0x11  }
0xbb: {  	s0 =	sor.u32 s1, s0  }
0xbc: {  	s0 =	sadd.s32 $0x8F2B, s0  }
0xbd: {  	[sflag:s0] =	ssyncadd.remote.s32 $0x1  }
0xbe: {  	_ =	sfence.sel $0xFFFF  }
0xbf: {  	[dreg:$0x0] =	wrdreg $0xFFFFFFFF;
	(pc) =	sbr.abs _section_cstart, $3  }
0xc0: {  	[dreg:$0x1] =	wrdreg $0xFFFFFFFF  }
0xc1: {  	_ =	task.clear_ibuf [dreg:s6], $0x2FFFF;
	_ =	strace $0x9FFFFFFF  }
0xc2: {  	(tm) =	ssettm $0x7FFFFFFF  }
0xc3: {  	_ =	shalt  }
tec
execute0_lowered:
.L_overlay_start_1:
0x0: {  	(tag) =	ssettag $0x1  }
0x1: {  	s0 =	rddreg [dreg:$0x0]  }
0x2: {  	s1 =	rddreg [dreg:$0x1]  }
0x3: {  	s2 =	simm.s32 $0x0;
	s6 =	srdreg.scid;
	s19 =	stileid.u32  }
0x4: {  	s20 =	simm.s32 $0x3;
	s21 =	simm.s32 $0x80;
	s28 =	simm.s32 $0x2  }
0x5: {  	s29 =	simm.s32 $0x0;
	[smem:$0x7FF] =	sst s2;
	s7 =	smul.u32 $0x27000, s19  }
0x6: {  	s4 =	sadd.s32 $0x17800, s0;
	s3 =	sadd.s32 $0x3E00, s0;
	s11 =	smul.u32 $0x4E80, s19  }
0x7: {  	s5 =	sadd.s32 $0x21600, s0;
	s10 =	sand.u32 $0x1, s6;
	s12 =	smul.u32 $0x9D00, s19  }
0x8: {  	s22 =	sadd.s32 $0x6FA00, s0;
	s0 =	sadd.s32 $0x70200, s0;
	s16 =	smul.u32 $0x9C00, s19  }
0x9: {  	s18 =	smul.u32 $0x9D0, s19;
	p0 =	sne.s32 s19, $0x0;
	s19 =	simm.s32 $0x8200  }
0xa: {  	_ =	strace $0x8000004D;
	[dreg:$0x3] =	wrdreg s22;
	s8 =	ssub.s32 $0x2, s10  }
0xb: {  	s13 =	smul.u32 $0x9C800, s10;
	s14 =	sshll.u32 s10, $0x7;
	s10 =	sadd.s32 $0x9C000, s1  }
0xc: {  	s22 =	simm.s32 $0x100;
	s9 =	sshrl.u32 s8, $0x1;
	s7 =	sshrl.u32 s7, $0x2  }
0xd: {  	s11 =	sshrl.u32 s11, $0x3;
	s17 =	sor.u32 s14, s12;
	s26 =	sadd.s32 s18, s4  }
0xe: {  	s15 =	ssub.s32 s8, s9;
	s7 =	sadd.s32 s7, s1;
	s11 =	sadd.s32 s4, s11  }
0xf: {  	s12 =	sshrl.u32 s17, $0x3;
	s24 =	sadd.s32 s16, s13;
	s13 =	sshrl.u32 s13, $0x3  }
0x10: {  	s30 =	sadd.s32 $0x100, s17;
	s16 =	sadd.s32 $0x200, s17;
	s17 =	sadd.s32 $0x20, s26  }
0x11: {  	s26 =	simm.s32 $0x1;
	s23 =	sadd.s32 $0x3400, s7;
	s9 =	sadd.s32 $0x6800, s7  }
0x12: {  	s14 =	sshrl.u32 s24, $0x3;
	s25 =	sadd.s32 s0, s13;
	s12 =	sadd.s32 s3, s12  }
0x13: {  	s15 =	smax.u32 s15, $0x1;
	s31 =	sshrl.u32 s30, $0x3;
	s24 =	simm.s32 $0x4180  }
0x14: {  	[dreg:$0x4] =	wrdreg s23;
	s13 =	sadd.s32 s0, s14;
	s14 =	sadd.s32 $0x13800, s25  }
0x15: {  	s18 =	sadd.s32 s31, s3;
	s23 =	simm.s32 $0x4100;
	s25 =	simm.s32 $0x4200  }
.LBB2_1:
0x16: {  	s0 =	rddreg [dreg:$0x3]  }
0x17: {  	[tilespmem:s19], [sflag:$0x3] =	stream.linear.gather [hbm4b:s0+s2], $0x3400, $0x38;
	[tilespmem:$0x15280] =	vst v63  }
0x18: {  	_ =	swait.ge [sflag:s20], $0x3400  }
0x19: {  	[sflag:s20] =	ssyncset.done $0x0  }
0x1a: {  	[sflag:s20] =	ssyncadd.s32 $0xFFFFCC00  }
0x1b: {  	[spmem:s7] =	stream.linear.scatter [tilespmem:s19], [sflag:$0x3], $0x3400, $0x38;
	[tilespmem:$0x15280] =	vst v63  }
0x1c: {  	_ =	swait.ge [sflag:s20], $0x3400  }
0x1d: {  	[sflag:s20] =	ssyncset.done $0x0  }
0x1e: {  	s8 =	rddreg [dreg:$0x4];
	[sflag:s20] =	ssyncadd.s32 $0xFFFFCC00  }
0x1f: {  	[spmem:s8] =	stream.linear.scatter [tilespmem:s19], [sflag:$0x3], $0x3400, $0x38;
	[tilespmem:$0x15280] =	vst v63  }
0x20: {  	_ =	swait.ge [sflag:s20], $0x3400  }
0x21: {  	[sflag:s20] =	ssyncset.done $0x0  }
0x22: {  	[sflag:s20] =	ssyncadd.s32 $0xFFFFCC00  }
0x23: {  	[spmem:s9] =	stream.linear.scatter [tilespmem:s19], [sflag:$0x3], $0x3400, $0x38;
	[tilespmem:$0x15280] =	vst v63  }
0x24: {  	_ =	swait.ge [sflag:s20], $0x3400  }
0x25: {  	[sflag:s20] =	ssyncset.done $0x0  }
0x26: {  	s0 =	simm.s32 @!p0 $0x8200;
	[sflag:s20] =	ssyncadd.s32 $0xFFFFCC00  }
0x27: {  	[spmem:s10] =	stream.linear.scatter @!p0 [tilespmem:s0], [sflag:$0x3], $0x800, $0x38;
	[tilespmem:$0x15280] =	vst v63  }
0x28: {  	s0 =	simm.s32 @!p0 $0x3  }
0x29: {  	_ =	swait.ge @!p0 [sflag:s0], $0x800  }
0x2a: {  	[sflag:s0] =	ssyncset.done @!p0 $0x0  }
0x2b: {  	[sflag:s0] =	ssyncadd.s32 @!p0 $0xFFFFF800  }
0x2c: {  	[bflag:$0x0] =	sbarrier.arrive $0xFFFF  }
0x2d: {  	[tilespmem:s2], [sflag:$0x3] =	stream.linear.gather [hbm4b:s11+s2], $0x80, $0x38;
	[tilespmem:$0x15280] =	vst v63  }
0x2e: {  	_ =	swait.ge [sflag:s20], $0x80  }
0x2f: {  	[sflag:s20] =	ssyncset.done $0x0  }
0x30: {  	[sflag:s20] =	ssyncadd.s32 $0xFFFFFF80  }
0x31: {  	[tilespmem:s21], [sflag:$0x3] =	stream.linear.gather [hbm4b:s12+s2], $0x80, $0x38;
	[tilespmem:$0x15280] =	vst v63  }
0x32: {  	_ =	swait.ge [sflag:s20], $0x80  }
0x33: {  	[sflag:s20] =	ssyncset.done $0x0  }
0x34: {  	[sflag:s20] =	ssyncadd.s32 $0xFFFFFF80  }
0x35: {  	[tilespmem:s22], [sflag:$0x1] =	stream.indirect.gather [hbm4b:s5+s21], $0x80, s2, s21, $0xb8;
	[tilespmem:$0x15280] =	vst v63  }
0x36: {  	s4 =	sadd.s32 $0xFFFFFFF0, s17  }
0x37: {  	[tilespmem:s23], [sflag:$0x3] =	stream.linear.gather [hbm4b:s4+s2], $0x80, $0x38;
	[tilespmem:$0x15280] =	vst v63  }
0x38: {  	_ =	swait.ge [sflag:s20], $0x80  }
0x39: {  	[sflag:s20] =	ssyncset.done $0x0  }
0x3a: {  	s6 =	sadd.s32 $0x0, s18;
	[sflag:s20] =	ssyncadd.s32 $0xFFFFFF80  }
0x3b: {  	[tilespmem:s24], [sflag:$0x3] =	stream.linear.gather [hbm4b:s6+s2], $0x80, $0x38;
	[tilespmem:$0x15280] =	vst v63  }
0x3c: {  	_ =	swait.ge [sflag:s20], $0x80  }
0x3d: {  	[sflag:s20] =	ssyncset.done $0x0  }
0x3e: {  	[sflag:s20] =	ssyncadd.s32 $0xFFFFFF80  }
0x3f: {  	[tilespmem:s25], [sflag:$0x2] =	stream.indirect.gather [hbm4b:s5+s21], $0x80, s23, s21, $0xb8;
	[tilespmem:$0x15280] =	vst v63  }
0x40: {  	_ =	swait.ge [sflag:s26], $0x4000  }
0x41: {  	[sflag:s26] =	ssyncset.done $0x0  }
0x42: {  	[sflag:s26] =	ssyncadd.s32 $0xFFFFC000  }
0x43: {  	[spmem:s1] =	stream.indirect.scatter.add.f32 [tilespmem:s22], [sflag:$0x3], $0x80, s21, s21, $0xb8;
	[tilespmem:$0x15280] =	vst v63  }
0x44: {  	_ =	swait.ge [sflag:s20], $0x4000  }
0x45: {  	[sflag:s20] =	ssyncset.done $0x0  }
0x46: {  	[sflag:s20] =	ssyncadd.s32 $0xFFFFC000  }
0x47: {  	[tilespmem:s2], [sflag:$0x3] =	stream.linear.gather [hbm4b:s17+s2], $0x80, $0x38;
	[tilespmem:$0x15280] =	vst v63  }
0x48: {  	_ =	swait.ge [sflag:s20], $0x80  }
0x49: {  	s8 =	sshrl.u32 s16, $0x3;
	[sflag:s20] =	ssyncset.done $0x0  }
0x4a: {  	s0 =	sadd.s32 s3, s8;
	[sflag:s20] =	ssyncadd.s32 $0xFFFFFF80  }
0x4b: {  	[tilespmem:s21], [sflag:$0x3] =	stream.linear.gather [hbm4b:s0+s2], $0x80, $0x38;
	[tilespmem:$0x15280] =	vst v63  }
0x4c: {  	_ =	swait.ge [sflag:s20], $0x80  }
0x4d: {  	[sflag:s20] =	ssyncset.done $0x0  }
0x4e: {  	[sflag:s20] =	ssyncadd.s32 $0xFFFFFF80  }
0x4f: {  	[tilespmem:s22], [sflag:$0x1] =	stream.indirect.gather [hbm4b:s5+s21], $0x80, s2, s21, $0xb8;
	[tilespmem:$0x15280] =	vst v63  }
0x50: {  	_ =	swait.ge [sflag:s28], $0x4000  }
0x51: {  	[sflag:s28] =	ssyncset.done $0x0  }
0x52: {  	[sflag:s28] =	ssyncadd.s32 $0xFFFFC000  }
0x53: {  	[spmem:s1] =	stream.indirect.scatter.add.f32 [tilespmem:s25], [sflag:$0x3], $0x80, s24, s21, $0xb8;
	[tilespmem:$0x15280] =	vst v63  }
0x54: {  	s30 =	sadd.s32 $0x20, s17;
	s31 =	smov.u32 s16;
	_ =	swait.ge [sflag:s20], $0x4000  }
0x55: {  	s4 =	simm.s32 $0x80;
	s0 =	simm.s32 $0x40;
	[sflag:s20] =	ssyncset.done $0x0  }
.LBB2_2:
0x56: {  	s6 =	sadd.s32 $0xFFFFFFF0, s30  }
0x57: {  	[sflag:s20] =	ssyncadd.s32 $0xFFFFC000;
	s31 =	sadd.s32 $0x200, s31;
	s8 =	smov.u32 s4  }
0x58: {  	[tilespmem:s23], [sflag:$0x3] =	stream.linear.gather [hbm4b:s6+s2], $0x80, $0x38;
	[tilespmem:$0x15280] =	vst v63  }
0x59: {  	p1 =	sne.s32 s4, $0x1340;
	s4 =	sadd.s32 $0x40, s4;
	_ =	swait.ge [sflag:s20], $0x80  }
0x5a: {  	[sflag:s20] =	ssyncset.done $0x0  }
0x5b: {  	s6 =	sadd.s32 s0, s18;
	s0 =	smov.u32 s8;
	[sflag:s20] =	ssyncadd.s32 $0xFFFFFF80  }
0x5c: {  	[tilespmem:s24], [sflag:$0x3] =	stream.linear.gather [hbm4b:s6+s2], $0x80, $0x38;
	[tilespmem:$0x15280] =	vst v63  }
0x5d: {  	_ =	swait.ge [sflag:s20], $0x80  }
0x5e: {  	[sflag:s20] =	ssyncset.done $0x0  }
0x5f: {  	[sflag:s20] =	ssyncadd.s32 $0xFFFFFF80  }
0x60: {  	[tilespmem:s25], [sflag:$0x2] =	stream.indirect.gather [hbm4b:s5+s21], $0x80, s23, s21, $0xb8;
	[tilespmem:$0x15280] =	vst v63  }
0x61: {  	_ =	swait.ge [sflag:s26], $0x4000  }
0x62: {  	[sflag:s26] =	ssyncset.done $0x0  }
0x63: {  	[sflag:s26] =	ssyncadd.s32 $0xFFFFC000  }
0x64: {  	[spmem:s1] =	stream.indirect.scatter.add.f32 [tilespmem:s22], [sflag:$0x3], $0x80, s21, s21, $0xb8;
	[tilespmem:$0x15280] =	vst v63  }
0x65: {  	_ =	swait.ge [sflag:s20], $0x4000  }
0x66: {  	[sflag:s20] =	ssyncset.done $0x0  }
0x67: {  	[sflag:s20] =	ssyncadd.s32 $0xFFFFC000  }
0x68: {  	[tilespmem:s2], [sflag:$0x3] =	stream.linear.gather [hbm4b:s30+s2], $0x80, $0x38;
	[tilespmem:$0x15280] =	vst v63  }
0x69: {  	_ =	swait.ge [sflag:s20], $0x80  }
0x6a: {  	s6 =	sshrl.u32 s31, $0x3;
	[sflag:s20] =	ssyncset.done $0x0  }
0x6b: {  	s6 =	sadd.s32 s3, s6;
	[sflag:s20] =	ssyncadd.s32 $0xFFFFFF80  }
0x6c: {  	[tilespmem:s21], [sflag:$0x3] =	stream.linear.gather [hbm4b:s6+s2], $0x80, $0x38;
	[tilespmem:$0x15280] =	vst v63  }
0x6d: {  	_ =	swait.ge [sflag:s20], $0x80  }
0x6e: {  	[sflag:s20] =	ssyncset.done $0x0  }
0x6f: {  	[sflag:s20] =	ssyncadd.s32 $0xFFFFFF80  }
0x70: {  	[tilespmem:s22], [sflag:$0x1] =	stream.indirect.gather [hbm4b:s5+s21], $0x80, s2, s21, $0xb8;
	[tilespmem:$0x15280] =	vst v63  }
0x71: {  	_ =	swait.ge [sflag:s28], $0x4000  }
.Ltmp0:
0x72: {  	[sflag:s28] =	ssyncset.done $0x0;
	(pc) =	sbr.rel @p1 .LBB2_2-.Ltmp0, $4  }
0x73: {  	[sflag:s28] =	ssyncadd.s32 $0xFFFFC000  }
0x74: {  	[spmem:s1] =	stream.indirect.scatter.add.f32 [tilespmem:s25], [sflag:$0x3], $0x80, s24, s21, $0xb8;
	[tilespmem:$0x15280] =	vst v63  }
0x75: {  	_ =	swait.ge [sflag:s20], $0x4000  }
0x76: {  	s30 =	sadd.s32 $0x20, s30;
	[sflag:s20] =	ssyncset.done $0x0  }
0x77: {  	s4 =	sadd.s32 $0xFFFFFFF0, s30;
	[sflag:s20] =	ssyncadd.s32 $0xFFFFC000  }
0x78: {  	[tilespmem:s23], [sflag:$0x3] =	stream.linear.gather [hbm4b:s4+s2], $0x80, $0x38;
	[tilespmem:$0x15280] =	vst v63  }
0x79: {  	_ =	swait.ge [sflag:s20], $0x80  }
0x7a: {  	[sflag:s20] =	ssyncset.done $0x0  }
0x7b: {  	s0 =	sadd.s32 s0, s18;
	[sflag:s20] =	ssyncadd.s32 $0xFFFFFF80  }
0x7c: {  	[tilespmem:s24], [sflag:$0x3] =	stream.linear.gather [hbm4b:s0+s2], $0x80, $0x38;
	[tilespmem:$0x15280] =	vst v63  }
0x7d: {  	_ =	swait.ge [sflag:s20], $0x80  }
0x7e: {  	[sflag:s20] =	ssyncset.done $0x0  }
0x7f: {  	[sflag:s20] =	ssyncadd.s32 $0xFFFFFF80  }
0x80: {  	[tilespmem:s25], [sflag:$0x2] =	stream.indirect.gather [hbm4b:s5+s21], $0x80, s23, s21, $0xb8;
	[tilespmem:$0x15280] =	vst v63  }
0x81: {  	_ =	swait.ge [sflag:s26], $0x4000  }
0x82: {  	[sflag:s26] =	ssyncset.done $0x0  }
0x83: {  	[sflag:s26] =	ssyncadd.s32 $0xFFFFC000  }
0x84: {  	[spmem:s1] =	stream.indirect.scatter.add.f32 [tilespmem:s22], [sflag:$0x3], $0x80, s21, s21, $0xb8;
	[tilespmem:$0x15280] =	vst v63  }
0x85: {  	_ =	swait.ge [sflag:s20], $0x4000  }
0x86: {  	[sflag:s20] =	ssyncset.done $0x0  }
0x87: {  	[sflag:s20] =	ssyncadd.s32 $0xFFFFC000  }
0x88: {  	[tilespmem:s2], [sflag:$0x3] =	stream.linear.gather [hbm4b:s30+s2], $0x80, $0x38;
	[tilespmem:$0x15280] =	vst v63  }
0x89: {  	s8 =	sadd.s32 $0x200, s31;
	_ =	swait.ge [sflag:s20], $0x80  }
0x8a: {  	s0 =	sshrl.u32 s8, $0x3;
	[sflag:s20] =	ssyncset.done $0x0  }
0x8b: {  	s0 =	sadd.s32 s3, s0;
	[sflag:s20] =	ssyncadd.s32 $0xFFFFFF80  }
0x8c: {  	[tilespmem:s21], [sflag:$0x3] =	stream.linear.gather [hbm4b:s0+s2], $0x80, $0x38;
	[tilespmem:$0x15280] =	vst v63  }
0x8d: {  	_ =	swait.ge [sflag:s20], $0x80  }
0x8e: {  	[sflag:s20] =	ssyncset.done $0x0  }
0x8f: {  	[sflag:s20] =	ssyncadd.s32 $0xFFFFFF80  }
0x90: {  	[tilespmem:s22], [sflag:$0x1] =	stream.indirect.gather [hbm4b:s5+s21], $0x80, s2, s21, $0xb8;
	[tilespmem:$0x15280] =	vst v63  }
0x91: {  	_ =	swait.ge [sflag:s28], $0x4000  }
0x92: {  	[sflag:s28] =	ssyncset.done $0x0  }
0x93: {  	[sflag:s28] =	ssyncadd.s32 $0xFFFFC000  }
0x94: {  	[spmem:s1] =	stream.indirect.scatter.add.f32 [tilespmem:s25], [sflag:$0x3], $0x80, s24, s21, $0xb8;
	[tilespmem:$0x15280] =	vst v63  }
0x95: {  	_ =	swait.ge [sflag:s20], $0x4000  }
0x96: {  	[sflag:s20] =	ssyncset.done $0x0  }
0x97: {  	[sflag:s20] =	ssyncadd.s32 $0xFFFFC000  }
0x98: {  	_ =	swait.ge [sflag:s26], $0x4000  }
0x99: {  	[sflag:s26] =	ssyncset.done $0x0  }
0x9a: {  	[sflag:s26] =	ssyncadd.s32 $0xFFFFC000  }
0x9b: {  	[spmem:s1] =	stream.indirect.scatter.add.f32 [tilespmem:s22], [sflag:$0x3], $0x80, s21, s21, $0xb8;
	[tilespmem:$0x15280] =	vst v63  }
0x9c: {  	_ =	swait.ge [sflag:s20], $0x4000  }
0x9d: {  	s30 =	stileid.u32;
	[sflag:s20] =	ssyncset.done $0x0  }
0x9e: {  	s0 =	sshll.u32 s30, $0x6;
	[sflag:s20] =	ssyncadd.s32 $0xFFFFC000  }
0x9f: {  	s31 =	sshrl.u32 s7, $0x3;
	s0 =	sor.u32 $0x1C03, s0;
	[bflag:$0x0] =	sbarrier.arrive $0xFFFF  }
0xa0: {  	[hbm:s13], [sflag:s0] =	dma.local [spmem:s31], $0x1380  }
0xa1: {  	_ =	swait.ge [sflag:s20], $0x1380  }
0xa2: {  	s29 =	sadd.s32 $0x1, s29;
	[sflag:s20] =	ssyncset.done $0x0  }
0xa3: {  	s4 =	sshrl.u32 @!p0 s10, $0x3;
	p1 =	sne.s32 s29, s15;
	[sflag:s20] =	ssyncadd.s32 $0xFFFFEC80  }
0xa4: {  	[hbm:s14], [sflag:s0] =	dma.local @!p0 [spmem:s4], $0x100  }
.Ltmp1:
0xa5: {  	_ = 	snop;
	(pc) =	sbr.rel @p1 .LBB2_1-.Ltmp1, $4  }
0xa6: {  	s0 =	simm.s32 @!p0 $0x3  }
0xa7: {  	_ =	swait.ge @!p0 [sflag:s0], $0x100  }
0xa8: {  	[sflag:s0] =	ssyncset.done @!p0 $0x0  }
0xa9: {  	[sflag:s0] =	ssyncadd.s32 @!p0 $0xFFFFFF00  }
0xaa: {  	_ =	sfence.sel $0x180000  }
0xab: {  	[bflag:$0x0] =	sbarrier.arrive $0xFFFF  }
0xac: {  	_ =	strace $0x9000004D  }
0xad: {  	[bflag:$0x2] =	sbarrier.arrive $0xFFFF  }
0xae: {  	s0 =	rddreg [dreg:$0x2]  }
0xaf: {  	s0 =	sadd.s32 @!p0 $0x100000, s0  }
0xb0: {  	[sflag:s0] =	ssyncadd.tile.s32 @!p0 $0x1;
	_ =	shalt  }
.Lfunc_end2:
_tile_overlayer_lowered:
.L_overlay_start_2:
0xb1: {  	(tag) =	ssettag $0x2  }
0xb2: {  	s0 =	rddreg [dreg:$0x0];
	s2 =	stileid.u32  }
0xb3: {  	s1 =	rddreg [dreg:$0x1];
	p0 =	sne.s32 s2, $0x0  }
0xb4: {  	s3 =	rddreg [dreg:$0x2];
	[bflag:$0x3] =	sbarrier.arrive $0xFFFF;
	s2 =	simm.s32 @!p0 $0x1C03  }
0xb5: {  	[timem:s3], [sflag:s2] =	dma.local @!p0 [hbm:s0], s1  }
0xb6: {  	s0 =	simm.s32 @!p0 $0x3  }
0xb7: {  	_ =	swait.ge @!p0 [sflag:s0], s1  }
0xb8: {  	s1 =	ssub.s32 @!p0 $0x0, s1;
	[sflag:s0] =	ssyncset.done @!p0 $0x0  }
0xb9: {  	[sflag:s0] =	ssyncadd.s32 @!p0 s1  }
0xba: {  	[bflag:$0x3] =	sbarrier.arrive $0xFFFF  }
0xbb: {  	_ =	shalt  }

// kernel: kernel.19.cloned.1.call-start
scs
__scs_entry_jumppad:
0x0: {  	(pc) =	sbr.rel $0x88, $3  }
0x1: {  	(tag) =	ssettag $0x0;
	lr =	simm.s32 $0x1  }
0x2: {  	[smem:$0x3F96] =	sst lr;
	_ =	strace $0xD0000000  }
0x3: {  	_ = 	snop  }
0x4: {  	_ = 	snop  }
0x5: {  	_ = 	snop  }
0x6: {  	_ = 	snop  }
0x7: {  	_ = 	snop  }
__scs_overlays_trampoline_lowered:
0x8: {  	[smem:$0x3FA5] =	sst s0  }
0x9: {  	[smem:$0x3FA6] =	sst s1  }
0xa: {  	[smem:$0x3FA7] =	sst s2  }
0xb: {  	[smem:$0x3FA8] =	sst s3  }
0xc: {  	[smem:$0x3FA9] =	sst s4  }
0xd: {  	[smem:$0x3FAA] =	sst s5  }
0xe: {  	[smem:$0x3FAB] =	sst s6  }
0xf: {  	[smem:$0x3FAC] =	sst s7  }
0x10: {  	[smem:$0x3FAD] =	sst s8  }
0x11: {  	[smem:$0x3FAE] =	sst s9;
	s0 =	simm.s32 @!p0 $0x0  }
0x12: {  	s1 =	sld [smem:$0x3F94];
	s0 =	simm.s32 @p0 $0x1  }
0x13: {  	[smem:$0x3FAF] =	sst s0;
	s0 =	simm.s32 @!p1 $0x0  }
0x14: {  	s2 =	sld [smem:$0x3F93];
	s0 =	simm.s32 @p1 $0x1  }
0x15: {  	[smem:$0x3FB0] =	sst s0;
	s0 =	simm.s32 @!p2 $0x0  }
0x16: {  	s3 =	sld [smem:$0x3FDB];
	s0 =	simm.s32 @p2 $0x1  }
0x17: {  	s4 =	simm.s32 $0x1BF5;
	[smem:$0x3FB2] =	sst s0  }
0x18: {  	s0 =	sld [smem:$0x3F95];
	_ =	swait.ge [sflag:s4], $0x0  }
0x19: {  	s7 =	sld [smem:$0x3F96]  }
0x1a: {  	s8 =	sadd.s32 $0xFFFFE003, lr  }
0x1b: {  	s9 =	sadd.s32 $0xFFFFFEF7, lr;
	s5 =	simm.s32 $0xFFFFFFFF;
	p2 =	slt.u32 s8, $0xFFFFF086  }
0x1c: {  	p1 =	slt.u32 s9, $0xF7A;
	s5 =	simm.s32 @!p2 $0x0  }
0x1d: {  	s5 =	simm.s32 @p1 $0x1;
	p0 =	seq.s32 s7, s2  }
0x1e: {  	s7 =	smul.u32 @!p0 $0xF7A, s2;
	p2 =	seq.s32 @!p0 s5, $0x0  }
0x1f: {  	s9 =	smul.u32 $0xF7A, s1;
	s8 =	simm.s32 @!p0 $0x1BF5;
	p2 =	por !p2, p0  }
0x20: {  	[sflag:s8] =	ssyncset.s32 @!p0 $0xFFFFF086;
	s6 =	sadd.s32 @!p0 s3, s7;
	s7 =	simm.s32 @!p0 $0x108  }
0x21: {  	s3 =	sadd.s32 s3, s9;
	s6 =	sadd.s32 @!p0 $0x88, s6;
	s7 =	simm.s32 @p2 $0x1082  }
0x22: {  	[simem:s7], [sflag:s8] =	dma.local @!p0 [hbm:s6], $0xF7A  }
0x23: {  	s9 =	sor.u32 $0xD0000000, s2;
	s6 =	simm.s32 $0x108;
	_ =	swait.ge @!p0 [sflag:s8], $0x0  }
0x24: {  	s3 =	sadd.s32 $0x88, s3;
	s6 =	simm.s32 @!p1 $0x1082;
	[sflag:s4] =	ssyncset.s32 $0xFFFFF086  }
0x25: {  	[simem:s6], [sflag:s4] =	dma.local [hbm:s3], $0xF7A  }
0x26: {  	[smem:$0x3F96] =	sst s1;
	(tag) =	ssettag s2;
	_ =	strace s9  }
0x27: {  	s1 =	sld [smem:$0x3FA6]  }
0x28: {  	s2 =	sld [smem:$0x3FA7]  }
0x29: {  	s4 =	sld [smem:$0x3FA9]  }
0x2a: {  	p0 =	seq.s32 s5, $0x0;
	s5 =	sld [smem:$0x3FAA]  }
0x2b: {  	s6 =	sld [smem:$0x3FAB]  }
0x2c: {  	s7 =	sld [smem:$0x3FAC]  }
0x2d: {  	s3 =	simm.s32 $0x108;
	s8 =	sld [smem:$0x3FAD]  }
0x2e: {  	s3 =	simm.s32 @!p0 $0x1082;
	s9 =	sld [smem:$0x3FAE]  }
0x2f: {  	lr =	sadd.s32 s0, s3;
	s0 =	sld [smem:$0x3FA5]  }
0x30: {  	s3 =	sld [smem:$0x3FA8]  }
0x31: {  	[smem:$0x3FB1] =	sst s10  }
0x32: {  	s10 =	sld [smem:$0x3FAF];
	_ =	sdelay $0x3  }
0x33: {  	p0 =	seq.s32 s10, $0x1;
	s10 =	sld [smem:$0x3FB1];
	_ =	sdelay $0x3  }
0x34: {  	[smem:$0x3FB1] =	sst s10  }
0x35: {  	s10 =	sld [smem:$0x3FB0];
	_ =	sdelay $0x3  }
0x36: {  	p1 =	seq.s32 s10, $0x1;
	s10 =	sld [smem:$0x3FB1];
	_ =	sdelay $0x3  }
0x37: {  	[smem:$0x3FB1] =	sst s10  }
0x38: {  	s10 =	sld [smem:$0x3FB2]  }
0x39: {  	_ = 	snop;
	(pc) =	sbr.ind lr, $3  }
0x3a: {  	_ = 	snop  }
0x3b: {  	_ = 	snop  }
0x3c: {  	p2 =	seq.s32 s10, $0x1;
	s10 =	sld [smem:$0x3FB1]  }
0x3d: {  	_ =	shalt  }
0x3e: {  	_ =	shalt  }
0x3f: {  	_ =	shalt  }
0x40: {  	_ =	shalt  }
0x41: {  	_ =	shalt  }
0x42: {  	_ =	shalt  }
0x43: {  	_ =	shalt  }
0x44: {  	_ =	shalt  }
0x45: {  	_ =	shalt  }
0x46: {  	_ =	shalt  }
0x47: {  	_ =	shalt  }
0x48: {  	_ =	shalt  }
0x49: {  	_ =	shalt  }
0x4a: {  	_ =	shalt  }
0x4b: {  	_ =	shalt  }
0x4c: {  	_ =	shalt  }
0x4d: {  	_ =	shalt  }
0x4e: {  	_ =	shalt  }
0x4f: {  	_ =	shalt  }
0x50: {  	_ =	shalt  }
0x51: {  	_ =	shalt  }
0x52: {  	_ =	shalt  }
0x53: {  	_ =	shalt  }
0x54: {  	_ =	shalt  }
0x55: {  	_ =	shalt  }
0x56: {  	_ =	shalt  }
0x57: {  	_ =	shalt  }
0x58: {  	_ =	shalt  }
0x59: {  	_ =	shalt  }
0x5a: {  	_ =	shalt  }
0x5b: {  	_ =	shalt  }
0x5c: {  	_ =	shalt  }
0x5d: {  	_ =	shalt  }
0x5e: {  	_ =	shalt  }
0x5f: {  	_ =	shalt  }
0x60: {  	_ =	shalt  }
0x61: {  	_ =	shalt  }
0x62: {  	_ =	shalt  }
0x63: {  	_ =	shalt  }
0x64: {  	_ =	shalt  }
0x65: {  	_ =	shalt  }
0x66: {  	_ =	shalt  }
0x67: {  	_ =	shalt  }
0x68: {  	_ =	shalt  }
0x69: {  	_ =	shalt  }
0x6a: {  	_ =	shalt  }
0x6b: {  	_ =	shalt  }
0x6c: {  	_ =	shalt  }
0x6d: {  	_ =	shalt  }
0x6e: {  	_ =	shalt  }
0x6f: {  	_ =	shalt  }
0x70: {  	_ =	shalt  }
0x71: {  	_ =	shalt  }
0x72: {  	_ =	shalt  }
0x73: {  	_ =	shalt  }
0x74: {  	_ =	shalt  }
0x75: {  	_ =	shalt  }
0x76: {  	_ =	shalt  }
0x77: {  	_ =	shalt  }
0x78: {  	_ =	shalt  }
0x79: {  	_ =	shalt  }
0x7a: {  	_ =	shalt  }
0x7b: {  	_ =	shalt  }
0x7c: {  	_ =	shalt  }
0x7d: {  	_ =	shalt  }
0x7e: {  	_ =	shalt  }
0x7f: {  	_ =	shalt  }
0x80: {  	_ =	shalt  }
0x81: {  	_ =	shalt  }
0x82: {  	_ =	shalt  }
0x83: {  	_ =	shalt  }
0x84: {  	_ =	shalt  }
0x85: {  	_ =	shalt  }
0x86: {  	_ =	shalt  }
0x87: {  	_ =	shalt  }
.Lfunc_end0:
.L_simem_size_0:
called_computation.3_lowered:
.L_overlay_start_0:
0x88: {  	s2 =	sld [smem:$0x3FD9]  }
0x89: {  	s3 =	sld [smem:$0x3FFE];
	_ =	sdelay $0x1  }
0x8a: {  	s1 =	srdreg.scid  }
0x8b: {  	s0 =	sand.u32 $0x1, s1  }
0x8c: {  	s16 =	sshll.u32 s0, $0xA;
	s2 =	sadd.s32 s3, s2  }
0x8d: {  	s2 =	sadd.s32 s2, s16  }
0x8e: {  	[smem:$0x3FBD] =	sst s2  }
0x8f: {  	_ = 	snop  }
0x90: {  	(tm) =	ssettm $0x1  }
0x91: {  	s17 =	sld [smem:$0x3FFB];
	_ =	sdelay $0x3  }
0x92: {  	_ =	strace s17  }
0x93: {  	s2 =	sld [smem:$0x3FFC];
	_ =	sdelay $0x3  }
0x94: {  	_ =	strace s2  }
0x95: {  	s2 =	sld [smem:$0x3FFD];
	_ =	sdelay $0x3  }
0x96: {  	_ =	strace s2  }
0x97: {  	_ =	strace $0x8FFFFFFF  }
0x98: {  	s18 =	sld [smem:$0x3FDB];
	_ =	sdelay $0x1  }
0x99: {  	s19 =	simm.s32 $_scs_section_size  }
0x9a: {  	s4 =	simm.s32 $_size__tile_overlayer_lowered;
	s5 =	simm.s32 $_tile_overlayer_lowered  }
0x9b: {  	s22 =	simm.s32 $0x1BFF;
	s21 =	sshll.u32 s5, $0x1;
	s2 =	sadd.s32 s19, s18  }
0x9c: {  	s6 =	simm.s32 $0x0;
	s20 =	sshll.u32 s4, $0x1;
	s4 =	sadd.s32 s21, s2  }
0x9d: {  	[timem:s6], [sflag:s22] =	dma.local [hbm:s4], s20  }
0x9e: {  	_ =	swait.ge [sflag:s22], s20  }
0x9f: {  	s3 =	ssub.s32 $0x0, s20;
	[sflag:s22] =	ssyncset.done $0x0  }
0xa0: {  	[sflag:s22] =	ssyncadd.s32 s3;
	_ =	sdelay $0x1  }
0xa1: {  	s23 =	simm.s32 $0x1B8B  }
0xa2: {  	_ =	swait.ge [sflag:s23], $0x1  }
0xa3: {  	[sflag:s23] =	ssyncset.done $0x0  }
0xa4: {  	s25 =	simm.s32 $0x1B8E;
	s24 =	sld [smem:$0x3FFE];
	[sflag:s23] =	ssyncadd.s32 $0xFFFFFFFF  }
0xa5: {  	s26 =	simm.s32 $execute0_lowered;
	[smem:$0x3FD2] =	sst s25  }
0xa6: {  	s4 =	sshll.u32 s26, $0x1;
	_ =	strace $0x8000004F;
	[dreg:$0x1] =	wrdreg $0xFFFFFFFF  }
0xa7: {  	s28 =	simm.s32 $_size_execute0_lowered;
	s2 =	sadd.s32 s2, s4;
	[dreg:$0x0] =	wrdreg $0x0  }
0xa8: {  	s4 =	sshll.u32 s28, $0x1;
	[dreg:$0x2] =	wrdreg s2  }
0xa9: {  	[dreg:$0x3] =	wrdreg s4  }
0xaa: {  	[dreg:$0x4] =	wrdreg $0xC0  }
0xab: {  	_ =	task [dreg:s6], $0x5FFFF  }
0xac: {  	[dreg:$0x1] =	wrdreg $0xFFFFFFFF  }
0xad: {  	[dreg:$0x0] =	wrdreg $0x60  }
0xae: {  	[dreg:$0x2] =	wrdreg s24  }
0xaf: {  	[dreg:$0x3] =	wrdreg $0xB6000  }
0xb0: {  	[dreg:$0x4] =	wrdreg $0x9  }
0xb1: {  	_ =	task.clear_ibuf [dreg:s6], $0x5FFFF;
	_ =	strace $0x9000004F  }
0xb2: {  	s29 =	simm.s32 $0x9;
	_ =	strace $0x80000051  }
0xb3: {  	_ =	swait.ge [sflag:s29], $0x1  }
0xb4: {  	[sflag:s29] =	ssyncadd.s32 $0xFFFFFFFF  }
0xb5: {  	_ =	strace $0x90000051  }
0xb6: {  	_ =	sfence  }
0xb7: {  	s30 =	sld [smem:$0x0];
	_ =	sdelay $0x2  }
0xb8: {  	s31 =	sshll.u32 s1, $0xD;
	s1 =	sshrl.u32 s1, $0x2  }
0xb9: {  	s3 =	sand.u32 $0x4000, s31;
	s1 =	sadd.s32 s1, s30  }
0xba: {  	s0 =	sor.u32 s3, s0;
	s1 =	sshll.u32 s1, $0x11  }
0xbb: {  	s0 =	sor.u32 s1, s0  }
0xbc: {  	s0 =	sadd.s32 $0x8F2B, s0  }
0xbd: {  	[sflag:s0] =	ssyncadd.remote.s32 $0x1  }
0xbe: {  	_ =	sfence.sel $0xFFFF  }
0xbf: {  	[dreg:$0x0] =	wrdreg $0xFFFFFFFF;
	(pc) =	sbr.abs _section_cstart, $3  }
0xc0: {  	[dreg:$0x1] =	wrdreg $0xFFFFFFFF  }
0xc1: {  	_ =	task.clear_ibuf [dreg:s6], $0x2FFFF;
	_ =	strace $0x9FFFFFFF  }
0xc2: {  	(tm) =	ssettm $0x7FFFFFFF  }
0xc3: {  	_ =	shalt  }
tec
execute0_lowered:
.L_overlay_start_1:
0x0: {  	(tag) =	ssettag $0x1  }
0x1: {  	s0 =	rddreg [dreg:$0x0]  }
0x2: {  	s1 =	rddreg [dreg:$0x1]  }
0x3: {  	s2 =	simm.s32 $0x0;
	s6 =	srdreg.scid;
	s19 =	stileid.u32  }
0x4: {  	s20 =	simm.s32 $0x3;
	s21 =	simm.s32 $0x80;
	s28 =	simm.s32 $0x2  }
0x5: {  	s29 =	simm.s32 $0x0;
	[smem:$0x7FF] =	sst s2;
	s7 =	smul.u32 $0x27000, s19  }
0x6: {  	s4 =	sadd.s32 $0x17800, s0;
	s3 =	sadd.s32 $0x3E00, s0;
	s11 =	smul.u32 $0x4E80, s19  }
0x7: {  	s5 =	sadd.s32 $0x21600, s0;
	s10 =	sand.u32 $0x1, s6;
	s12 =	smul.u32 $0x9D00, s19  }
0x8: {  	s22 =	sadd.s32 $0x6FA00, s0;
	s0 =	sadd.s32 $0x70200, s0;
	s16 =	smul.u32 $0x9C00, s19  }
0x9: {  	s18 =	smul.u32 $0x9D0, s19;
	p0 =	sne.s32 s19, $0x0;
	s19 =	simm.s32 $0x8200  }
0xa: {  	_ =	strace $0x80000050;
	[dreg:$0x3] =	wrdreg s22;
	s8 =	ssub.s32 $0x2, s10  }
0xb: {  	s13 =	smul.u32 $0x9C800, s10;
	s14 =	sshll.u32 s10, $0x7;
	s10 =	sadd.s32 $0x9C000, s1  }
0xc: {  	s22 =	simm.s32 $0x100;
	s9 =	sshrl.u32 s8, $0x1;
	s7 =	sshrl.u32 s7, $0x2  }
0xd: {  	s11 =	sshrl.u32 s11, $0x3;
	s17 =	sor.u32 s14, s12;
	s26 =	sadd.s32 s18, s4  }
0xe: {  	s15 =	ssub.s32 s8, s9;
	s7 =	sadd.s32 s7, s1;
	s11 =	sadd.s32 s4, s11  }
0xf: {  	s12 =	sshrl.u32 s17, $0x3;
	s24 =	sadd.s32 s16, s13;
	s13 =	sshrl.u32 s13, $0x3  }
0x10: {  	s30 =	sadd.s32 $0x100, s17;
	s16 =	sadd.s32 $0x200, s17;
	s17 =	sadd.s32 $0x20, s26  }
0x11: {  	s26 =	simm.s32 $0x1;
	s23 =	sadd.s32 $0x3400, s7;
	s9 =	sadd.s32 $0x6800, s7  }
0x12: {  	s14 =	sshrl.u32 s24, $0x3;
	s25 =	sadd.s32 s0, s13;
	s12 =	sadd.s32 s3, s12  }
0x13: {  	s15 =	smax.u32 s15, $0x1;
	s31 =	sshrl.u32 s30, $0x3;
	s24 =	simm.s32 $0x4180  }
0x14: {  	[dreg:$0x4] =	wrdreg s23;
	s13 =	sadd.s32 s0, s14;
	s14 =	sadd.s32 $0x13800, s25  }
0x15: {  	s18 =	sadd.s32 s31, s3;
	s23 =	simm.s32 $0x4100;
	s25 =	simm.s32 $0x4200  }
.LBB2_1:
0x16: {  	s0 =	rddreg [dreg:$0x3]  }
0x17: {  	[tilespmem:s19], [sflag:$0x3] =	stream.linear.gather [hbm4b:s0+s2], $0x3400, $0x38;
	[tilespmem:$0x15280] =	vst v63  }
0x18: {  	_ =	swait.ge [sflag:s20], $0x3400  }
0x19: {  	[sflag:s20] =	ssyncset.done $0x0  }
0x1a: {  	[sflag:s20] =	ssyncadd.s32 $0xFFFFCC00  }
0x1b: {  	[spmem:s7] =	stream.linear.scatter [tilespmem:s19], [sflag:$0x3], $0x3400, $0x38;
	[tilespmem:$0x15280] =	vst v63  }
0x1c: {  	_ =	swait.ge [sflag:s20], $0x3400  }
0x1d: {  	[sflag:s20] =	ssyncset.done $0x0  }
0x1e: {  	s8 =	rddreg [dreg:$0x4];
	[sflag:s20] =	ssyncadd.s32 $0xFFFFCC00  }
0x1f: {  	[spmem:s8] =	stream.linear.scatter [tilespmem:s19], [sflag:$0x3], $0x3400, $0x38;
	[tilespmem:$0x15280] =	vst v63  }
0x20: {  	_ =	swait.ge [sflag:s20], $0x3400  }
0x21: {  	[sflag:s20] =	ssyncset.done $0x0  }
0x22: {  	[sflag:s20] =	ssyncadd.s32 $0xFFFFCC00  }
0x23: {  	[spmem:s9] =	stream.linear.scatter [tilespmem:s19], [sflag:$0x3], $0x3400, $0x38;
	[tilespmem:$0x15280] =	vst v63  }
0x24: {  	_ =	swait.ge [sflag:s20], $0x3400  }
0x25: {  	[sflag:s20] =	ssyncset.done $0x0  }
0x26: {  	s0 =	simm.s32 @!p0 $0x8200;
	[sflag:s20] =	ssyncadd.s32 $0xFFFFCC00  }
0x27: {  	[spmem:s10] =	stream.linear.scatter @!p0 [tilespmem:s0], [sflag:$0x3], $0x800, $0x38;
	[tilespmem:$0x15280] =	vst v63  }
0x28: {  	s0 =	simm.s32 @!p0 $0x3  }
0x29: {  	_ =	swait.ge @!p0 [sflag:s0], $0x800  }
0x2a: {  	[sflag:s0] =	ssyncset.done @!p0 $0x0  }
0x2b: {  	[sflag:s0] =	ssyncadd.s32 @!p0 $0xFFFFF800  }
0x2c: {  	[bflag:$0x0] =	sbarrier.arrive $0xFFFF  }
0x2d: {  	[tilespmem:s2], [sflag:$0x3] =	stream.linear.gather [hbm4b:s11+s2], $0x80, $0x38;
	[tilespmem:$0x15280] =	vst v63  }
0x2e: {  	_ =	swait.ge [sflag:s20], $0x80  }
0x2f: {  	[sflag:s20] =	ssyncset.done $0x0  }
0x30: {  	[sflag:s20] =	ssyncadd.s32 $0xFFFFFF80  }
0x31: {  	[tilespmem:s21], [sflag:$0x3] =	stream.linear.gather [hbm4b:s12+s2], $0x80, $0x38;
	[tilespmem:$0x15280] =	vst v63  }
0x32: {  	_ =	swait.ge [sflag:s20], $0x80  }
0x33: {  	[sflag:s20] =	ssyncset.done $0x0  }
0x34: {  	[sflag:s20] =	ssyncadd.s32 $0xFFFFFF80  }
0x35: {  	[tilespmem:s22], [sflag:$0x1] =	stream.indirect.gather [hbm4b:s5+s21], $0x80, s2, s21, $0xb8;
	[tilespmem:$0x15280] =	vst v63  }
0x36: {  	s4 =	sadd.s32 $0xFFFFFFF0, s17  }
0x37: {  	[tilespmem:s23], [sflag:$0x3] =	stream.linear.gather [hbm4b:s4+s2], $0x80, $0x38;
	[tilespmem:$0x15280] =	vst v63  }
0x38: {  	_ =	swait.ge [sflag:s20], $0x80  }
0x39: {  	[sflag:s20] =	ssyncset.done $0x0  }
0x3a: {  	s6 =	sadd.s32 $0x0, s18;
	[sflag:s20] =	ssyncadd.s32 $0xFFFFFF80  }
0x3b: {  	[tilespmem:s24], [sflag:$0x3] =	stream.linear.gather [hbm4b:s6+s2], $0x80, $0x38;
	[tilespmem:$0x15280] =	vst v63  }
0x3c: {  	_ =	swait.ge [sflag:s20], $0x80  }
0x3d: {  	[sflag:s20] =	ssyncset.done $0x0  }
0x3e: {  	[sflag:s20] =	ssyncadd.s32 $0xFFFFFF80  }
0x3f: {  	[tilespmem:s25], [sflag:$0x2] =	stream.indirect.gather [hbm4b:s5+s21], $0x80, s23, s21, $0xb8;
	[tilespmem:$0x15280] =	vst v63  }
0x40: {  	_ =	swait.ge [sflag:s26], $0x4000  }
0x41: {  	[sflag:s26] =	ssyncset.done $0x0  }
0x42: {  	[sflag:s26] =	ssyncadd.s32 $0xFFFFC000  }
0x43: {  	[spmem:s1] =	stream.indirect.scatter.add.f32 [tilespmem:s22], [sflag:$0x3], $0x80, s21, s21, $0xb8;
	[tilespmem:$0x15280] =	vst v63  }
0x44: {  	_ =	swait.ge [sflag:s20], $0x4000  }
0x45: {  	[sflag:s20] =	ssyncset.done $0x0  }
0x46: {  	[sflag:s20] =	ssyncadd.s32 $0xFFFFC000  }
0x47: {  	[tilespmem:s2], [sflag:$0x3] =	stream.linear.gather [hbm4b:s17+s2], $0x80, $0x38;
	[tilespmem:$0x15280] =	vst v63  }
0x48: {  	_ =	swait.ge [sflag:s20], $0x80  }
0x49: {  	s8 =	sshrl.u32 s16, $0x3;
	[sflag:s20] =	ssyncset.done $0x0  }
0x4a: {  	s0 =	sadd.s32 s3, s8;
	[sflag:s20] =	ssyncadd.s32 $0xFFFFFF80  }
0x4b: {  	[tilespmem:s21], [sflag:$0x3] =	stream.linear.gather [hbm4b:s0+s2], $0x80, $0x38;
	[tilespmem:$0x15280] =	vst v63  }
0x4c: {  	_ =	swait.ge [sflag:s20], $0x80  }
0x4d: {  	[sflag:s20] =	ssyncset.done $0x0  }
0x4e: {  	[sflag:s20] =	ssyncadd.s32 $0xFFFFFF80  }
0x4f: {  	[tilespmem:s22], [sflag:$0x1] =	stream.indirect.gather [hbm4b:s5+s21], $0x80, s2, s21, $0xb8;
	[tilespmem:$0x15280] =	vst v63  }
0x50: {  	_ =	swait.ge [sflag:s28], $0x4000  }
0x51: {  	[sflag:s28] =	ssyncset.done $0x0  }
0x52: {  	[sflag:s28] =	ssyncadd.s32 $0xFFFFC000  }
0x53: {  	[spmem:s1] =	stream.indirect.scatter.add.f32 [tilespmem:s25], [sflag:$0x3], $0x80, s24, s21, $0xb8;
	[tilespmem:$0x15280] =	vst v63  }
0x54: {  	s30 =	sadd.s32 $0x20, s17;
	s31 =	smov.u32 s16;
	_ =	swait.ge [sflag:s20], $0x4000  }
0x55: {  	s4 =	simm.s32 $0x80;
	s0 =	simm.s32 $0x40;
	[sflag:s20] =	ssyncset.done $0x0  }
.LBB2_2:
0x56: {  	s6 =	sadd.s32 $0xFFFFFFF0, s30  }
0x57: {  	[sflag:s20] =	ssyncadd.s32 $0xFFFFC000;
	s31 =	sadd.s32 $0x200, s31;
	s8 =	smov.u32 s4  }
0x58: {  	[tilespmem:s23], [sflag:$0x3] =	stream.linear.gather [hbm4b:s6+s2], $0x80, $0x38;
	[tilespmem:$0x15280] =	vst v63  }
0x59: {  	p1 =	sne.s32 s4, $0x1340;
	s4 =	sadd.s32 $0x40, s4;
	_ =	swait.ge [sflag:s20], $0x80  }
0x5a: {  	[sflag:s20] =	ssyncset.done $0x0  }
0x5b: {  	s6 =	sadd.s32 s0, s18;
	s0 =	smov.u32 s8;
	[sflag:s20] =	ssyncadd.s32 $0xFFFFFF80  }
0x5c: {  	[tilespmem:s24], [sflag:$0x3] =	stream.linear.gather [hbm4b:s6+s2], $0x80, $0x38;
	[tilespmem:$0x15280] =	vst v63  }
0x5d: {  	_ =	swait.ge [sflag:s20], $0x80  }
0x5e: {  	[sflag:s20] =	ssyncset.done $0x0  }
0x5f: {  	[sflag:s20] =	ssyncadd.s32 $0xFFFFFF80  }
0x60: {  	[tilespmem:s25], [sflag:$0x2] =	stream.indirect.gather [hbm4b:s5+s21], $0x80, s23, s21, $0xb8;
	[tilespmem:$0x15280] =	vst v63  }
0x61: {  	_ =	swait.ge [sflag:s26], $0x4000  }
0x62: {  	[sflag:s26] =	ssyncset.done $0x0  }
0x63: {  	[sflag:s26] =	ssyncadd.s32 $0xFFFFC000  }
0x64: {  	[spmem:s1] =	stream.indirect.scatter.add.f32 [tilespmem:s22], [sflag:$0x3], $0x80, s21, s21, $0xb8;
	[tilespmem:$0x15280] =	vst v63  }
0x65: {  	_ =	swait.ge [sflag:s20], $0x4000  }
0x66: {  	[sflag:s20] =	ssyncset.done $0x0  }
0x67: {  	[sflag:s20] =	ssyncadd.s32 $0xFFFFC000  }
0x68: {  	[tilespmem:s2], [sflag:$0x3] =	stream.linear.gather [hbm4b:s30+s2], $0x80, $0x38;
	[tilespmem:$0x15280] =	vst v63  }
0x69: {  	_ =	swait.ge [sflag:s20], $0x80  }
0x6a: {  	s6 =	sshrl.u32 s31, $0x3;
	[sflag:s20] =	ssyncset.done $0x0  }
0x6b: {  	s6 =	sadd.s32 s3, s6;
	[sflag:s20] =	ssyncadd.s32 $0xFFFFFF80  }
0x6c: {  	[tilespmem:s21], [sflag:$0x3] =	stream.linear.gather [hbm4b:s6+s2], $0x80, $0x38;
	[tilespmem:$0x15280] =	vst v63  }
0x6d: {  	_ =	swait.ge [sflag:s20], $0x80  }
0x6e: {  	[sflag:s20] =	ssyncset.done $0x0  }
0x6f: {  	[sflag:s20] =	ssyncadd.s32 $0xFFFFFF80  }
0x70: {  	[tilespmem:s22], [sflag:$0x1] =	stream.indirect.gather [hbm4b:s5+s21], $0x80, s2, s21, $0xb8;
	[tilespmem:$0x15280] =	vst v63  }
0x71: {  	_ =	swait.ge [sflag:s28], $0x4000  }
.Ltmp0:
0x72: {  	[sflag:s28] =	ssyncset.done $0x0;
	(pc) =	sbr.rel @p1 .LBB2_2-.Ltmp0, $4  }
0x73: {  	[sflag:s28] =	ssyncadd.s32 $0xFFFFC000  }
0x74: {  	[spmem:s1] =	stream.indirect.scatter.add.f32 [tilespmem:s25], [sflag:$0x3], $0x80, s24, s21, $0xb8;
	[tilespmem:$0x15280] =	vst v63  }
0x75: {  	_ =	swait.ge [sflag:s20], $0x4000  }
0x76: {  	s30 =	sadd.s32 $0x20, s30;
	[sflag:s20] =	ssyncset.done $0x0  }
0x77: {  	s4 =	sadd.s32 $0xFFFFFFF0, s30;
	[sflag:s20] =	ssyncadd.s32 $0xFFFFC000  }
0x78: {  	[tilespmem:s23], [sflag:$0x3] =	stream.linear.gather [hbm4b:s4+s2], $0x80, $0x38;
	[tilespmem:$0x15280] =	vst v63  }
0x79: {  	_ =	swait.ge [sflag:s20], $0x80  }
0x7a: {  	[sflag:s20] =	ssyncset.done $0x0  }
0x7b: {  	s0 =	sadd.s32 s0, s18;
	[sflag:s20] =	ssyncadd.s32 $0xFFFFFF80  }
0x7c: {  	[tilespmem:s24], [sflag:$0x3] =	stream.linear.gather [hbm4b:s0+s2], $0x80, $0x38;
	[tilespmem:$0x15280] =	vst v63  }
0x7d: {  	_ =	swait.ge [sflag:s20], $0x80  }
0x7e: {  	[sflag:s20] =	ssyncset.done $0x0  }
0x7f: {  	[sflag:s20] =	ssyncadd.s32 $0xFFFFFF80  }
0x80: {  	[tilespmem:s25], [sflag:$0x2] =	stream.indirect.gather [hbm4b:s5+s21], $0x80, s23, s21, $0xb8;
	[tilespmem:$0x15280] =	vst v63  }
0x81: {  	_ =	swait.ge [sflag:s26], $0x4000  }
0x82: {  	[sflag:s26] =	ssyncset.done $0x0  }
0x83: {  	[sflag:s26] =	ssyncadd.s32 $0xFFFFC000  }
0x84: {  	[spmem:s1] =	stream.indirect.scatter.add.f32 [tilespmem:s22], [sflag:$0x3], $0x80, s21, s21, $0xb8;
	[tilespmem:$0x15280] =	vst v63  }
0x85: {  	_ =	swait.ge [sflag:s20], $0x4000  }
0x86: {  	[sflag:s20] =	ssyncset.done $0x0  }
0x87: {  	[sflag:s20] =	ssyncadd.s32 $0xFFFFC000  }
0x88: {  	[tilespmem:s2], [sflag:$0x3] =	stream.linear.gather [hbm4b:s30+s2], $0x80, $0x38;
	[tilespmem:$0x15280] =	vst v63  }
0x89: {  	s8 =	sadd.s32 $0x200, s31;
	_ =	swait.ge [sflag:s20], $0x80  }
0x8a: {  	s0 =	sshrl.u32 s8, $0x3;
	[sflag:s20] =	ssyncset.done $0x0  }
0x8b: {  	s0 =	sadd.s32 s3, s0;
	[sflag:s20] =	ssyncadd.s32 $0xFFFFFF80  }
0x8c: {  	[tilespmem:s21], [sflag:$0x3] =	stream.linear.gather [hbm4b:s0+s2], $0x80, $0x38;
	[tilespmem:$0x15280] =	vst v63  }
0x8d: {  	_ =	swait.ge [sflag:s20], $0x80  }
0x8e: {  	[sflag:s20] =	ssyncset.done $0x0  }
0x8f: {  	[sflag:s20] =	ssyncadd.s32 $0xFFFFFF80  }
0x90: {  	[tilespmem:s22], [sflag:$0x1] =	stream.indirect.gather [hbm4b:s5+s21], $0x80, s2, s21, $0xb8;
	[tilespmem:$0x15280] =	vst v63  }
0x91: {  	_ =	swait.ge [sflag:s28], $0x4000  }
0x92: {  	[sflag:s28] =	ssyncset.done $0x0  }
0x93: {  	[sflag:s28] =	ssyncadd.s32 $0xFFFFC000  }
0x94: {  	[spmem:s1] =	stream.indirect.scatter.add.f32 [tilespmem:s25], [sflag:$0x3], $0x80, s24, s21, $0xb8;
	[tilespmem:$0x15280] =	vst v63  }
0x95: {  	_ =	swait.ge [sflag:s20], $0x4000  }
0x96: {  	[sflag:s20] =	ssyncset.done $0x0  }
0x97: {  	[sflag:s20] =	ssyncadd.s32 $0xFFFFC000  }
0x98: {  	_ =	swait.ge [sflag:s26], $0x4000  }
0x99: {  	[sflag:s26] =	ssyncset.done $0x0  }
0x9a: {  	[sflag:s26] =	ssyncadd.s32 $0xFFFFC000  }
0x9b: {  	[spmem:s1] =	stream.indirect.scatter.add.f32 [tilespmem:s22], [sflag:$0x3], $0x80, s21, s21, $0xb8;
	[tilespmem:$0x15280] =	vst v63  }
0x9c: {  	_ =	swait.ge [sflag:s20], $0x4000  }
0x9d: {  	s30 =	stileid.u32;
	[sflag:s20] =	ssyncset.done $0x0  }
0x9e: {  	s0 =	sshll.u32 s30, $0x6;
	[sflag:s20] =	ssyncadd.s32 $0xFFFFC000  }
0x9f: {  	s31 =	sshrl.u32 s7, $0x3;
	s0 =	sor.u32 $0x1C03, s0;
	[bflag:$0x0] =	sbarrier.arrive $0xFFFF  }
0xa0: {  	[hbm:s13], [sflag:s0] =	dma.local [spmem:s31], $0x1380  }
0xa1: {  	_ =	swait.ge [sflag:s20], $0x1380  }
0xa2: {  	s29 =	sadd.s32 $0x1, s29;
	[sflag:s20] =	ssyncset.done $0x0  }
0xa3: {  	s4 =	sshrl.u32 @!p0 s10, $0x3;
	p1 =	sne.s32 s29, s15;
	[sflag:s20] =	ssyncadd.s32 $0xFFFFEC80  }
0xa4: {  	[hbm:s14], [sflag:s0] =	dma.local @!p0 [spmem:s4], $0x100  }
.Ltmp1:
0xa5: {  	_ = 	snop;
	(pc) =	sbr.rel @p1 .LBB2_1-.Ltmp1, $4  }
0xa6: {  	s0 =	simm.s32 @!p0 $0x3  }
0xa7: {  	_ =	swait.ge @!p0 [sflag:s0], $0x100  }
0xa8: {  	[sflag:s0] =	ssyncset.done @!p0 $0x0  }
0xa9: {  	[sflag:s0] =	ssyncadd.s32 @!p0 $0xFFFFFF00  }
0xaa: {  	_ =	sfence.sel $0x180000  }
0xab: {  	[bflag:$0x0] =	sbarrier.arrive $0xFFFF  }
0xac: {  	_ =	strace $0x90000050  }
0xad: {  	[bflag:$0x2] =	sbarrier.arrive $0xFFFF  }
0xae: {  	s0 =	rddreg [dreg:$0x2]  }
0xaf: {  	s0 =	sadd.s32 @!p0 $0x100000, s0  }
0xb0: {  	[sflag:s0] =	ssyncadd.tile.s32 @!p0 $0x1;
	_ =	shalt  }
.Lfunc_end2:
_tile_overlayer_lowered:
.L_overlay_start_2:
0xb1: {  	(tag) =	ssettag $0x2  }
0xb2: {  	s0 =	rddreg [dreg:$0x0];
	s2 =	stileid.u32  }
0xb3: {  	s1 =	rddreg [dreg:$0x1];
	p0 =	sne.s32 s2, $0x0  }
0xb4: {  	s3 =	rddreg [dreg:$0x2];
	[bflag:$0x3] =	sbarrier.arrive $0xFFFF;
	s2 =	simm.s32 @!p0 $0x1C03  }
0xb5: {  	[timem:s3], [sflag:s2] =	dma.local @!p0 [hbm:s0], s1  }
0xb6: {  	s0 =	simm.s32 @!p0 $0x3  }
0xb7: {  	_ =	swait.ge @!p0 [sflag:s0], s1  }
0xb8: {  	s1 =	ssub.s32 @!p0 $0x0, s1;
	[sflag:s0] =	ssyncset.done @!p0 $0x0  }
0xb9: {  	[sflag:s0] =	ssyncadd.s32 @!p0 s1  }
0xba: {  	[bflag:$0x3] =	sbarrier.arrive $0xFFFF  }
0xbb: {  	_ =	shalt  }

</sc_bundles>
